<compile_context>
chip_gen: v7x
topology: tpu7x:2x2x1
jax: 0.10.2.dev20260603
libtpu: 0.0.44.dev20260713+nightly
codegen_flags: <defaults>
</compile_context>

<pallas_src>
import functools

import jax
import jax.numpy as jnp
from jax import lax
from jax.experimental import pallas as pl
from jax.experimental.pallas import tpu as pltpu
from jax.experimental.pallas import tpu_sc as plsc

N = 10000
E = 320000
HID = 128
IN_DIM = 1024
EPS = 1e-7

LANES = 128
NSUB = 16
NCORE = 2
ROWS = -(-E // LANES)
TPC = 8 * (-(-ROWS // (NSUB * 8)))
ROWS_P = TPC * NSUB
ZPT = 8 * (-(-(N // NSUB + 1) // 8))
ACC_ROWS = ZPT * NSUB



S_CH = 32


def _sc_agg(tab_hbm, src_hbm, dst_hbm, zero_hbm, out_hbm,
            src_v, dst_v, rows_a, rows_b, acc_sh,
            gsem_a, gsem_b, ssem_a, ssem_b):
    c = lax.axis_index("c")
    s = lax.axis_index("s")
    pltpu.sync_copy(zero_hbm.at[pl.ds(s * ZPT, ZPT)],
                    acc_sh.at[pl.ds(s * ZPT, ZPT)])
    plsc.subcore_barrier()

    def gather_chunk(j, buf, sem):
        def row(j2, _):
            pltpu.async_copy(tab_hbm.at[src_v.at[j, pl.ds(j2, 1)]],
                             buf.at[pl.ds(j2, 1)], sem)
            return 0

        lax.fori_loop(0, LANES, row, 0, unroll=8)

    def drain_chunk(j, buf, sem):
        pltpu.make_async_copy(tab_hbm.at[src_v.at[j]], buf, sem).wait()

    def stage(st, _):
        base = s * TPC + st * S_CH
        pltpu.sync_copy(src_hbm.at[c, pl.ds(base, S_CH)], src_v)
        pltpu.sync_copy(dst_hbm.at[pl.ds(base, S_CH)], dst_v)
        gather_chunk(0, rows_a, gsem_a)

        def pair(k, _):
            j0 = 2 * k
            gather_chunk(j0 + 1, rows_b, gsem_b)
            drain_chunk(j0, rows_a, gsem_a)
            sa = pltpu.async_copy(rows_a, acc_sh.at[dst_v.at[j0]], ssem_a,
                                  add=True)
            drain_chunk(j0 + 1, rows_b, gsem_b)
            sb = pltpu.async_copy(rows_b, acc_sh.at[dst_v.at[j0 + 1]],
                                  ssem_b, add=True)
            sa.wait()

            @pl.when(k + 1 < S_CH // 2)
            def _():
                gather_chunk(j0 + 2, rows_a, gsem_a)

            sb.wait()
            return 0

        lax.fori_loop(0, S_CH // 2, pair, 0)
        return 0

    lax.fori_loop(0, TPC // S_CH, stage, 0)
    plsc.subcore_barrier()
    pltpu.sync_copy(acc_sh.at[pl.ds(s * ZPT, ZPT)],
                    out_hbm.at[c, pl.ds(s * ZPT, ZPT)])


@functools.cache
def _sc_agg_call():
    return pl.kernel(
        _sc_agg,
        out_type=jax.ShapeDtypeStruct((NCORE, ACC_ROWS, HID), jnp.float32),
        mesh=plsc.VectorSubcoreMesh(core_axis_name="c", subcore_axis_name="s",
                                    num_cores=NCORE, num_subcores=NSUB),
        scratch_types=[
            pltpu.VMEM((S_CH, LANES), jnp.int32),
            pltpu.VMEM((S_CH, LANES), jnp.int32),
            pltpu.VMEM((LANES, HID), jnp.float32),
            pltpu.VMEM((LANES, HID), jnp.float32),
            pltpu.VMEM_SHARED((ACC_ROWS, HID), jnp.float32),
            pltpu.SemaphoreType.DMA,
            pltpu.SemaphoreType.DMA,
            pltpu.SemaphoreType.DMA,
            pltpu.SemaphoreType.DMA,
        ],
    )



BN = 1000


def _table(x, t):
    m = jnp.maximum(x, 0.0) + EPS
    u = jnp.exp(m * t)
    return u, u * m


def _fc_kernel(x_ref, w_ref, b_ref, t_ref, x0_ref, tab_ref):
    h = jnp.dot(x_ref[...], w_ref[...], preferred_element_type=jnp.float32)
    x0 = jnp.maximum(h + b_ref[...], 0.0)
    x0_ref[...] = x0
    u, g = _table(x0, t_ref[0, 0])
    tab_ref[0] = u
    tab_ref[1] = g


def _layer_norm(h, g, b, eps=1e-5):
    mu = jnp.mean(h, axis=-1, keepdims=True)
    var = jnp.mean((h - mu) ** 2, axis=-1, keepdims=True)
    return (h - mu) * lax.rsqrt(var + eps) * g + b


def _mlp_kernel(has_res, has_tab,
                x_ref, den_ref, num_ref, w1_ref, b1_ref, g1_ref, be1_ref,
                w2_ref, b2_ref, lng_ref, lnb_ref, t_ref, xn_ref, tab_ref):
    x = x_ref[...]
    den = den_ref[0]
    num = num_ref[0]
    agg = jnp.where(den > 0.0, num / den, 0.0) + x
    h = jnp.dot(agg, w1_ref[...], preferred_element_type=jnp.float32)
    h = _layer_norm(h + b1_ref[...], g1_ref[...], be1_ref[...])
    h = jnp.maximum(h, 0.0)
    y = jnp.dot(h, w2_ref[...], preferred_element_type=jnp.float32)
    y = y + b2_ref[...]
    if has_res:
        y = x + jnp.maximum(_layer_norm(y, lng_ref[...], lnb_ref[...]), 0.0)
    xn_ref[...] = y
    if has_tab:
        u, g = _table(y, t_ref[0, 0])
        tab_ref[0] = u
        tab_ref[1] = g


def _row_spec(shape1):
    return pl.BlockSpec((BN,) + shape1, lambda i: (i,) + (0,) * len(shape1))


def _full_spec(shape):
    return pl.BlockSpec(shape, lambda i: (0,) * len(shape))


def _sum_spec(part):
    return pl.BlockSpec((1, BN, HID), lambda i, p=part: (p, i, 0))


def _fc_call(x, w, b, t):
    grid = N // BN
    return pl.pallas_call(
        _fc_kernel,
        grid=(grid,),
        in_specs=[
            _row_spec((IN_DIM,)),
            _full_spec((IN_DIM, HID)),
            _full_spec((1, HID)),
            _full_spec((1, 1)),
        ],
        out_specs=[
            _row_spec((HID,)),
            pl.BlockSpec((NCORE, BN, HID), lambda i: (0, i, 0)),
        ],
        out_shape=[
            jax.ShapeDtypeStruct((N, HID), jnp.float32),
            jax.ShapeDtypeStruct((NCORE, N, HID), jnp.float32),
        ],
    )(x, w, b.reshape(1, HID), t.reshape(1, 1))


def _mlp_call(x, sums, p, t_next, has_res):
    grid = N // BN
    has_tab = t_next is not None
    kern = functools.partial(_mlp_kernel, has_res, has_tab)
    out_specs = [_row_spec((HID,))]
    out_shape = [jax.ShapeDtypeStruct((N, HID), jnp.float32)]
    if has_tab:
        out_specs.append(pl.BlockSpec((NCORE, BN, HID), lambda i: (0, i, 0)))
        out_shape.append(jax.ShapeDtypeStruct((NCORE, N, HID), jnp.float32))
        t_in = t_next.reshape(1, 1)
    else:
        out_specs.append(_row_spec((HID,)))
        out_shape.append(jax.ShapeDtypeStruct((N, HID), jnp.float32))
        t_in = jnp.zeros((1, 1), jnp.float32)
    res = pl.pallas_call(
        kern,
        grid=(grid,),
        in_specs=[
            _row_spec((HID,)),
            _sum_spec(0),
            _sum_spec(1),
            _full_spec((HID, 2 * HID)),
            _full_spec((1, 2 * HID)),
            _full_spec((1, 2 * HID)),
            _full_spec((1, 2 * HID)),
            _full_spec((2 * HID, HID)),
            _full_spec((1, HID)),
            _full_spec((1, HID)),
            _full_spec((1, HID)),
            _full_spec((1, 1)),
        ],
        out_specs=out_specs,
        out_shape=out_shape,
    )(x, sums, sums,
      p["W1"], p["b1"].reshape(1, -1), p["g1"].reshape(1, -1),
      p["be1"].reshape(1, -1), p["W2"], p["b2"].reshape(1, -1),
      p["lng"].reshape(1, -1), p["lnb"].reshape(1, -1), t_in)
    if has_tab:
        return res[0], res[1]
    return res[0], None



def kernel(x, edge_index, params):
    src = edge_index[0]
    dst = edge_index[1]
    pad = ROWS_P * LANES - E
    src_p = jnp.concatenate([src, jnp.zeros((pad,), jnp.int32)])
    dst_p = jnp.concatenate([dst, jnp.full((pad,), N, jnp.int32)])
    src2 = jnp.stack([src_p, src_p + N]).reshape(NCORE, ROWS_P, LANES)
    dst2 = dst_p.reshape(ROWS_P, LANES)
    zeros = jnp.zeros((ACC_ROWS, HID), jnp.float32)

    layers = params["layers"]
    x0, tab = _fc_call(x, params["W_fc"], params["b_fc"], layers[0]["t"])
    outs = [x0]
    xc = x0
    for li, p in enumerate(layers):
        sums = _sc_agg_call()(tab.reshape(NCORE * N, HID), src2, dst2, zeros)
        sums = sums[:, :N, :]
        t_next = layers[li + 1]["t"] if li + 1 < len(layers) else None
        xc, tab = _mlp_call(xc, sums, p, t_next, has_res=(li > 0))
        outs.append(xc)
    return jnp.concatenate(outs, axis=1), edge_index

# --- scband reference (transcript-rebuilt; emitter-appended) ---
"""Pipeline reference for scband-tissue-gcn-cls-3624952398638 (READ-ONLY COPY).

The authoritative reference and input builder live on the scoring server;
editing this copy changes nothing except your own understanding.
"""

import jax, jax.numpy as jnp
import numpy as np

N = 10000
E = 320000
HID = 128
IN_DIM = 1024
EPS = 1e-7

def _layer_norm(h, g, b, eps=1e-5):
    mu = jnp.mean(h, axis=-1, keepdims=True)
    var = jnp.var(h, axis=-1, keepdims=True)
    return (h - mu) * jax.lax.rsqrt(var + eps) * g + b

def _gen_conv(x, src, dst, p):
    # GENConv: message = relu(x_j) + eps; softmax aggregation with temperature t; residual; 2-layer MLP w/ LayerNorm
    msg = jax.nn.relu(x[src]) + EPS
    alpha = msg * p["t"]
    mx = jax.ops.segment_max(alpha, dst, num_segments=N)
    mx = jnp.where(jnp.isfinite(mx), mx, 0.0)
    ex = jnp.exp(alpha - mx[dst])
    den = jax.ops.segment_sum(ex, dst, num_segments=N)
    w = ex / den[dst]
    out = jax.ops.segment_sum(msg * w, dst, num_segments=N) + x
    h = out @ p["W1"] + p["b1"]
    h = _layer_norm(h, p["g1"], p["be1"])
    h = jax.nn.relu(h)
    return h @ p["W2"] + p["b2"]

def _forward(x_in, src, dst, params):
    x = jax.nn.relu(x_in @ params["W_fc"] + params["b_fc"])
    outs = [x]
    # layer 0: conv only (module calls layers[0].conv directly, no norm/act/residual)
    x = _gen_conv(x, src, dst, params["layers"][0])
    outs.append(x)
    # layers 1..2: full DeepGCNLayer block='res': x = x + relu(layernorm(conv(x)))
    for p in params["layers"][1:]:
        h = _gen_conv(x, src, dst, p)
        h = jax.nn.relu(_layer_norm(h, p["lng"], p["lnb"]))
        x = x + h
        outs.append(x)
    return jnp.concatenate(outs, axis=1)

def setup_inputs(seed: int = 0):
    key = jax.random.key(seed)
    ks = iter(jax.random.split(key, 16))
    def nrm(shape, scale):
        return jax.random.normal(next(ks), shape, dtype=jnp.float32) * scale
    x = jax.random.normal(next(ks), (N, IN_DIM), dtype=jnp.float32)
    edge_index = jax.random.randint(next(ks), (2, E), 0, N, dtype=jnp.int32)
    layers = []
    for i in range(3):
        layers.append({
            "t": jnp.ones((), jnp.float32),
            "W1": nrm((HID, 2 * HID), 1.0 / np.sqrt(HID)),
            "b1": jnp.zeros((2 * HID,), jnp.float32),
            "g1": jnp.ones((2 * HID,), jnp.float32),
            "be1": jnp.zeros((2 * HID,), jnp.float32),
            "W2": nrm((2 * HID, HID), 1.0 / np.sqrt(2 * HID)),
            "b2": jnp.zeros((HID,), jnp.float32),
            "lng": jnp.ones((HID,), jnp.float32),
            "lnb": jnp.zeros((HID,), jnp.float32),
        })
    params = {"W_fc": nrm((IN_DIM, HID), 1.0 / np.sqrt(IN_DIM)), "b_fc": jnp.zeros((HID,), jnp.float32), "layers": layers}
    return {"x": x, "edge_index": edge_index, "params": params}

def reference(x, edge_index, params):
    src = edge_index[0]
    dst = edge_index[1]
    out = _forward(x, src, dst, params)
    return (out, edge_index)

if __name__ == "__main__":
    import jax
    _d = setup_inputs()
    print(jax.jit(kernel)(*tuple(_d.values())))

</pallas_src>

<mosaic_0001>
#map = affine_map<(d0, d1) -> (0, 0)>
#map1 = affine_map<(d0, d1) -> (0, 0, 0)>
module attributes {stable_mosaic.version = 14 : i64} {
  func.func @_sc_agg(%arg0: i32, %arg1: i32, %arg2: memref<20000x128xf32, #tpu.memory_space<hbm>>, %arg3: memref<2x2560x128xi32, #tpu.memory_space<hbm>>, %arg4: memref<2560x128xi32, #tpu.memory_space<hbm>>, %arg5: memref<10112x128xf32, #tpu.memory_space<hbm>>, %arg6: memref<2x10112x128xf32, #tpu.memory_space<hbm>>, %arg7: memref<32x128xi32, #tpu.memory_space<vmem>>, %arg8: memref<32x128xi32, #tpu.memory_space<vmem>>, %arg9: memref<128x128xf32, #tpu.memory_space<vmem>>, %arg10: memref<128x128xf32, #tpu.memory_space<vmem>>, %arg11: memref<10112x128xf32, #tpu.memory_space<vmem_shared>>, %arg12: memref<!tpu.dma_semaphore, #tpu.memory_space<semaphore_mem>>, %arg13: memref<!tpu.dma_semaphore, #tpu.memory_space<semaphore_mem>>, %arg14: memref<!tpu.dma_semaphore, #tpu.memory_space<semaphore_mem>>, %arg15: memref<!tpu.dma_semaphore, #tpu.memory_space<semaphore_mem>>) attributes {dimension_semantics = [#tpu.dimension_semantics<core_parallel>, #tpu.dimension_semantics<subcore_parallel>], iteration_bounds = array<i64: 2, 16>, scalar_prefetch = 0 : i64, scratch_operands = 9 : i64, tpu.core_type = #tpu.core_type<sc_vector_subcore>, window_params = [{transform_indices = #map}, {transform_indices = #map1}, {transform_indices = #map}, {transform_indices = #map}, {transform_indices = #map1}]} {
    %mul3A = arith.constant 632 : i32
    %mul3A_0 = arith.muli %arg1, %mul3A : i32
    %mul3A_1 = arith.constant 632 : i32
    %mul3A_2 = arith.muli %arg1, %mul3A_1 : i32
    "tpu.region"() ({
      %run_scoped3A = tpu.sem_alloc : memref<!tpu.dma_semaphore, #tpu.memory_space<semaphore_mem>>
      %dma_start3A = arith.constant 0 : i32
      %dma_start3A_14 = tpu.memref_slice %arg11[%mul3A_2, %dma_start3A] : memref<10112x128xf32, #tpu.memory_space<vmem_shared>> -> memref<632x128xf32, #tpu.memory_space<vmem_shared>>
      %dma_start3A_15 = arith.constant 0 : i32
      %dma_start3A_16 = tpu.memref_slice %arg5[%mul3A_0, %dma_start3A_15] : memref<10112x128xf32, #tpu.memory_space<hbm>> -> memref<632x128xf32, #tpu.memory_space<hbm>>
      tpu.enqueue_dma source(%dma_start3A_16 : memref<632x128xf32, #tpu.memory_space<hbm>>) target(%dma_start3A_14 : memref<632x128xf32, #tpu.memory_space<vmem_shared>>) target_semaphore(%run_scoped3A : memref<!tpu.dma_semaphore, #tpu.memory_space<semaphore_mem>>)
      %dma_wait3A = arith.constant 0 : i32
      %dma_wait3A_17 = tpu.memref_slice %arg11[%mul3A_2, %dma_wait3A] : memref<10112x128xf32, #tpu.memory_space<vmem_shared>> -> memref<632x128xf32, #tpu.memory_space<vmem_shared>>
      %dma_wait3A_18 = arith.constant 0 : i32
      %dma_wait3A_19 = tpu.memref_slice %arg5[%mul3A_0, %dma_wait3A_18] : memref<10112x128xf32, #tpu.memory_space<hbm>> -> memref<632x128xf32, #tpu.memory_space<hbm>>
      tpu.wait_dma2 semaphore(%run_scoped3A : memref<!tpu.dma_semaphore, #tpu.memory_space<semaphore_mem>>) src(%dma_wait3A_19 : memref<632x128xf32, #tpu.memory_space<hbm>>) dst(%dma_wait3A_17 : memref<632x128xf32, #tpu.memory_space<vmem_shared>>)
      tpu.yield
    }) : () -> ()
    %barrier3A = arith.constant 0 : index
    tpu.barrier barrier_id(%barrier3A)
    %scan3A = arith.constant 0 : i32
    %scan3A_3 = arith.constant 0 : i32
    %scan3A_4 = arith.constant 5 : i32
    %scan3A_5 = arith.addi %scan3A_3, %scan3A_4 : i32
    %scan3A_6 = arith.constant 1 : i32
    %scan3A_7 = scf.for %scan3A_14 = %scan3A_3 to %scan3A_5 step %scan3A_6 iter_args(%scan3A_15 = %scan3A) -> (i32)  : i32 {
      %mul3A_16 = arith.constant 160 : i32
      %mul3A_17 = arith.muli %arg1, %mul3A_16 : i32
      %mul3A_18 = arith.constant 32 : i32
      %mul3A_19 = arith.muli %scan3A_14, %mul3A_18 : i32
      %add3A = arith.addi %mul3A_17, %mul3A_19 : i32
      "tpu.region"() ({
        %run_scoped3A = tpu.sem_alloc : memref<!tpu.dma_semaphore, #tpu.memory_space<semaphore_mem>>
        %dma_start3A = arith.constant 0 : i32
        %dma_start3A_35 = tpu.memref_slice %arg3[%arg0, %add3A, %dma_start3A] : memref<2x2560x128xi32, #tpu.memory_space<hbm>> -> memref<1x32x128xi32, #tpu.memory_space<hbm>>
        %dma_start3A_36 = tpu.memref_squeeze %dma_start3A_35 : memref<1x32x128xi32, #tpu.memory_space<hbm>> -> memref<32x128xi32, #tpu.memory_space<hbm>>
        %dma_start3A_37 = arith.constant 0 : i32
        %dma_start3A_38 = tpu.memref_slice %arg3[%arg0, %add3A, %dma_start3A_37] : memref<2x2560x128xi32, #tpu.memory_space<hbm>> -> memref<1x32x128xi32, #tpu.memory_space<hbm>>
        %dma_start3A_39 = tpu.memref_squeeze %dma_start3A_38 : memref<1x32x128xi32, #tpu.memory_space<hbm>> -> memref<32x128xi32, #tpu.memory_space<hbm>>
        tpu.enqueue_dma source(%dma_start3A_39 : memref<32x128xi32, #tpu.memory_space<hbm>>) target(%arg7 : memref<32x128xi32, #tpu.memory_space<vmem>>) target_semaphore(%run_scoped3A : memref<!tpu.dma_semaphore, #tpu.memory_space<semaphore_mem>>)
        %dma_wait3A = arith.constant 0 : i32
        %dma_wait3A_40 = tpu.memref_slice %arg3[%arg0, %add3A, %dma_wait3A] : memref<2x2560x128xi32, #tpu.memory_space<hbm>> -> memref<1x32x128xi32, #tpu.memory_space<hbm>>
        %dma_wait3A_41 = tpu.memref_squeeze %dma_wait3A_40 : memref<1x32x128xi32, #tpu.memory_space<hbm>> -> memref<32x128xi32, #tpu.memory_space<hbm>>
        %dma_wait3A_42 = arith.constant 0 : i32
        %dma_wait3A_43 = tpu.memref_slice %arg3[%arg0, %add3A, %dma_wait3A_42] : memref<2x2560x128xi32, #tpu.memory_space<hbm>> -> memref<1x32x128xi32, #tpu.memory_space<hbm>>
        %dma_wait3A_44 = tpu.memref_squeeze %dma_wait3A_43 : memref<1x32x128xi32, #tpu.memory_space<hbm>> -> memref<32x128xi32, #tpu.memory_space<hbm>>
        tpu.wait_dma2 semaphore(%run_scoped3A : memref<!tpu.dma_semaphore, #tpu.memory_space<semaphore_mem>>) src(%dma_wait3A_44 : memref<32x128xi32, #tpu.memory_space<hbm>>) dst(%arg7 : memref<32x128xi32, #tpu.memory_space<vmem>>)
        tpu.yield
      }) : () -> ()
      "tpu.region"() ({
        %run_scoped3A = tpu.sem_alloc : memref<!tpu.dma_semaphore, #tpu.memory_space<semaphore_mem>>
        %dma_start3A = arith.constant 0 : i32
        %dma_start3A_35 = tpu.memref_slice %arg4[%add3A, %dma_start3A] : memref<2560x128xi32, #tpu.memory_space<hbm>> -> memref<32x128xi32, #tpu.memory_space<hbm>>
        %dma_start3A_36 = arith.constant 0 : i32
        %dma_start3A_37 = tpu.memref_slice %arg4[%add3A, %dma_start3A_36] : memref<2560x128xi32, #tpu.memory_space<hbm>> -> memref<32x128xi32, #tpu.memory_space<hbm>>
        tpu.enqueue_dma source(%dma_start3A_37 : memref<32x128xi32, #tpu.memory_space<hbm>>) target(%arg8 : memref<32x128xi32, #tpu.memory_space<vmem>>) target_semaphore(%run_scoped3A : memref<!tpu.dma_semaphore, #tpu.memory_space<semaphore_mem>>)
        %dma_wait3A = arith.constant 0 : i32
        %dma_wait3A_38 = tpu.memref_slice %arg4[%add3A, %dma_wait3A] : memref<2560x128xi32, #tpu.memory_space<hbm>> -> memref<32x128xi32, #tpu.memory_space<hbm>>
        %dma_wait3A_39 = arith.constant 0 : i32
        %dma_wait3A_40 = tpu.memref_slice %arg4[%add3A, %dma_wait3A_39] : memref<2560x128xi32, #tpu.memory_space<hbm>> -> memref<32x128xi32, #tpu.memory_space<hbm>>
        tpu.wait_dma2 semaphore(%run_scoped3A : memref<!tpu.dma_semaphore, #tpu.memory_space<semaphore_mem>>) src(%dma_wait3A_40 : memref<32x128xi32, #tpu.memory_space<hbm>>) dst(%arg8 : memref<32x128xi32, #tpu.memory_space<vmem>>)
        tpu.yield
      }) : () -> ()
      %scan3A_20 = arith.constant 0 : i32
      %scan3A_21 = arith.constant 0 : i32
      %scan3A_22 = arith.constant 128 : i32
      %scan3A_23 = arith.addi %scan3A_21, %scan3A_22 : i32
      %scan3A_24 = arith.constant 8 : i32
      %scan3A_25 = scf.for %scan3A_35 = %scan3A_21 to %scan3A_23 step %scan3A_24 iter_args(%scan3A_36 = %scan3A_20) -> (i32)  : i32 {
        %dma_start3A = arith.constant 0 : i32
        %dma_start3A_37 = arith.constant 0 : i32
        %dma_start3A_38 = tpu.memref_slice %arg9[%scan3A_35, %dma_start3A_37] : memref<128x128xf32, #tpu.memory_space<vmem>> -> memref<1x128xf32, #tpu.memory_space<vmem>>
        %dma_start3A_39 = tpu.memref_slice %arg7[%dma_start3A, %scan3A_35] : memref<32x128xi32, #tpu.memory_space<vmem>> -> memref<1x1xi32, #tpu.memory_space<vmem>>
        %dma_start3A_40 = tpu.memref_squeeze %dma_start3A_39 : memref<1x1xi32, #tpu.memory_space<vmem>> -> memref<1xi32, #tpu.memory_space<vmem>>
        %dma_start3A_41 = arith.constant 0 : i32
        %dma_start3A_42 = arith.constant 0 : i32
        %dma_start3A_43 = tpu.memref_slice %arg2[%dma_start3A_41, %dma_start3A_42] : memref<20000x128xf32, #tpu.memory_space<hbm>> -> memref<20000x128xf32, #tpu.memory_space<hbm>>
        tpu.enqueue_indirect_dma source(%dma_start3A_43 : memref<20000x128xf32, #tpu.memory_space<hbm>>) target(%dma_start3A_38 : memref<1x128xf32, #tpu.memory_space<vmem>>) offsets(%dma_start3A_40 : memref<1xi32, #tpu.memory_space<vmem>>) semaphore(%arg12 : memref<!tpu.dma_semaphore, #tpu.memory_space<semaphore_mem>>)
        %scan3A_44 = arith.constant 0 : i32
        %scan3A_45 = arith.constant 1 : i32
        %scan3A_46 = arith.addi %scan3A_35, %scan3A_45 : i32
        %dma_start3A_47 = arith.constant 0 : i32
        %dma_start3A_48 = arith.constant 0 : i32
        %dma_start3A_49 = tpu.memref_slice %arg9[%scan3A_46, %dma_start3A_48] : memref<128x128xf32, #tpu.memory_space<vmem>> -> memref<1x128xf32, #tpu.memory_space<vmem>>
        %dma_start3A_50 = tpu.memref_slice %arg7[%dma_start3A_47, %scan3A_46] : memref<32x128xi32, #tpu.memory_space<vmem>> -> memref<1x1xi32, #tpu.memory_space<vmem>>
        %dma_start3A_51 = tpu.memref_squeeze %dma_start3A_50 : memref<1x1xi32, #tpu.memory_space<vmem>> -> memref<1xi32, #tpu.memory_space<vmem>>
        %dma_start3A_52 = arith.constant 0 : i32
        %dma_start3A_53 = arith.constant 0 : i32
        %dma_start3A_54 = tpu.memref_slice %arg2[%dma_start3A_52, %dma_start3A_53] : memref<20000x128xf32, #tpu.memory_space<hbm>> -> memref<20000x128xf32, #tpu.memory_space<hbm>>
        tpu.enqueue_indirect_dma source(%dma_start3A_54 : memref<20000x128xf32, #tpu.memory_space<hbm>>) target(%dma_start3A_49 : memref<1x128xf32, #tpu.memory_space<vmem>>) offsets(%dma_start3A_51 : memref<1xi32, #tpu.memory_space<vmem>>) semaphore(%arg12 : memref<!tpu.dma_semaphore, #tpu.memory_space<semaphore_mem>>)
        %scan3A_55 = arith.constant 0 : i32
        %scan3A_56 = arith.constant 2 : i32
        %scan3A_57 = arith.addi %scan3A_35, %scan3A_56 : i32
        %dma_start3A_58 = arith.constant 0 : i32
        %dma_start3A_59 = arith.constant 0 : i32
        %dma_start3A_60 = tpu.memref_slice %arg9[%scan3A_57, %dma_start3A_59] : memref<128x128xf32, #tpu.memory_space<vmem>> -> memref<1x128xf32, #tpu.memory_space<vmem>>
        %dma_start3A_61 = tpu.memref_slice %arg7[%dma_start3A_58, %scan3A_57] : memref<32x128xi32, #tpu.memory_space<vmem>> -> memref<1x1xi32, #tpu.memory_space<vmem>>
        %dma_start3A_62 = tpu.memref_squeeze %dma_start3A_61 : memref<1x1xi32, #tpu.memory_space<vmem>> -> memref<1xi32, #tpu.memory_space<vmem>>
        %dma_start3A_63 = arith.constant 0 : i32
        %dma_start3A_64 = arith.constant 0 : i32
        %dma_start3A_65 = tpu.memref_slice %arg2[%dma_start3A_63, %dma_start3A_64] : memref<20000x128xf32, #tpu.memory_space<hbm>> -> memref<20000x128xf32, #tpu.memory_space<hbm>>
        tpu.enqueue_indirect_dma source(%dma_start3A_65 : memref<20000x128xf32, #tpu.memory_space<hbm>>) target(%dma_start3A_60 : memref<1x128xf32, #tpu.memory_space<vmem>>) offsets(%dma_start3A_62 : memref<1xi32, #tpu.memory_space<vmem>>) semaphore(%arg12 : memref<!tpu.dma_semaphore, #tpu.memory_space<semaphore_mem>>)
        %scan3A_66 = arith.constant 0 : i32
        %scan3A_67 = arith.constant 3 : i32
        %scan3A_68 = arith.addi %scan3A_35, %scan3A_67 : i32
        %dma_start3A_69 = arith.constant 0 : i32
        %dma_start3A_70 = arith.constant 0 : i32
        %dma_start3A_71 = tpu.memref_slice %arg9[%scan3A_68, %dma_start3A_70] : memref<128x128xf32, #tpu.memory_space<vmem>> -> memref<1x128xf32, #tpu.memory_space<vmem>>
        %dma_start3A_72 = tpu.memref_slice %arg7[%dma_start3A_69, %scan3A_68] : memref<32x128xi32, #tpu.memory_space<vmem>> -> memref<1x1xi32, #tpu.memory_space<vmem>>
        %dma_start3A_73 = tpu.memref_squeeze %dma_start3A_72 : memref<1x1xi32, #tpu.memory_space<vmem>> -> memref<1xi32, #tpu.memory_space<vmem>>
        %dma_start3A_74 = arith.constant 0 : i32
        %dma_start3A_75 = arith.constant 0 : i32
        %dma_start3A_76 = tpu.memref_slice %arg2[%dma_start3A_74, %dma_start3A_75] : memref<20000x128xf32, #tpu.memory_space<hbm>> -> memref<20000x128xf32, #tpu.memory_space<hbm>>
        tpu.enqueue_indirect_dma source(%dma_start3A_76 : memref<20000x128xf32, #tpu.memory_space<hbm>>) target(%dma_start3A_71 : memref<1x128xf32, #tpu.memory_space<vmem>>) offsets(%dma_start3A_73 : memref<1xi32, #tpu.memory_space<vmem>>) semaphore(%arg12 : memref<!tpu.dma_semaphore, #tpu.memory_space<semaphore_mem>>)
        %scan3A_77 = arith.constant 0 : i32
        %scan3A_78 = arith.constant 4 : i32
        %scan3A_79 = arith.addi %scan3A_35, %scan3A_78 : i32
        %dma_start3A_80 = arith.constant 0 : i32
        %dma_start3A_81 = arith.constant 0 : i32
        %dma_start3A_82 = tpu.memref_slice %arg9[%scan3A_79, %dma_start3A_81] : memref<128x128xf32, #tpu.memory_space<vmem>> -> memref<1x128xf32, #tpu.memory_space<vmem>>
        %dma_start3A_83 = tpu.memref_slice %arg7[%dma_start3A_80, %scan3A_79] : memref<32x128xi32, #tpu.memory_space<vmem>> -> memref<1x1xi32, #tpu.memory_space<vmem>>
        %dma_start3A_84 = tpu.memref_squeeze %dma_start3A_83 : memref<1x1xi32, #tpu.memory_space<vmem>> -> memref<1xi32, #tpu.memory_space<vmem>>
        %dma_start3A_85 = arith.constant 0 : i32
        %dma_start3A_86 = arith.constant 0 : i32
        %dma_start3A_87 = tpu.memref_slice %arg2[%dma_start3A_85, %dma_start3A_86] : memref<20000x128xf32, #tpu.memory_space<hbm>> -> memref<20000x128xf32, #tpu.memory_space<hbm>>
        tpu.enqueue_indirect_dma source(%dma_start3A_87 : memref<20000x128xf32, #tpu.memory_space<hbm>>) target(%dma_start3A_82 : memref<1x128xf32, #tpu.memory_space<vmem>>) offsets(%dma_start3A_84 : memref<1xi32, #tpu.memory_space<vmem>>) semaphore(%arg12 : memref<!tpu.dma_semaphore, #tpu.memory_space<semaphore_mem>>)
        %scan3A_88 = arith.constant 0 : i32
        %scan3A_89 = arith.constant 5 : i32
        %scan3A_90 = arith.addi %scan3A_35, %scan3A_89 : i32
        %dma_start3A_91 = arith.constant 0 : i32
        %dma_start3A_92 = arith.constant 0 : i32
        %dma_start3A_93 = tpu.memref_slice %arg9[%scan3A_90, %dma_start3A_92] : memref<128x128xf32, #tpu.memory_space<vmem>> -> memref<1x128xf32, #tpu.memory_space<vmem>>
        %dma_start3A_94 = tpu.memref_slice %arg7[%dma_start3A_91, %scan3A_90] : memref<32x128xi32, #tpu.memory_space<vmem>> -> memref<1x1xi32, #tpu.memory_space<vmem>>
        %dma_start3A_95 = tpu.memref_squeeze %dma_start3A_94 : memref<1x1xi32, #tpu.memory_space<vmem>> -> memref<1xi32, #tpu.memory_space<vmem>>
        %dma_start3A_96 = arith.constant 0 : i32
        %dma_start3A_97 = arith.constant 0 : i32
        %dma_start3A_98 = tpu.memref_slice %arg2[%dma_start3A_96, %dma_start3A_97] : memref<20000x128xf32, #tpu.memory_space<hbm>> -> memref<20000x128xf32, #tpu.memory_space<hbm>>
        tpu.enqueue_indirect_dma source(%dma_start3A_98 : memref<20000x128xf32, #tpu.memory_space<hbm>>) target(%dma_start3A_93 : memref<1x128xf32, #tpu.memory_space<vmem>>) offsets(%dma_start3A_95 : memref<1xi32, #tpu.memory_space<vmem>>) semaphore(%arg12 : memref<!tpu.dma_semaphore, #tpu.memory_space<semaphore_mem>>)
        %scan3A_99 = arith.constant 0 : i32
        %scan3A_100 = arith.constant 6 : i32
        %scan3A_101 = arith.addi %scan3A_35, %scan3A_100 : i32
        %dma_start3A_102 = arith.constant 0 : i32
        %dma_start3A_103 = arith.constant 0 : i32
        %dma_start3A_104 = tpu.memref_slice %arg9[%scan3A_101, %dma_start3A_103] : memref<128x128xf32, #tpu.memory_space<vmem>> -> memref<1x128xf32, #tpu.memory_space<vmem>>
        %dma_start3A_105 = tpu.memref_slice %arg7[%dma_start3A_102, %scan3A_101] : memref<32x128xi32, #tpu.memory_space<vmem>> -> memref<1x1xi32, #tpu.memory_space<vmem>>
        %dma_start3A_106 = tpu.memref_squeeze %dma_start3A_105 : memref<1x1xi32, #tpu.memory_space<vmem>> -> memref<1xi32, #tpu.memory_space<vmem>>
        %dma_start3A_107 = arith.constant 0 : i32
        %dma_start3A_108 = arith.constant 0 : i32
        %dma_start3A_109 = tpu.memref_slice %arg2[%dma_start3A_107, %dma_start3A_108] : memref<20000x128xf32, #tpu.memory_space<hbm>> -> memref<20000x128xf32, #tpu.memory_space<hbm>>
        tpu.enqueue_indirect_dma source(%dma_start3A_109 : memref<20000x128xf32, #tpu.memory_space<hbm>>) target(%dma_start3A_104 : memref<1x128xf32, #tpu.memory_space<vmem>>) offsets(%dma_start3A_106 : memref<1xi32, #tpu.memory_space<vmem>>) semaphore(%arg12 : memref<!tpu.dma_semaphore, #tpu.memory_space<semaphore_mem>>)
        %scan3A_110 = arith.constant 0 : i32
        %scan3A_111 = arith.constant 7 : i32
        %scan3A_112 = arith.addi %scan3A_35, %scan3A_111 : i32
        %dma_start3A_113 = arith.constant 0 : i32
        %dma_start3A_114 = arith.constant 0 : i32
        %dma_start3A_115 = tpu.memref_slice %arg9[%scan3A_112, %dma_start3A_114] : memref<128x128xf32, #tpu.memory_space<vmem>> -> memref<1x128xf32, #tpu.memory_space<vmem>>
        %dma_start3A_116 = tpu.memref_slice %arg7[%dma_start3A_113, %scan3A_112] : memref<32x128xi32, #tpu.memory_space<vmem>> -> memref<1x1xi32, #tpu.memory_space<vmem>>
        %dma_start3A_117 = tpu.memref_squeeze %dma_start3A_116 : memref<1x1xi32, #tpu.memory_space<vmem>> -> memref<1xi32, #tpu.memory_space<vmem>>
        %dma_start3A_118 = arith.constant 0 : i32
        %dma_start3A_119 = arith.constant 0 : i32
        %dma_start3A_120 = tpu.memref_slice %arg2[%dma_start3A_118, %dma_start3A_119] : memref<20000x128xf32, #tpu.memory_space<hbm>> -> memref<20000x128xf32, #tpu.memory_space<hbm>>
        tpu.enqueue_indirect_dma source(%dma_start3A_120 : memref<20000x128xf32, #tpu.memory_space<hbm>>) target(%dma_start3A_115 : memref<1x128xf32, #tpu.memory_space<vmem>>) offsets(%dma_start3A_117 : memref<1xi32, #tpu.memory_space<vmem>>) semaphore(%arg12 : memref<!tpu.dma_semaphore, #tpu.memory_space<semaphore_mem>>)
        %scan3A_121 = arith.constant 0 : i32
        scf.yield %scan3A_121 : i32
      }
      %scan3A_26 = arith.constant 128 : i32
      %scan3A_27 = arith.constant 0 : i32
      %scan3A_28 = arith.constant 0 : i32
      %scan3A_29 = arith.constant 16 : i32
      %scan3A_30 = arith.addi %scan3A_28, %scan3A_29 : i32
      %scan3A_31 = arith.constant 1 : i32
      %scan3A_32 = scf.for %scan3A_35 = %scan3A_28 to %scan3A_30 step %scan3A_31 iter_args(%scan3A_36 = %scan3A_27) -> (i32)  : i32 {
        %mul3A_37 = arith.constant 2 : i32
        %mul3A_38 = arith.muli %mul3A_37, %scan3A_35 : i32
        %add3A_39 = arith.constant 1 : i32
        %add3A_40 = arith.addi %mul3A_38, %add3A_39 : i32
        %scan3A_41 = arith.constant 0 : i32
        %scan3A_42 = arith.constant 0 : i32
        %scan3A_43 = arith.constant 128 : i32
        %scan3A_44 = arith.addi %scan3A_42, %scan3A_43 : i32
        %scan3A_45 = arith.constant 8 : i32
        %scan3A_46 = scf.for %scan3A_91 = %scan3A_42 to %scan3A_44 step %scan3A_45 iter_args(%scan3A_92 = %scan3A_41) -> (i32)  : i32 {
          %dma_start3A_93 = arith.constant 0 : i32
          %dma_start3A_94 = tpu.memref_slice %arg10[%scan3A_91, %dma_start3A_93] : memref<128x128xf32, #tpu.memory_space<vmem>> -> memref<1x128xf32, #tpu.memory_space<vmem>>
          %dma_start3A_95 = tpu.memref_slice %arg7[%add3A_40, %scan3A_91] : memref<32x128xi32, #tpu.memory_space<vmem>> -> memref<1x1xi32, #tpu.memory_space<vmem>>
          %dma_start3A_96 = tpu.memref_squeeze %dma_start3A_95 : memref<1x1xi32, #tpu.memory_space<vmem>> -> memref<1xi32, #tpu.memory_space<vmem>>
          %dma_start3A_97 = arith.constant 0 : i32
          %dma_start3A_98 = arith.constant 0 : i32
          %dma_start3A_99 = tpu.memref_slice %arg2[%dma_start3A_97, %dma_start3A_98] : memref<20000x128xf32, #tpu.memory_space<hbm>> -> memref<20000x128xf32, #tpu.memory_space<hbm>>
          tpu.enqueue_indirect_dma source(%dma_start3A_99 : memref<20000x128xf32, #tpu.memory_space<hbm>>) target(%dma_start3A_94 : memref<1x128xf32, #tpu.memory_space<vmem>>) offsets(%dma_start3A_96 : memref<1xi32, #tpu.memory_space<vmem>>) semaphore(%arg13 : memref<!tpu.dma_semaphore, #tpu.memory_space<semaphore_mem>>)
          %scan3A_100 = arith.constant 0 : i32
          %scan3A_101 = arith.constant 1 : i32
          %scan3A_102 = arith.addi %scan3A_91, %scan3A_101 : i32
          %dma_start3A_103 = arith.constant 0 : i32
          %dma_start3A_104 = tpu.memref_slice %arg10[%scan3A_102, %dma_start3A_103] : memref<128x128xf32, #tpu.memory_space<vmem>> -> memref<1x128xf32, #tpu.memory_space<vmem>>
          %dma_start3A_105 = tpu.memref_slice %arg7[%add3A_40, %scan3A_102] : memref<32x128xi32, #tpu.memory_space<vmem>> -> memref<1x1xi32, #tpu.memory_space<vmem>>
          %dma_start3A_106 = tpu.memref_squeeze %dma_start3A_105 : memref<1x1xi32, #tpu.memory_space<vmem>> -> memref<1xi32, #tpu.memory_space<vmem>>
          %dma_start3A_107 = arith.constant 0 : i32
          %dma_start3A_108 = arith.constant 0 : i32
          %dma_start3A_109 = tpu.memref_slice %arg2[%dma_start3A_107, %dma_start3A_108] : memref<20000x128xf32, #tpu.memory_space<hbm>> -> memref<20000x128xf32, #tpu.memory_space<hbm>>
          tpu.enqueue_indirect_dma source(%dma_start3A_109 : memref<20000x128xf32, #tpu.memory_space<hbm>>) target(%dma_start3A_104 : memref<1x128xf32, #tpu.memory_space<vmem>>) offsets(%dma_start3A_106 : memref<1xi32, #tpu.memory_space<vmem>>) semaphore(%arg13 : memref<!tpu.dma_semaphore, #tpu.memory_space<semaphore_mem>>)
          %scan3A_110 = arith.constant 0 : i32
          %scan3A_111 = arith.constant 2 : i32
          %scan3A_112 = arith.addi %scan3A_91, %scan3A_111 : i32
          %dma_start3A_113 = arith.constant 0 : i32
          %dma_start3A_114 = tpu.memref_slice %arg10[%scan3A_112, %dma_start3A_113] : memref<128x128xf32, #tpu.memory_space<vmem>> -> memref<1x128xf32, #tpu.memory_space<vmem>>
          %dma_start3A_115 = tpu.memref_slice %arg7[%add3A_40, %scan3A_112] : memref<32x128xi32, #tpu.memory_space<vmem>> -> memref<1x1xi32, #tpu.memory_space<vmem>>
          %dma_start3A_116 = tpu.memref_squeeze %dma_start3A_115 : memref<1x1xi32, #tpu.memory_space<vmem>> -> memref<1xi32, #tpu.memory_space<vmem>>
          %dma_start3A_117 = arith.constant 0 : i32
          %dma_start3A_118 = arith.constant 0 : i32
          %dma_start3A_119 = tpu.memref_slice %arg2[%dma_start3A_117, %dma_start3A_118] : memref<20000x128xf32, #tpu.memory_space<hbm>> -> memref<20000x128xf32, #tpu.memory_space<hbm>>
          tpu.enqueue_indirect_dma source(%dma_start3A_119 : memref<20000x128xf32, #tpu.memory_space<hbm>>) target(%dma_start3A_114 : memref<1x128xf32, #tpu.memory_space<vmem>>) offsets(%dma_start3A_116 : memref<1xi32, #tpu.memory_space<vmem>>) semaphore(%arg13 : memref<!tpu.dma_semaphore, #tpu.memory_space<semaphore_mem>>)
          %scan3A_120 = arith.constant 0 : i32
          %scan3A_121 = arith.constant 3 : i32
          %scan3A_122 = arith.addi %scan3A_91, %scan3A_121 : i32
          %dma_start3A_123 = arith.constant 0 : i32
          %dma_start3A_124 = tpu.memref_slice %arg10[%scan3A_122, %dma_start3A_123] : memref<128x128xf32, #tpu.memory_space<vmem>> -> memref<1x128xf32, #tpu.memory_space<vmem>>
          %dma_start3A_125 = tpu.memref_slice %arg7[%add3A_40, %scan3A_122] : memref<32x128xi32, #tpu.memory_space<vmem>> -> memref<1x1xi32, #tpu.memory_space<vmem>>
          %dma_start3A_126 = tpu.memref_squeeze %dma_start3A_125 : memref<1x1xi32, #tpu.memory_space<vmem>> -> memref<1xi32, #tpu.memory_space<vmem>>
          %dma_start3A_127 = arith.constant 0 : i32
          %dma_start3A_128 = arith.constant 0 : i32
          %dma_start3A_129 = tpu.memref_slice %arg2[%dma_start3A_127, %dma_start3A_128] : memref<20000x128xf32, #tpu.memory_space<hbm>> -> memref<20000x128xf32, #tpu.memory_space<hbm>>
          tpu.enqueue_indirect_dma source(%dma_start3A_129 : memref<20000x128xf32, #tpu.memory_space<hbm>>) target(%dma_start3A_124 : memref<1x128xf32, #tpu.memory_space<vmem>>) offsets(%dma_start3A_126 : memref<1xi32, #tpu.memory_space<vmem>>) semaphore(%arg13 : memref<!tpu.dma_semaphore, #tpu.memory_space<semaphore_mem>>)
          %scan3A_130 = arith.constant 0 : i32
          %scan3A_131 = arith.constant 4 : i32
          %scan3A_132 = arith.addi %scan3A_91, %scan3A_131 : i32
          %dma_start3A_133 = arith.constant 0 : i32
          %dma_start3A_134 = tpu.memref_slice %arg10[%scan3A_132, %dma_start3A_133] : memref<128x128xf32, #tpu.memory_space<vmem>> -> memref<1x128xf32, #tpu.memory_space<vmem>>
          %dma_start3A_135 = tpu.memref_slice %arg7[%add3A_40, %scan3A_132] : memref<32x128xi32, #tpu.memory_space<vmem>> -> memref<1x1xi32, #tpu.memory_space<vmem>>
          %dma_start3A_136 = tpu.memref_squeeze %dma_start3A_135 : memref<1x1xi32, #tpu.memory_space<vmem>> -> memref<1xi32, #tpu.memory_space<vmem>>
          %dma_start3A_137 = arith.constant 0 : i32
          %dma_start3A_138 = arith.constant 0 : i32
          %dma_start3A_139 = tpu.memref_slice %arg2[%dma_start3A_137, %dma_start3A_138] : memref<20000x128xf32, #tpu.memory_space<hbm>> -> memref<20000x128xf32, #tpu.memory_space<hbm>>
          tpu.enqueue_indirect_dma source(%dma_start3A_139 : memref<20000x128xf32, #tpu.memory_space<hbm>>) target(%dma_start3A_134 : memref<1x128xf32, #tpu.memory_space<vmem>>) offsets(%dma_start3A_136 : memref<1xi32, #tpu.memory_space<vmem>>) semaphore(%arg13 : memref<!tpu.dma_semaphore, #tpu.memory_space<semaphore_mem>>)
          %scan3A_140 = arith.constant 0 : i32
          %scan3A_141 = arith.constant 5 : i32
          %scan3A_142 = arith.addi %scan3A_91, %scan3A_141 : i32
          %dma_start3A_143 = arith.constant 0 : i32
          %dma_start3A_144 = tpu.memref_slice %arg10[%scan3A_142, %dma_start3A_143] : memref<128x128xf32, #tpu.memory_space<vmem>> -> memref<1x128xf32, #tpu.memory_space<vmem>>
          %dma_start3A_145 = tpu.memref_slice %arg7[%add3A_40, %scan3A_142] : memref<32x128xi32, #tpu.memory_space<vmem>> -> memref<1x1xi32, #tpu.memory_space<vmem>>
          %dma_start3A_146 = tpu.memref_squeeze %dma_start3A_145 : memref<1x1xi32, #tpu.memory_space<vmem>> -> memref<1xi32, #tpu.memory_space<vmem>>
          %dma_start3A_147 = arith.constant 0 : i32
          %dma_start3A_148 = arith.constant 0 : i32
          %dma_start3A_149 = tpu.memref_slice %arg2[%dma_start3A_147, %dma_start3A_148] : memref<20000x128xf32, #tpu.memory_space<hbm>> -> memref<20000x128xf32, #tpu.memory_space<hbm>>
          tpu.enqueue_indirect_dma source(%dma_start3A_149 : memref<20000x128xf32, #tpu.memory_space<hbm>>) target(%dma_start3A_144 : memref<1x128xf32, #tpu.memory_space<vmem>>) offsets(%dma_start3A_146 : memref<1xi32, #tpu.memory_space<vmem>>) semaphore(%arg13 : memref<!tpu.dma_semaphore, #tpu.memory_space<semaphore_mem>>)
          %scan3A_150 = arith.constant 0 : i32
          %scan3A_151 = arith.constant 6 : i32
          %scan3A_152 = arith.addi %scan3A_91, %scan3A_151 : i32
          %dma_start3A_153 = arith.constant 0 : i32
          %dma_start3A_154 = tpu.memref_slice %arg10[%scan3A_152, %dma_start3A_153] : memref<128x128xf32, #tpu.memory_space<vmem>> -> memref<1x128xf32, #tpu.memory_space<vmem>>
          %dma_start3A_155 = tpu.memref_slice %arg7[%add3A_40, %scan3A_152] : memref<32x128xi32, #tpu.memory_space<vmem>> -> memref<1x1xi32, #tpu.memory_space<vmem>>
          %dma_start3A_156 = tpu.memref_squeeze %dma_start3A_155 : memref<1x1xi32, #tpu.memory_space<vmem>> -> memref<1xi32, #tpu.memory_space<vmem>>
          %dma_start3A_157 = arith.constant 0 : i32
          %dma_start3A_158 = arith.constant 0 : i32
          %dma_start3A_159 = tpu.memref_slice %arg2[%dma_start3A_157, %dma_start3A_158] : memref<20000x128xf32, #tpu.memory_space<hbm>> -> memref<20000x128xf32, #tpu.memory_space<hbm>>
          tpu.enqueue_indirect_dma source(%dma_start3A_159 : memref<20000x128xf32, #tpu.memory_space<hbm>>) target(%dma_start3A_154 : memref<1x128xf32, #tpu.memory_space<vmem>>) offsets(%dma_start3A_156 : memref<1xi32, #tpu.memory_space<vmem>>) semaphore(%arg13 : memref<!tpu.dma_semaphore, #tpu.memory_space<semaphore_mem>>)
          %scan3A_160 = arith.constant 0 : i32
          %scan3A_161 = arith.constant 7 : i32
          %scan3A_162 = arith.addi %scan3A_91, %scan3A_161 : i32
          %dma_start3A_163 = arith.constant 0 : i32
          %dma_start3A_164 = tpu.memref_slice %arg10[%scan3A_162, %dma_start3A_163] : memref<128x128xf32, #tpu.memory_space<vmem>> -> memref<1x128xf32, #tpu.memory_space<vmem>>
          %dma_start3A_165 = tpu.memref_slice %arg7[%add3A_40, %scan3A_162] : memref<32x128xi32, #tpu.memory_space<vmem>> -> memref<1x1xi32, #tpu.memory_space<vmem>>
          %dma_start3A_166 = tpu.memref_squeeze %dma_start3A_165 : memref<1x1xi32, #tpu.memory_space<vmem>> -> memref<1xi32, #tpu.memory_space<vmem>>
          %dma_start3A_167 = arith.constant 0 : i32
          %dma_start3A_168 = arith.constant 0 : i32
          %dma_start3A_169 = tpu.memref_slice %arg2[%dma_start3A_167, %dma_start3A_168] : memref<20000x128xf32, #tpu.memory_space<hbm>> -> memref<20000x128xf32, #tpu.memory_space<hbm>>
          tpu.enqueue_indirect_dma source(%dma_start3A_169 : memref<20000x128xf32, #tpu.memory_space<hbm>>) target(%dma_start3A_164 : memref<1x128xf32, #tpu.memory_space<vmem>>) offsets(%dma_start3A_166 : memref<1xi32, #tpu.memory_space<vmem>>) semaphore(%arg13 : memref<!tpu.dma_semaphore, #tpu.memory_space<semaphore_mem>>)
          %scan3A_170 = arith.constant 0 : i32
          scf.yield %scan3A_170 : i32
        }
        %scan3A_47 = arith.constant 128 : i32
        %dma_wait3A = arith.constant 0 : i32
        %dma_wait3A_48 = tpu.memref_slice %arg7[%mul3A_38, %dma_wait3A] : memref<32x128xi32, #tpu.memory_space<vmem>> -> memref<1x128xi32, #tpu.memory_space<vmem>>
        %dma_wait3A_49 = tpu.memref_squeeze %dma_wait3A_48 : memref<1x128xi32, #tpu.memory_space<vmem>> -> memref<128xi32, #tpu.memory_space<vmem>>
        %dma_wait3A_50 = arith.constant 0 : i32
        %dma_wait3A_51 = arith.constant 0 : i32
        %dma_wait3A_52 = tpu.memref_slice %arg2[%dma_wait3A_50, %dma_wait3A_51] : memref<20000x128xf32, #tpu.memory_space<hbm>> -> memref<20000x128xf32, #tpu.memory_space<hbm>>
        tpu.wait_indirect_dma semaphore(%arg12 : memref<!tpu.dma_semaphore, #tpu.memory_space<semaphore_mem>>) src(%dma_wait3A_52 : memref<20000x128xf32, #tpu.memory_space<hbm>>) dst(%arg9 : memref<128x128xf32, #tpu.memory_space<vmem>>)
        %dma_start3A = arith.constant 0 : i32
        %dma_start3A_53 = tpu.memref_slice %arg8[%mul3A_38, %dma_start3A] : memref<32x128xi32, #tpu.memory_space<vmem>> -> memref<1x128xi32, #tpu.memory_space<vmem>>
        %dma_start3A_54 = tpu.memref_squeeze %dma_start3A_53 : memref<1x128xi32, #tpu.memory_space<vmem>> -> memref<128xi32, #tpu.memory_space<vmem>>
        %dma_start3A_55 = arith.constant 0 : i32
        %dma_start3A_56 = arith.constant 0 : i32
        %dma_start3A_57 = tpu.memref_slice %arg11[%dma_start3A_55, %dma_start3A_56] : memref<10112x128xf32, #tpu.memory_space<vmem_shared>> -> memref<10112x128xf32, #tpu.memory_space<vmem_shared>>
        tpu.enqueue_indirect_dma source(%arg9 : memref<128x128xf32, #tpu.memory_space<vmem>>) target(%dma_start3A_57 : memref<10112x128xf32, #tpu.memory_space<vmem_shared>>) offsets(%dma_start3A_54 : memref<128xi32, #tpu.memory_space<vmem>>) semaphore(%arg14 : memref<!tpu.dma_semaphore, #tpu.memory_space<semaphore_mem>>) {add = true}
        %add3A_58 = arith.constant 1 : i32
        %add3A_59 = arith.addi %mul3A_38, %add3A_58 : i32
        %dma_wait3A_60 = arith.constant 0 : i32
        %dma_wait3A_61 = tpu.memref_slice %arg7[%add3A_59, %dma_wait3A_60] : memref<32x128xi32, #tpu.memory_space<vmem>> -> memref<1x128xi32, #tpu.memory_space<vmem>>
        %dma_wait3A_62 = tpu.memref_squeeze %dma_wait3A_61 : memref<1x128xi32, #tpu.memory_space<vmem>> -> memref<128xi32, #tpu.memory_space<vmem>>
        %dma_wait3A_63 = arith.constant 0 : i32
        %dma_wait3A_64 = arith.constant 0 : i32
        %dma_wait3A_65 = tpu.memref_slice %arg2[%dma_wait3A_63, %dma_wait3A_64] : memref<20000x128xf32, #tpu.memory_space<hbm>> -> memref<20000x128xf32, #tpu.memory_space<hbm>>
        tpu.wait_indirect_dma semaphore(%arg13 : memref<!tpu.dma_semaphore, #tpu.memory_space<semaphore_mem>>) src(%dma_wait3A_65 : memref<20000x128xf32, #tpu.memory_space<hbm>>) dst(%arg10 : memref<128x128xf32, #tpu.memory_space<vmem>>)
        %add3A_66 = arith.constant 1 : i32
        %add3A_67 = arith.addi %mul3A_38, %add3A_66 : i32
        %dma_start3A_68 = arith.constant 0 : i32
        %dma_start3A_69 = tpu.memref_slice %arg8[%add3A_67, %dma_start3A_68] : memref<32x128xi32, #tpu.memory_space<vmem>> -> memref<1x128xi32, #tpu.memory_space<vmem>>
        %dma_start3A_70 = tpu.memref_squeeze %dma_start3A_69 : memref<1x128xi32, #tpu.memory_space<vmem>> -> memref<128xi32, #tpu.memory_space<vmem>>
        %dma_start3A_71 = arith.constant 0 : i32
        %dma_start3A_72 = arith.constant 0 : i32
        %dma_start3A_73 = tpu.memref_slice %arg11[%dma_start3A_71, %dma_start3A_72] : memref<10112x128xf32, #tpu.memory_space<vmem_shared>> -> memref<10112x128xf32, #tpu.memory_space<vmem_shared>>
        tpu.enqueue_indirect_dma source(%arg10 : memref<128x128xf32, #tpu.memory_space<vmem>>) target(%dma_start3A_73 : memref<10112x128xf32, #tpu.memory_space<vmem_shared>>) offsets(%dma_start3A_70 : memref<128xi32, #tpu.memory_space<vmem>>) semaphore(%arg15 : memref<!tpu.dma_semaphore, #tpu.memory_space<semaphore_mem>>) {add = true}
        %dma_wait3A_74 = arith.constant 0 : i32
        %dma_wait3A_75 = tpu.memref_slice %arg8[%mul3A_38, %dma_wait3A_74] : memref<32x128xi32, #tpu.memory_space<vmem>> -> memref<1x128xi32, #tpu.memory_space<vmem>>
        %dma_wait3A_76 = tpu.memref_squeeze %dma_wait3A_75 : memref<1x128xi32, #tpu.memory_space<vmem>> -> memref<128xi32, #tpu.memory_space<vmem>>
        %dma_wait3A_77 = arith.constant 0 : i32
        %dma_wait3A_78 = arith.constant 0 : i32
        %dma_wait3A_79 = tpu.memref_slice %arg11[%dma_wait3A_77, %dma_wait3A_78] : memref<10112x128xf32, #tpu.memory_space<vmem_shared>> -> memref<10112x128xf32, #tpu.memory_space<vmem_shared>>
        tpu.wait_indirect_dma semaphore(%arg14 : memref<!tpu.dma_semaphore, #tpu.memory_space<semaphore_mem>>) src(%arg9 : memref<128x128xf32, #tpu.memory_space<vmem>>) dst(%dma_wait3A_79 : memref<10112x128xf32, #tpu.memory_space<vmem_shared>>)
        %add3A_80 = arith.constant 1 : i32
        %add3A_81 = arith.addi %scan3A_35, %add3A_80 : i32
        %lt3A = arith.constant 16 : i32
        %lt3A_82 = arith.cmpi slt, %add3A_81, %lt3A : i32
        %convert_element_type3A = arith.extui %lt3A_82 : i1 to i32
        %cond3A = arith.constant 0 : i32
        %cond3A_83 = arith.cmpi ne, %convert_element_type3A, %cond3A : i32
        scf.if %cond3A_83 {
          %add3A_91 = arith.constant 2 : i32
          %add3A_92 = arith.addi %mul3A_38, %add3A_91 : i32
          %scan3A_93 = arith.constant 0 : i32
          %scan3A_94 = arith.constant 0 : i32
          %scan3A_95 = arith.constant 128 : i32
          %scan3A_96 = arith.addi %scan3A_94, %scan3A_95 : i32
          %scan3A_97 = arith.constant 8 : i32
          %scan3A_98 = scf.for %scan3A_100 = %scan3A_94 to %scan3A_96 step %scan3A_97 iter_args(%scan3A_101 = %scan3A_93) -> (i32)  : i32 {
            %dma_start3A_102 = arith.constant 0 : i32
            %dma_start3A_103 = tpu.memref_slice %arg9[%scan3A_100, %dma_start3A_102] : memref<128x128xf32, #tpu.memory_space<vmem>> -> memref<1x128xf32, #tpu.memory_space<vmem>>
            %dma_start3A_104 = tpu.memref_slice %arg7[%add3A_92, %scan3A_100] : memref<32x128xi32, #tpu.memory_space<vmem>> -> memref<1x1xi32, #tpu.memory_space<vmem>>
            %dma_start3A_105 = tpu.memref_squeeze %dma_start3A_104 : memref<1x1xi32, #tpu.memory_space<vmem>> -> memref<1xi32, #tpu.memory_space<vmem>>
            %dma_start3A_106 = arith.constant 0 : i32
            %dma_start3A_107 = arith.constant 0 : i32
            %dma_start3A_108 = tpu.memref_slice %arg2[%dma_start3A_106, %dma_start3A_107] : memref<20000x128xf32, #tpu.memory_space<hbm>> -> memref<20000x128xf32, #tpu.memory_space<hbm>>
            tpu.enqueue_indirect_dma source(%dma_start3A_108 : memref<20000x128xf32, #tpu.memory_space<hbm>>) target(%dma_start3A_103 : memref<1x128xf32, #tpu.memory_space<vmem>>) offsets(%dma_start3A_105 : memref<1xi32, #tpu.memory_space<vmem>>) semaphore(%arg12 : memref<!tpu.dma_semaphore, #tpu.memory_space<semaphore_mem>>)
            %scan3A_109 = arith.constant 0 : i32
            %scan3A_110 = arith.constant 1 : i32
            %scan3A_111 = arith.addi %scan3A_100, %scan3A_110 : i32
            %dma_start3A_112 = arith.constant 0 : i32
            %dma_start3A_113 = tpu.memref_slice %arg9[%scan3A_111, %dma_start3A_112] : memref<128x128xf32, #tpu.memory_space<vmem>> -> memref<1x128xf32, #tpu.memory_space<vmem>>
            %dma_start3A_114 = tpu.memref_slice %arg7[%add3A_92, %scan3A_111] : memref<32x128xi32, #tpu.memory_space<vmem>> -> memref<1x1xi32, #tpu.memory_space<vmem>>
            %dma_start3A_115 = tpu.memref_squeeze %dma_start3A_114 : memref<1x1xi32, #tpu.memory_space<vmem>> -> memref<1xi32, #tpu.memory_space<vmem>>
            %dma_start3A_116 = arith.constant 0 : i32
            %dma_start3A_117 = arith.constant 0 : i32
            %dma_start3A_118 = tpu.memref_slice %arg2[%dma_start3A_116, %dma_start3A_117] : memref<20000x128xf32, #tpu.memory_space<hbm>> -> memref<20000x128xf32, #tpu.memory_space<hbm>>
            tpu.enqueue_indirect_dma source(%dma_start3A_118 : memref<20000x128xf32, #tpu.memory_space<hbm>>) target(%dma_start3A_113 : memref<1x128xf32, #tpu.memory_space<vmem>>) offsets(%dma_start3A_115 : memref<1xi32, #tpu.memory_space<vmem>>) semaphore(%arg12 : memref<!tpu.dma_semaphore, #tpu.memory_space<semaphore_mem>>)
            %scan3A_119 = arith.constant 0 : i32
            %scan3A_120 = arith.constant 2 : i32
            %scan3A_121 = arith.addi %scan3A_100, %scan3A_120 : i32
            %dma_start3A_122 = arith.constant 0 : i32
            %dma_start3A_123 = tpu.memref_slice %arg9[%scan3A_121, %dma_start3A_122] : memref<128x128xf32, #tpu.memory_space<vmem>> -> memref<1x128xf32, #tpu.memory_space<vmem>>
            %dma_start3A_124 = tpu.memref_slice %arg7[%add3A_92, %scan3A_121] : memref<32x128xi32, #tpu.memory_space<vmem>> -> memref<1x1xi32, #tpu.memory_space<vmem>>
            %dma_start3A_125 = tpu.memref_squeeze %dma_start3A_124 : memref<1x1xi32, #tpu.memory_space<vmem>> -> memref<1xi32, #tpu.memory_space<vmem>>
            %dma_start3A_126 = arith.constant 0 : i32
            %dma_start3A_127 = arith.constant 0 : i32
            %dma_start3A_128 = tpu.memref_slice %arg2[%dma_start3A_126, %dma_start3A_127] : memref<20000x128xf32, #tpu.memory_space<hbm>> -> memref<20000x128xf32, #tpu.memory_space<hbm>>
            tpu.enqueue_indirect_dma source(%dma_start3A_128 : memref<20000x128xf32, #tpu.memory_space<hbm>>) target(%dma_start3A_123 : memref<1x128xf32, #tpu.memory_space<vmem>>) offsets(%dma_start3A_125 : memref<1xi32, #tpu.memory_space<vmem>>) semaphore(%arg12 : memref<!tpu.dma_semaphore, #tpu.memory_space<semaphore_mem>>)
            %scan3A_129 = arith.constant 0 : i32
            %scan3A_130 = arith.constant 3 : i32
            %scan3A_131 = arith.addi %scan3A_100, %scan3A_130 : i32
            %dma_start3A_132 = arith.constant 0 : i32
            %dma_start3A_133 = tpu.memref_slice %arg9[%scan3A_131, %dma_start3A_132] : memref<128x128xf32, #tpu.memory_space<vmem>> -> memref<1x128xf32, #tpu.memory_space<vmem>>
            %dma_start3A_134 = tpu.memref_slice %arg7[%add3A_92, %scan3A_131] : memref<32x128xi32, #tpu.memory_space<vmem>> -> memref<1x1xi32, #tpu.memory_space<vmem>>
            %dma_start3A_135 = tpu.memref_squeeze %dma_start3A_134 : memref<1x1xi32, #tpu.memory_space<vmem>> -> memref<1xi32, #tpu.memory_space<vmem>>
            %dma_start3A_136 = arith.constant 0 : i32
            %dma_start3A_137 = arith.constant 0 : i32
            %dma_start3A_138 = tpu.memref_slice %arg2[%dma_start3A_136, %dma_start3A_137] : memref<20000x128xf32, #tpu.memory_space<hbm>> -> memref<20000x128xf32, #tpu.memory_space<hbm>>
            tpu.enqueue_indirect_dma source(%dma_start3A_138 : memref<20000x128xf32, #tpu.memory_space<hbm>>) target(%dma_start3A_133 : memref<1x128xf32, #tpu.memory_space<vmem>>) offsets(%dma_start3A_135 : memref<1xi32, #tpu.memory_space<vmem>>) semaphore(%arg12 : memref<!tpu.dma_semaphore, #tpu.memory_space<semaphore_mem>>)
            %scan3A_139 = arith.constant 0 : i32
            %scan3A_140 = arith.constant 4 : i32
            %scan3A_141 = arith.addi %scan3A_100, %scan3A_140 : i32
            %dma_start3A_142 = arith.constant 0 : i32
            %dma_start3A_143 = tpu.memref_slice %arg9[%scan3A_141, %dma_start3A_142] : memref<128x128xf32, #tpu.memory_space<vmem>> -> memref<1x128xf32, #tpu.memory_space<vmem>>
            %dma_start3A_144 = tpu.memref_slice %arg7[%add3A_92, %scan3A_141] : memref<32x128xi32, #tpu.memory_space<vmem>> -> memref<1x1xi32, #tpu.memory_space<vmem>>
            %dma_start3A_145 = tpu.memref_squeeze %dma_start3A_144 : memref<1x1xi32, #tpu.memory_space<vmem>> -> memref<1xi32, #tpu.memory_space<vmem>>
            %dma_start3A_146 = arith.constant 0 : i32
            %dma_start3A_147 = arith.constant 0 : i32
            %dma_start3A_148 = tpu.memref_slice %arg2[%dma_start3A_146, %dma_start3A_147] : memref<20000x128xf32, #tpu.memory_space<hbm>> -> memref<20000x128xf32, #tpu.memory_space<hbm>>
            tpu.enqueue_indirect_dma source(%dma_start3A_148 : memref<20000x128xf32, #tpu.memory_space<hbm>>) target(%dma_start3A_143 : memref<1x128xf32, #tpu.memory_space<vmem>>) offsets(%dma_start3A_145 : memref<1xi32, #tpu.memory_space<vmem>>) semaphore(%arg12 : memref<!tpu.dma_semaphore, #tpu.memory_space<semaphore_mem>>)
            %scan3A_149 = arith.constant 0 : i32
            %scan3A_150 = arith.constant 5 : i32
            %scan3A_151 = arith.addi %scan3A_100, %scan3A_150 : i32
            %dma_start3A_152 = arith.constant 0 : i32
            %dma_start3A_153 = tpu.memref_slice %arg9[%scan3A_151, %dma_start3A_152] : memref<128x128xf32, #tpu.memory_space<vmem>> -> memref<1x128xf32, #tpu.memory_space<vmem>>
            %dma_start3A_154 = tpu.memref_slice %arg7[%add3A_92, %scan3A_151] : memref<32x128xi32, #tpu.memory_space<vmem>> -> memref<1x1xi32, #tpu.memory_space<vmem>>
            %dma_start3A_155 = tpu.memref_squeeze %dma_start3A_154 : memref<1x1xi32, #tpu.memory_space<vmem>> -> memref<1xi32, #tpu.memory_space<vmem>>
            %dma_start3A_156 = arith.constant 0 : i32
            %dma_start3A_157 = arith.constant 0 : i32
            %dma_start3A_158 = tpu.memref_slice %arg2[%dma_start3A_156, %dma_start3A_157] : memref<20000x128xf32, #tpu.memory_space<hbm>> -> memref<20000x128xf32, #tpu.memory_space<hbm>>
            tpu.enqueue_indirect_dma source(%dma_start3A_158 : memref<20000x128xf32, #tpu.memory_space<hbm>>) target(%dma_start3A_153 : memref<1x128xf32, #tpu.memory_space<vmem>>) offsets(%dma_start3A_155 : memref<1xi32, #tpu.memory_space<vmem>>) semaphore(%arg12 : memref<!tpu.dma_semaphore, #tpu.memory_space<semaphore_mem>>)
            %scan3A_159 = arith.constant 0 : i32
            %scan3A_160 = arith.constant 6 : i32
            %scan3A_161 = arith.addi %scan3A_100, %scan3A_160 : i32
            %dma_start3A_162 = arith.constant 0 : i32
            %dma_start3A_163 = tpu.memref_slice %arg9[%scan3A_161, %dma_start3A_162] : memref<128x128xf32, #tpu.memory_space<vmem>> -> memref<1x128xf32, #tpu.memory_space<vmem>>
            %dma_start3A_164 = tpu.memref_slice %arg7[%add3A_92, %scan3A_161] : memref<32x128xi32, #tpu.memory_space<vmem>> -> memref<1x1xi32, #tpu.memory_space<vmem>>
            %dma_start3A_165 = tpu.memref_squeeze %dma_start3A_164 : memref<1x1xi32, #tpu.memory_space<vmem>> -> memref<1xi32, #tpu.memory_space<vmem>>
            %dma_start3A_166 = arith.constant 0 : i32
            %dma_start3A_167 = arith.constant 0 : i32
            %dma_start3A_168 = tpu.memref_slice %arg2[%dma_start3A_166, %dma_start3A_167] : memref<20000x128xf32, #tpu.memory_space<hbm>> -> memref<20000x128xf32, #tpu.memory_space<hbm>>
            tpu.enqueue_indirect_dma source(%dma_start3A_168 : memref<20000x128xf32, #tpu.memory_space<hbm>>) target(%dma_start3A_163 : memref<1x128xf32, #tpu.memory_space<vmem>>) offsets(%dma_start3A_165 : memref<1xi32, #tpu.memory_space<vmem>>) semaphore(%arg12 : memref<!tpu.dma_semaphore, #tpu.memory_space<semaphore_mem>>)
            %scan3A_169 = arith.constant 0 : i32
            %scan3A_170 = arith.constant 7 : i32
            %scan3A_171 = arith.addi %scan3A_100, %scan3A_170 : i32
            %dma_start3A_172 = arith.constant 0 : i32
            %dma_start3A_173 = tpu.memref_slice %arg9[%scan3A_171, %dma_start3A_172] : memref<128x128xf32, #tpu.memory_space<vmem>> -> memref<1x128xf32, #tpu.memory_space<vmem>>
            %dma_start3A_174 = tpu.memref_slice %arg7[%add3A_92, %scan3A_171] : memref<32x128xi32, #tpu.memory_space<vmem>> -> memref<1x1xi32, #tpu.memory_space<vmem>>
            %dma_start3A_175 = tpu.memref_squeeze %dma_start3A_174 : memref<1x1xi32, #tpu.memory_space<vmem>> -> memref<1xi32, #tpu.memory_space<vmem>>
            %dma_start3A_176 = arith.constant 0 : i32
            %dma_start3A_177 = arith.constant 0 : i32
            %dma_start3A_178 = tpu.memref_slice %arg2[%dma_start3A_176, %dma_start3A_177] : memref<20000x128xf32, #tpu.memory_space<hbm>> -> memref<20000x128xf32, #tpu.memory_space<hbm>>
            tpu.enqueue_indirect_dma source(%dma_start3A_178 : memref<20000x128xf32, #tpu.memory_space<hbm>>) target(%dma_start3A_173 : memref<1x128xf32, #tpu.memory_space<vmem>>) offsets(%dma_start3A_175 : memref<1xi32, #tpu.memory_space<vmem>>) semaphore(%arg12 : memref<!tpu.dma_semaphore, #tpu.memory_space<semaphore_mem>>)
            %scan3A_179 = arith.constant 0 : i32
            scf.yield %scan3A_179 : i32
          }
          %scan3A_99 = arith.constant 128 : i32
        } else {
        }
        %dma_wait3A_84 = arith.constant 0 : i32
        %dma_wait3A_85 = tpu.memref_slice %arg8[%add3A_67, %dma_wait3A_84] : memref<32x128xi32, #tpu.memory_space<vmem>> -> memref<1x128xi32, #tpu.memory_space<vmem>>
        %dma_wait3A_86 = tpu.memref_squeeze %dma_wait3A_85 : memref<1x128xi32, #tpu.memory_space<vmem>> -> memref<128xi32, #tpu.memory_space<vmem>>
        %dma_wait3A_87 = arith.constant 0 : i32
        %dma_wait3A_88 = arith.constant 0 : i32
        %dma_wait3A_89 = tpu.memref_slice %arg11[%dma_wait3A_87, %dma_wait3A_88] : memref<10112x128xf32, #tpu.memory_space<vmem_shared>> -> memref<10112x128xf32, #tpu.memory_space<vmem_shared>>
        tpu.wait_indirect_dma semaphore(%arg15 : memref<!tpu.dma_semaphore, #tpu.memory_space<semaphore_mem>>) src(%arg10 : memref<128x128xf32, #tpu.memory_space<vmem>>) dst(%dma_wait3A_89 : memref<10112x128xf32, #tpu.memory_space<vmem_shared>>)
        %scan3A_90 = arith.constant 0 : i32
        scf.yield %scan3A_90 : i32
      }
      %scan3A_33 = arith.constant 16 : i32
      %scan3A_34 = arith.constant 0 : i32
      scf.yield %scan3A_34 : i32
    }
    %scan3A_8 = arith.constant 5 : i32
    %barrier3A_9 = arith.constant 0 : index
    tpu.barrier barrier_id(%barrier3A_9)
    %mul3A_10 = arith.constant 632 : i32
    %mul3A_11 = arith.muli %arg1, %mul3A_10 : i32
    %mul3A_12 = arith.constant 632 : i32
    %mul3A_13 = arith.muli %arg1, %mul3A_12 : i32
    "tpu.region"() ({
      %run_scoped3A = tpu.sem_alloc : memref<!tpu.dma_semaphore, #tpu.memory_space<semaphore_mem>>
      %dma_start3A = arith.constant 0 : i32
      %dma_start3A_14 = tpu.memref_slice %arg6[%arg0, %mul3A_13, %dma_start3A] : memref<2x10112x128xf32, #tpu.memory_space<hbm>> -> memref<1x632x128xf32, #tpu.memory_space<hbm>>
      %dma_start3A_15 = tpu.memref_squeeze %dma_start3A_14 : memref<1x632x128xf32, #tpu.memory_space<hbm>> -> memref<632x128xf32, #tpu.memory_space<hbm>>
      %dma_start3A_16 = arith.constant 0 : i32
      %dma_start3A_17 = tpu.memref_slice %arg11[%mul3A_11, %dma_start3A_16] : memref<10112x128xf32, #tpu.memory_space<vmem_shared>> -> memref<632x128xf32, #tpu.memory_space<vmem_shared>>
      tpu.enqueue_dma source(%dma_start3A_17 : memref<632x128xf32, #tpu.memory_space<vmem_shared>>) target(%dma_start3A_15 : memref<632x128xf32, #tpu.memory_space<hbm>>) target_semaphore(%run_scoped3A : memref<!tpu.dma_semaphore, #tpu.memory_space<semaphore_mem>>)
      %dma_wait3A = arith.constant 0 : i32
      %dma_wait3A_18 = tpu.memref_slice %arg6[%arg0, %mul3A_13, %dma_wait3A] : memref<2x10112x128xf32, #tpu.memory_space<hbm>> -> memref<1x632x128xf32, #tpu.memory_space<hbm>>
      %dma_wait3A_19 = tpu.memref_squeeze %dma_wait3A_18 : memref<1x632x128xf32, #tpu.memory_space<hbm>> -> memref<632x128xf32, #tpu.memory_space<hbm>>
      %dma_wait3A_20 = arith.constant 0 : i32
      %dma_wait3A_21 = tpu.memref_slice %arg11[%mul3A_11, %dma_wait3A_20] : memref<10112x128xf32, #tpu.memory_space<vmem_shared>> -> memref<632x128xf32, #tpu.memory_space<vmem_shared>>
      tpu.wait_dma2 semaphore(%run_scoped3A : memref<!tpu.dma_semaphore, #tpu.memory_space<semaphore_mem>>) src(%dma_wait3A_21 : memref<632x128xf32, #tpu.memory_space<vmem_shared>>) dst(%dma_wait3A_19 : memref<632x128xf32, #tpu.memory_space<hbm>>)
      tpu.yield
    }) : () -> ()
    return
  }
}

#map = affine_map<(d0, d1) -> (0, 0)>
#map1 = affine_map<(d0, d1) -> (0, 0, 0)>
module attributes {stable_mosaic.version = 14 : i64} {
  func.func @_sc_agg(%arg0: i32, %arg1: i32, %arg2: memref<20000x128xf32, #tpu.memory_space<hbm>>, %arg3: memref<2x2560x128xi32, #tpu.memory_space<hbm>>, %arg4: memref<2560x128xi32, #tpu.memory_space<hbm>>, %arg5: memref<10112x128xf32, #tpu.memory_space<hbm>>, %arg6: memref<2x10112x128xf32, #tpu.memory_space<hbm>>, %arg7: memref<32x128xi32, #tpu.memory_space<vmem>>, %arg8: memref<32x128xi32, #tpu.memory_space<vmem>>, %arg9: memref<128x128xf32, #tpu.memory_space<vmem>>, %arg10: memref<128x128xf32, #tpu.memory_space<vmem>>, %arg11: memref<10112x128xf32, #tpu.memory_space<vmem_shared>>, %arg12: memref<!tpu.dma_semaphore, #tpu.memory_space<semaphore_mem>>, %arg13: memref<!tpu.dma_semaphore, #tpu.memory_space<semaphore_mem>>, %arg14: memref<!tpu.dma_semaphore, #tpu.memory_space<semaphore_mem>>, %arg15: memref<!tpu.dma_semaphore, #tpu.memory_space<semaphore_mem>>) attributes {dimension_semantics = [#tpu.dimension_semantics<core_parallel>, #tpu.dimension_semantics<subcore_parallel>], iteration_bounds = array<i64: 2, 16>, scalar_prefetch = 0 : i64, scratch_operands = 9 : i64, tpu.core_type = #tpu.core_type<sc_vector_subcore>, window_params = [{transform_indices = #map}, {transform_indices = #map1}, {transform_indices = #map}, {transform_indices = #map}, {transform_indices = #map1}]} {
    %mul3A = arith.constant 632 : i32
    %mul3A_0 = arith.muli %arg1, %mul3A : i32
    %mul3A_1 = arith.constant 632 : i32
    %mul3A_2 = arith.muli %arg1, %mul3A_1 : i32
    "tpu.region"() ({
      %run_scoped3A = tpu.sem_alloc : memref<!tpu.dma_semaphore, #tpu.memory_space<semaphore_mem>>
      %dma_start3A = arith.constant 0 : i32
      %dma_start3A_14 = tpu.memref_slice %arg11[%mul3A_2, %dma_start3A] : memref<10112x128xf32, #tpu.memory_space<vmem_shared>> -> memref<632x128xf32, #tpu.memory_space<vmem_shared>>
      %dma_start3A_15 = arith.constant 0 : i32
      %dma_start3A_16 = tpu.memref_slice %arg5[%mul3A_0, %dma_start3A_15] : memref<10112x128xf32, #tpu.memory_space<hbm>> -> memref<632x128xf32, #tpu.memory_space<hbm>>
      tpu.enqueue_dma source(%dma_start3A_16 : memref<632x128xf32, #tpu.memory_space<hbm>>) target(%dma_start3A_14 : memref<632x128xf32, #tpu.memory_space<vmem_shared>>) target_semaphore(%run_scoped3A : memref<!tpu.dma_semaphore, #tpu.memory_space<semaphore_mem>>)
      %dma_wait3A = arith.constant 0 : i32
      %dma_wait3A_17 = tpu.memref_slice %arg11[%mul3A_2, %dma_wait3A] : memref<10112x128xf32, #tpu.memory_space<vmem_shared>> -> memref<632x128xf32, #tpu.memory_space<vmem_shared>>
      %dma_wait3A_18 = arith.constant 0 : i32
      %dma_wait3A_19 = tpu.memref_slice %arg5[%mul3A_0, %dma_wait3A_18] : memref<10112x128xf32, #tpu.memory_space<hbm>> -> memref<632x128xf32, #tpu.memory_space<hbm>>
      tpu.wait_dma2 semaphore(%run_scoped3A : memref<!tpu.dma_semaphore, #tpu.memory_space<semaphore_mem>>) src(%dma_wait3A_19 : memref<632x128xf32, #tpu.memory_space<hbm>>) dst(%dma_wait3A_17 : memref<632x128xf32, #tpu.memory_space<vmem_shared>>)
      tpu.yield
    }) : () -> ()
    %barrier3A = arith.constant 0 : index
    tpu.barrier barrier_id(%barrier3A)
    %scan3A = arith.constant 0 : i32
    %scan3A_3 = arith.constant 0 : i32
    %scan3A_4 = arith.constant 5 : i32
    %scan3A_5 = arith.addi %scan3A_3, %scan3A_4 : i32
    %scan3A_6 = arith.constant 1 : i32
    %scan3A_7 = scf.for %scan3A_14 = %scan3A_3 to %scan3A_5 step %scan3A_6 iter_args(%scan3A_15 = %scan3A) -> (i32)  : i32 {
      %mul3A_16 = arith.constant 160 : i32
      %mul3A_17 = arith.muli %arg1, %mul3A_16 : i32
      %mul3A_18 = arith.constant 32 : i32
      %mul3A_19 = arith.muli %scan3A_14, %mul3A_18 : i32
      %add3A = arith.addi %mul3A_17, %mul3A_19 : i32
      "tpu.region"() ({
        %run_scoped3A = tpu.sem_alloc : memref<!tpu.dma_semaphore, #tpu.memory_space<semaphore_mem>>
        %dma_start3A = arith.constant 0 : i32
        %dma_start3A_35 = tpu.memref_slice %arg3[%arg0, %add3A, %dma_start3A] : memref<2x2560x128xi32, #tpu.memory_space<hbm>> -> memref<1x32x128xi32, #tpu.memory_space<hbm>>
        %dma_start3A_36 = tpu.memref_squeeze %dma_start3A_35 : memref<1x32x128xi32, #tpu.memory_space<hbm>> -> memref<32x128xi32, #tpu.memory_space<hbm>>
        %dma_start3A_37 = arith.constant 0 : i32
        %dma_start3A_38 = tpu.memref_slice %arg3[%arg0, %add3A, %dma_start3A_37] : memref<2x2560x128xi32, #tpu.memory_space<hbm>> -> memref<1x32x128xi32, #tpu.memory_space<hbm>>
        %dma_start3A_39 = tpu.memref_squeeze %dma_start3A_38 : memref<1x32x128xi32, #tpu.memory_space<hbm>> -> memref<32x128xi32, #tpu.memory_space<hbm>>
        tpu.enqueue_dma source(%dma_start3A_39 : memref<32x128xi32, #tpu.memory_space<hbm>>) target(%arg7 : memref<32x128xi32, #tpu.memory_space<vmem>>) target_semaphore(%run_scoped3A : memref<!tpu.dma_semaphore, #tpu.memory_space<semaphore_mem>>)
        %dma_wait3A = arith.constant 0 : i32
        %dma_wait3A_40 = tpu.memref_slice %arg3[%arg0, %add3A, %dma_wait3A] : memref<2x2560x128xi32, #tpu.memory_space<hbm>> -> memref<1x32x128xi32, #tpu.memory_space<hbm>>
        %dma_wait3A_41 = tpu.memref_squeeze %dma_wait3A_40 : memref<1x32x128xi32, #tpu.memory_space<hbm>> -> memref<32x128xi32, #tpu.memory_space<hbm>>
        %dma_wait3A_42 = arith.constant 0 : i32
        %dma_wait3A_43 = tpu.memref_slice %arg3[%arg0, %add3A, %dma_wait3A_42] : memref<2x2560x128xi32, #tpu.memory_space<hbm>> -> memref<1x32x128xi32, #tpu.memory_space<hbm>>
        %dma_wait3A_44 = tpu.memref_squeeze %dma_wait3A_43 : memref<1x32x128xi32, #tpu.memory_space<hbm>> -> memref<32x128xi32, #tpu.memory_space<hbm>>
        tpu.wait_dma2 semaphore(%run_scoped3A : memref<!tpu.dma_semaphore, #tpu.memory_space<semaphore_mem>>) src(%dma_wait3A_44 : memref<32x128xi32, #tpu.memory_space<hbm>>) dst(%arg7 : memref<32x128xi32, #tpu.memory_space<vmem>>)
        tpu.yield
      }) : () -> ()
      "tpu.region"() ({
        %run_scoped3A = tpu.sem_alloc : memref<!tpu.dma_semaphore, #tpu.memory_space<semaphore_mem>>
        %dma_start3A = arith.constant 0 : i32
        %dma_start3A_35 = tpu.memref_slice %arg4[%add3A, %dma_start3A] : memref<2560x128xi32, #tpu.memory_space<hbm>> -> memref<32x128xi32, #tpu.memory_space<hbm>>
        %dma_start3A_36 = arith.constant 0 : i32
        %dma_start3A_37 = tpu.memref_slice %arg4[%add3A, %dma_start3A_36] : memref<2560x128xi32, #tpu.memory_space<hbm>> -> memref<32x128xi32, #tpu.memory_space<hbm>>
        tpu.enqueue_dma source(%dma_start3A_37 : memref<32x128xi32, #tpu.memory_space<hbm>>) target(%arg8 : memref<32x128xi32, #tpu.memory_space<vmem>>) target_semaphore(%run_scoped3A : memref<!tpu.dma_semaphore, #tpu.memory_space<semaphore_mem>>)
        %dma_wait3A = arith.constant 0 : i32
        %dma_wait3A_38 = tpu.memref_slice %arg4[%add3A, %dma_wait3A] : memref<2560x128xi32, #tpu.memory_space<hbm>> -> memref<32x128xi32, #tpu.memory_space<hbm>>
        %dma_wait3A_39 = arith.constant 0 : i32
        %dma_wait3A_40 = tpu.memref_slice %arg4[%add3A, %dma_wait3A_39] : memref<2560x128xi32, #tpu.memory_space<hbm>> -> memref<32x128xi32, #tpu.memory_space<hbm>>
        tpu.wait_dma2 semaphore(%run_scoped3A : memref<!tpu.dma_semaphore, #tpu.memory_space<semaphore_mem>>) src(%dma_wait3A_40 : memref<32x128xi32, #tpu.memory_space<hbm>>) dst(%arg8 : memref<32x128xi32, #tpu.memory_space<vmem>>)
        tpu.yield
      }) : () -> ()
      %scan3A_20 = arith.constant 0 : i32
      %scan3A_21 = arith.constant 0 : i32
      %scan3A_22 = arith.constant 128 : i32
      %scan3A_23 = arith.addi %scan3A_21, %scan3A_22 : i32
      %scan3A_24 = arith.constant 8 : i32
      %scan3A_25 = scf.for %scan3A_35 = %scan3A_21 to %scan3A_23 step %scan3A_24 iter_args(%scan3A_36 = %scan3A_20) -> (i32)  : i32 {
        %dma_start3A = arith.constant 0 : i32
        %dma_start3A_37 = arith.constant 0 : i32
        %dma_start3A_38 = tpu.memref_slice %arg9[%scan3A_35, %dma_start3A_37] : memref<128x128xf32, #tpu.memory_space<vmem>> -> memref<1x128xf32, #tpu.memory_space<vmem>>
        %dma_start3A_39 = tpu.memref_slice %arg7[%dma_start3A, %scan3A_35] : memref<32x128xi32, #tpu.memory_space<vmem>> -> memref<1x1xi32, #tpu.memory_space<vmem>>
        %dma_start3A_40 = tpu.memref_squeeze %dma_start3A_39 : memref<1x1xi32, #tpu.memory_space<vmem>> -> memref<1xi32, #tpu.memory_space<vmem>>
        %dma_start3A_41 = arith.constant 0 : i32
        %dma_start3A_42 = arith.constant 0 : i32
        %dma_start3A_43 = tpu.memref_slice %arg2[%dma_start3A_41, %dma_start3A_42] : memref<20000x128xf32, #tpu.memory_space<hbm>> -> memref<20000x128xf32, #tpu.memory_space<hbm>>
        tpu.enqueue_indirect_dma source(%dma_start3A_43 : memref<20000x128xf32, #tpu.memory_space<hbm>>) target(%dma_start3A_38 : memref<1x128xf32, #tpu.memory_space<vmem>>) offsets(%dma_start3A_40 : memref<1xi32, #tpu.memory_space<vmem>>) semaphore(%arg12 : memref<!tpu.dma_semaphore, #tpu.memory_space<semaphore_mem>>)
        %scan3A_44 = arith.constant 0 : i32
        %scan3A_45 = arith.constant 1 : i32
        %scan3A_46 = arith.addi %scan3A_35, %scan3A_45 : i32
        %dma_start3A_47 = arith.constant 0 : i32
        %dma_start3A_48 = arith.constant 0 : i32
        %dma_start3A_49 = tpu.memref_slice %arg9[%scan3A_46, %dma_start3A_48] : memref<128x128xf32, #tpu.memory_space<vmem>> -> memref<1x128xf32, #tpu.memory_space<vmem>>
        %dma_start3A_50 = tpu.memref_slice %arg7[%dma_start3A_47, %scan3A_46] : memref<32x128xi32, #tpu.memory_space<vmem>> -> memref<1x1xi32, #tpu.memory_space<vmem>>
        %dma_start3A_51 = tpu.memref_squeeze %dma_start3A_50 : memref<1x1xi32, #tpu.memory_space<vmem>> -> memref<1xi32, #tpu.memory_space<vmem>>
        %dma_start3A_52 = arith.constant 0 : i32
        %dma_start3A_53 = arith.constant 0 : i32
        %dma_start3A_54 = tpu.memref_slice %arg2[%dma_start3A_52, %dma_start3A_53] : memref<20000x128xf32, #tpu.memory_space<hbm>> -> memref<20000x128xf32, #tpu.memory_space<hbm>>
        tpu.enqueue_indirect_dma source(%dma_start3A_54 : memref<20000x128xf32, #tpu.memory_space<hbm>>) target(%dma_start3A_49 : memref<1x128xf32, #tpu.memory_space<vmem>>) offsets(%dma_start3A_51 : memref<1xi32, #tpu.memory_space<vmem>>) semaphore(%arg12 : memref<!tpu.dma_semaphore, #tpu.memory_space<semaphore_mem>>)
        %scan3A_55 = arith.constant 0 : i32
        %scan3A_56 = arith.constant 2 : i32
        %scan3A_57 = arith.addi %scan3A_35, %scan3A_56 : i32
        %dma_start3A_58 = arith.constant 0 : i32
        %dma_start3A_59 = arith.constant 0 : i32
        %dma_start3A_60 = tpu.memref_slice %arg9[%scan3A_57, %dma_start3A_59] : memref<128x128xf32, #tpu.memory_space<vmem>> -> memref<1x128xf32, #tpu.memory_space<vmem>>
        %dma_start3A_61 = tpu.memref_slice %arg7[%dma_start3A_58, %scan3A_57] : memref<32x128xi32, #tpu.memory_space<vmem>> -> memref<1x1xi32, #tpu.memory_space<vmem>>
        %dma_start3A_62 = tpu.memref_squeeze %dma_start3A_61 : memref<1x1xi32, #tpu.memory_space<vmem>> -> memref<1xi32, #tpu.memory_space<vmem>>
        %dma_start3A_63 = arith.constant 0 : i32
        %dma_start3A_64 = arith.constant 0 : i32
        %dma_start3A_65 = tpu.memref_slice %arg2[%dma_start3A_63, %dma_start3A_64] : memref<20000x128xf32, #tpu.memory_space<hbm>> -> memref<20000x128xf32, #tpu.memory_space<hbm>>
        tpu.enqueue_indirect_dma source(%dma_start3A_65 : memref<20000x128xf32, #tpu.memory_space<hbm>>) target(%dma_start3A_60 : memref<1x128xf32, #tpu.memory_space<vmem>>) offsets(%dma_start3A_62 : memref<1xi32, #tpu.memory_space<vmem>>) semaphore(%arg12 : memref<!tpu.dma_semaphore, #tpu.memory_space<semaphore_mem>>)
        %scan3A_66 = arith.constant 0 : i32
        %scan3A_67 = arith.constant 3 : i32
        %scan3A_68 = arith.addi %scan3A_35, %scan3A_67 : i32
        %dma_start3A_69 = arith.constant 0 : i32
        %dma_start3A_70 = arith.constant 0 : i32
        %dma_start3A_71 = tpu.memref_slice %arg9[%scan3A_68, %dma_start3A_70] : memref<128x128xf32, #tpu.memory_space<vmem>> -> memref<1x128xf32, #tpu.memory_space<vmem>>
        %dma_start3A_72 = tpu.memref_slice %arg7[%dma_start3A_69, %scan3A_68] : memref<32x128xi32, #tpu.memory_space<vmem>> -> memref<1x1xi32, #tpu.memory_space<vmem>>
        %dma_start3A_73 = tpu.memref_squeeze %dma_start3A_72 : memref<1x1xi32, #tpu.memory_space<vmem>> -> memref<1xi32, #tpu.memory_space<vmem>>
        %dma_start3A_74 = arith.constant 0 : i32
        %dma_start3A_75 = arith.constant 0 : i32
        %dma_start3A_76 = tpu.memref_slice %arg2[%dma_start3A_74, %dma_start3A_75] : memref<20000x128xf32, #tpu.memory_space<hbm>> -> memref<20000x128xf32, #tpu.memory_space<hbm>>
        tpu.enqueue_indirect_dma source(%dma_start3A_76 : memref<20000x128xf32, #tpu.memory_space<hbm>>) target(%dma_start3A_71 : memref<1x128xf32, #tpu.memory_space<vmem>>) offsets(%dma_start3A_73 : memref<1xi32, #tpu.memory_space<vmem>>) semaphore(%arg12 : memref<!tpu.dma_semaphore, #tpu.memory_space<semaphore_mem>>)
        %scan3A_77 = arith.constant 0 : i32
        %scan3A_78 = arith.constant 4 : i32
        %scan3A_79 = arith.addi %scan3A_35, %scan3A_78 : i32
        %dma_start3A_80 = arith.constant 0 : i32
        %dma_start3A_81 = arith.constant 0 : i32
        %dma_start3A_82 = tpu.memref_slice %arg9[%scan3A_79, %dma_start3A_81] : memref<128x128xf32, #tpu.memory_space<vmem>> -> memref<1x128xf32, #tpu.memory_space<vmem>>
        %dma_start3A_83 = tpu.memref_slice %arg7[%dma_start3A_80, %scan3A_79] : memref<32x128xi32, #tpu.memory_space<vmem>> -> memref<1x1xi32, #tpu.memory_space<vmem>>
        %dma_start3A_84 = tpu.memref_squeeze %dma_start3A_83 : memref<1x1xi32, #tpu.memory_space<vmem>> -> memref<1xi32, #tpu.memory_space<vmem>>
        %dma_start3A_85 = arith.constant 0 : i32
        %dma_start3A_86 = arith.constant 0 : i32
        %dma_start3A_87 = tpu.memref_slice %arg2[%dma_start3A_85, %dma_start3A_86] : memref<20000x128xf32, #tpu.memory_space<hbm>> -> memref<20000x128xf32, #tpu.memory_space<hbm>>
        tpu.enqueue_indirect_dma source(%dma_start3A_87 : memref<20000x128xf32, #tpu.memory_space<hbm>>) target(%dma_start3A_82 : memref<1x128xf32, #tpu.memory_space<vmem>>) offsets(%dma_start3A_84 : memref<1xi32, #tpu.memory_space<vmem>>) semaphore(%arg12 : memref<!tpu.dma_semaphore, #tpu.memory_space<semaphore_mem>>)
        %scan3A_88 = arith.constant 0 : i32
        %scan3A_89 = arith.constant 5 : i32
        %scan3A_90 = arith.addi %scan3A_35, %scan3A_89 : i32
        %dma_start3A_91 = arith.constant 0 : i32
        %dma_start3A_92 = arith.constant 0 : i32
        %dma_start3A_93 = tpu.memref_slice %arg9[%scan3A_90, %dma_start3A_92] : memref<128x128xf32, #tpu.memory_space<vmem>> -> memref<1x128xf32, #tpu.memory_space<vmem>>
        %dma_start3A_94 = tpu.memref_slice %arg7[%dma_start3A_91, %scan3A_90] : memref<32x128xi32, #tpu.memory_space<vmem>> -> memref<1x1xi32, #tpu.memory_space<vmem>>
        %dma_start3A_95 = tpu.memref_squeeze %dma_start3A_94 : memref<1x1xi32, #tpu.memory_space<vmem>> -> memref<1xi32, #tpu.memory_space<vmem>>
        %dma_start3A_96 = arith.constant 0 : i32
        %dma_start3A_97 = arith.constant 0 : i32
        %dma_start3A_98 = tpu.memref_slice %arg2[%dma_start3A_96, %dma_start3A_97] : memref<20000x128xf32, #tpu.memory_space<hbm>> -> memref<20000x128xf32, #tpu.memory_space<hbm>>
        tpu.enqueue_indirect_dma source(%dma_start3A_98 : memref<20000x128xf32, #tpu.memory_space<hbm>>) target(%dma_start3A_93 : memref<1x128xf32, #tpu.memory_space<vmem>>) offsets(%dma_start3A_95 : memref<1xi32, #tpu.memory_space<vmem>>) semaphore(%arg12 : memref<!tpu.dma_semaphore, #tpu.memory_space<semaphore_mem>>)
        %scan3A_99 = arith.constant 0 : i32
        %scan3A_100 = arith.constant 6 : i32
        %scan3A_101 = arith.addi %scan3A_35, %scan3A_100 : i32
        %dma_start3A_102 = arith.constant 0 : i32
        %dma_start3A_103 = arith.constant 0 : i32
        %dma_start3A_104 = tpu.memref_slice %arg9[%scan3A_101, %dma_start3A_103] : memref<128x128xf32, #tpu.memory_space<vmem>> -> memref<1x128xf32, #tpu.memory_space<vmem>>
        %dma_start3A_105 = tpu.memref_slice %arg7[%dma_start3A_102, %scan3A_101] : memref<32x128xi32, #tpu.memory_space<vmem>> -> memref<1x1xi32, #tpu.memory_space<vmem>>
        %dma_start3A_106 = tpu.memref_squeeze %dma_start3A_105 : memref<1x1xi32, #tpu.memory_space<vmem>> -> memref<1xi32, #tpu.memory_space<vmem>>
        %dma_start3A_107 = arith.constant 0 : i32
        %dma_start3A_108 = arith.constant 0 : i32
        %dma_start3A_109 = tpu.memref_slice %arg2[%dma_start3A_107, %dma_start3A_108] : memref<20000x128xf32, #tpu.memory_space<hbm>> -> memref<20000x128xf32, #tpu.memory_space<hbm>>
        tpu.enqueue_indirect_dma source(%dma_start3A_109 : memref<20000x128xf32, #tpu.memory_space<hbm>>) target(%dma_start3A_104 : memref<1x128xf32, #tpu.memory_space<vmem>>) offsets(%dma_start3A_106 : memref<1xi32, #tpu.memory_space<vmem>>) semaphore(%arg12 : memref<!tpu.dma_semaphore, #tpu.memory_space<semaphore_mem>>)
        %scan3A_110 = arith.constant 0 : i32
        %scan3A_111 = arith.constant 7 : i32
        %scan3A_112 = arith.addi %scan3A_35, %scan3A_111 : i32
        %dma_start3A_113 = arith.constant 0 : i32
        %dma_start3A_114 = arith.constant 0 : i32
        %dma_start3A_115 = tpu.memref_slice %arg9[%scan3A_112, %dma_start3A_114] : memref<128x128xf32, #tpu.memory_space<vmem>> -> memref<1x128xf32, #tpu.memory_space<vmem>>
        %dma_start3A_116 = tpu.memref_slice %arg7[%dma_start3A_113, %scan3A_112] : memref<32x128xi32, #tpu.memory_space<vmem>> -> memref<1x1xi32, #tpu.memory_space<vmem>>
        %dma_start3A_117 = tpu.memref_squeeze %dma_start3A_116 : memref<1x1xi32, #tpu.memory_space<vmem>> -> memref<1xi32, #tpu.memory_space<vmem>>
        %dma_start3A_118 = arith.constant 0 : i32
        %dma_start3A_119 = arith.constant 0 : i32
        %dma_start3A_120 = tpu.memref_slice %arg2[%dma_start3A_118, %dma_start3A_119] : memref<20000x128xf32, #tpu.memory_space<hbm>> -> memref<20000x128xf32, #tpu.memory_space<hbm>>
        tpu.enqueue_indirect_dma source(%dma_start3A_120 : memref<20000x128xf32, #tpu.memory_space<hbm>>) target(%dma_start3A_115 : memref<1x128xf32, #tpu.memory_space<vmem>>) offsets(%dma_start3A_117 : memref<1xi32, #tpu.memory_space<vmem>>) semaphore(%arg12 : memref<!tpu.dma_semaphore, #tpu.memory_space<semaphore_mem>>)
        %scan3A_121 = arith.constant 0 : i32
        scf.yield %scan3A_121 : i32
      }
      %scan3A_26 = arith.constant 128 : i32
      %scan3A_27 = arith.constant 0 : i32
      %scan3A_28 = arith.constant 0 : i32
      %scan3A_29 = arith.constant 16 : i32
      %scan3A_30 = arith.addi %scan3A_28, %scan3A_29 : i32
      %scan3A_31 = arith.constant 1 : i32
      %scan3A_32 = scf.for %scan3A_35 = %scan3A_28 to %scan3A_30 step %scan3A_31 iter_args(%scan3A_36 = %scan3A_27) -> (i32)  : i32 {
        %mul3A_37 = arith.constant 2 : i32
        %mul3A_38 = arith.muli %mul3A_37, %scan3A_35 : i32
        %add3A_39 = arith.constant 1 : i32
        %add3A_40 = arith.addi %mul3A_38, %add3A_39 : i32
        %scan3A_41 = arith.constant 0 : i32
        %scan3A_42 = arith.constant 0 : i32
        %scan3A_43 = arith.constant 128 : i32
        %scan3A_44 = arith.addi %scan3A_42, %scan3A_43 : i32
        %scan3A_45 = arith.constant 8 : i32
        %scan3A_46 = scf.for %scan3A_91 = %scan3A_42 to %scan3A_44 step %scan3A_45 iter_args(%scan3A_92 = %scan3A_41) -> (i32)  : i32 {
          %dma_start3A_93 = arith.constant 0 : i32
          %dma_start3A_94 = tpu.memref_slice %arg10[%scan3A_91, %dma_start3A_93] : memref<128x128xf32, #tpu.memory_space<vmem>> -> memref<1x128xf32, #tpu.memory_space<vmem>>
          %dma_start3A_95 = tpu.memref_slice %arg7[%add3A_40, %scan3A_91] : memref<32x128xi32, #tpu.memory_space<vmem>> -> memref<1x1xi32, #tpu.memory_space<vmem>>
          %dma_start3A_96 = tpu.memref_squeeze %dma_start3A_95 : memref<1x1xi32, #tpu.memory_space<vmem>> -> memref<1xi32, #tpu.memory_space<vmem>>
          %dma_start3A_97 = arith.constant 0 : i32
          %dma_start3A_98 = arith.constant 0 : i32
          %dma_start3A_99 = tpu.memref_slice %arg2[%dma_start3A_97, %dma_start3A_98] : memref<20000x128xf32, #tpu.memory_space<hbm>> -> memref<20000x128xf32, #tpu.memory_space<hbm>>
          tpu.enqueue_indirect_dma source(%dma_start3A_99 : memref<20000x128xf32, #tpu.memory_space<hbm>>) target(%dma_start3A_94 : memref<1x128xf32, #tpu.memory_space<vmem>>) offsets(%dma_start3A_96 : memref<1xi32, #tpu.memory_space<vmem>>) semaphore(%arg13 : memref<!tpu.dma_semaphore, #tpu.memory_space<semaphore_mem>>)
          %scan3A_100 = arith.constant 0 : i32
          %scan3A_101 = arith.constant 1 : i32
          %scan3A_102 = arith.addi %scan3A_91, %scan3A_101 : i32
          %dma_start3A_103 = arith.constant 0 : i32
          %dma_start3A_104 = tpu.memref_slice %arg10[%scan3A_102, %dma_start3A_103] : memref<128x128xf32, #tpu.memory_space<vmem>> -> memref<1x128xf32, #tpu.memory_space<vmem>>
          %dma_start3A_105 = tpu.memref_slice %arg7[%add3A_40, %scan3A_102] : memref<32x128xi32, #tpu.memory_space<vmem>> -> memref<1x1xi32, #tpu.memory_space<vmem>>
          %dma_start3A_106 = tpu.memref_squeeze %dma_start3A_105 : memref<1x1xi32, #tpu.memory_space<vmem>> -> memref<1xi32, #tpu.memory_space<vmem>>
          %dma_start3A_107 = arith.constant 0 : i32
          %dma_start3A_108 = arith.constant 0 : i32
          %dma_start3A_109 = tpu.memref_slice %arg2[%dma_start3A_107, %dma_start3A_108] : memref<20000x128xf32, #tpu.memory_space<hbm>> -> memref<20000x128xf32, #tpu.memory_space<hbm>>
          tpu.enqueue_indirect_dma source(%dma_start3A_109 : memref<20000x128xf32, #tpu.memory_space<hbm>>) target(%dma_start3A_104 : memref<1x128xf32, #tpu.memory_space<vmem>>) offsets(%dma_start3A_106 : memref<1xi32, #tpu.memory_space<vmem>>) semaphore(%arg13 : memref<!tpu.dma_semaphore, #tpu.memory_space<semaphore_mem>>)
          %scan3A_110 = arith.constant 0 : i32
          %scan3A_111 = arith.constant 2 : i32
          %scan3A_112 = arith.addi %scan3A_91, %scan3A_111 : i32
          %dma_start3A_113 = arith.constant 0 : i32
          %dma_start3A_114 = tpu.memref_slice %arg10[%scan3A_112, %dma_start3A_113] : memref<128x128xf32, #tpu.memory_space<vmem>> -> memref<1x128xf32, #tpu.memory_space<vmem>>
          %dma_start3A_115 = tpu.memref_slice %arg7[%add3A_40, %scan3A_112] : memref<32x128xi32, #tpu.memory_space<vmem>> -> memref<1x1xi32, #tpu.memory_space<vmem>>
          %dma_start3A_116 = tpu.memref_squeeze %dma_start3A_115 : memref<1x1xi32, #tpu.memory_space<vmem>> -> memref<1xi32, #tpu.memory_space<vmem>>
          %dma_start3A_117 = arith.constant 0 : i32
          %dma_start3A_118 = arith.constant 0 : i32
          %dma_start3A_119 = tpu.memref_slice %arg2[%dma_start3A_117, %dma_start3A_118] : memref<20000x128xf32, #tpu.memory_space<hbm>> -> memref<20000x128xf32, #tpu.memory_space<hbm>>
          tpu.enqueue_indirect_dma source(%dma_start3A_119 : memref<20000x128xf32, #tpu.memory_space<hbm>>) target(%dma_start3A_114 : memref<1x128xf32, #tpu.memory_space<vmem>>) offsets(%dma_start3A_116 : memref<1xi32, #tpu.memory_space<vmem>>) semaphore(%arg13 : memref<!tpu.dma_semaphore, #tpu.memory_space<semaphore_mem>>)
          %scan3A_120 = arith.constant 0 : i32
          %scan3A_121 = arith.constant 3 : i32
          %scan3A_122 = arith.addi %scan3A_91, %scan3A_121 : i32
          %dma_start3A_123 = arith.constant 0 : i32
          %dma_start3A_124 = tpu.memref_slice %arg10[%scan3A_122, %dma_start3A_123] : memref<128x128xf32, #tpu.memory_space<vmem>> -> memref<1x128xf32, #tpu.memory_space<vmem>>
          %dma_start3A_125 = tpu.memref_slice %arg7[%add3A_40, %scan3A_122] : memref<32x128xi32, #tpu.memory_space<vmem>> -> memref<1x1xi32, #tpu.memory_space<vmem>>
          %dma_start3A_126 = tpu.memref_squeeze %dma_start3A_125 : memref<1x1xi32, #tpu.memory_space<vmem>> -> memref<1xi32, #tpu.memory_space<vmem>>
          %dma_start3A_127 = arith.constant 0 : i32
          %dma_start3A_128 = arith.constant 0 : i32
          %dma_start3A_129 = tpu.memref_slice %arg2[%dma_start3A_127, %dma_start3A_128] : memref<20000x128xf32, #tpu.memory_space<hbm>> -> memref<20000x128xf32, #tpu.memory_space<hbm>>
          tpu.enqueue_indirect_dma source(%dma_start3A_129 : memref<20000x128xf32, #tpu.memory_space<hbm>>) target(%dma_start3A_124 : memref<1x128xf32, #tpu.memory_space<vmem>>) offsets(%dma_start3A_126 : memref<1xi32, #tpu.memory_space<vmem>>) semaphore(%arg13 : memref<!tpu.dma_semaphore, #tpu.memory_space<semaphore_mem>>)
          %scan3A_130 = arith.constant 0 : i32
          %scan3A_131 = arith.constant 4 : i32
          %scan3A_132 = arith.addi %scan3A_91, %scan3A_131 : i32
          %dma_start3A_133 = arith.constant 0 : i32
          %dma_start3A_134 = tpu.memref_slice %arg10[%scan3A_132, %dma_start3A_133] : memref<128x128xf32, #tpu.memory_space<vmem>> -> memref<1x128xf32, #tpu.memory_space<vmem>>
          %dma_start3A_135 = tpu.memref_slice %arg7[%add3A_40, %scan3A_132] : memref<32x128xi32, #tpu.memory_space<vmem>> -> memref<1x1xi32, #tpu.memory_space<vmem>>
          %dma_start3A_136 = tpu.memref_squeeze %dma_start3A_135 : memref<1x1xi32, #tpu.memory_space<vmem>> -> memref<1xi32, #tpu.memory_space<vmem>>
          %dma_start3A_137 = arith.constant 0 : i32
          %dma_start3A_138 = arith.constant 0 : i32
          %dma_start3A_139 = tpu.memref_slice %arg2[%dma_start3A_137, %dma_start3A_138] : memref<20000x128xf32, #tpu.memory_space<hbm>> -> memref<20000x128xf32, #tpu.memory_space<hbm>>
          tpu.enqueue_indirect_dma source(%dma_start3A_139 : memref<20000x128xf32, #tpu.memory_space<hbm>>) target(%dma_start3A_134 : memref<1x128xf32, #tpu.memory_space<vmem>>) offsets(%dma_start3A_136 : memref<1xi32, #tpu.memory_space<vmem>>) semaphore(%arg13 : memref<!tpu.dma_semaphore, #tpu.memory_space<semaphore_mem>>)
          %scan3A_140 = arith.constant 0 : i32
          %scan3A_141 = arith.constant 5 : i32
          %scan3A_142 = arith.addi %scan3A_91, %scan3A_141 : i32
          %dma_start3A_143 = arith.constant 0 : i32
          %dma_start3A_144 = tpu.memref_slice %arg10[%scan3A_142, %dma_start3A_143] : memref<128x128xf32, #tpu.memory_space<vmem>> -> memref<1x128xf32, #tpu.memory_space<vmem>>
          %dma_start3A_145 = tpu.memref_slice %arg7[%add3A_40, %scan3A_142] : memref<32x128xi32, #tpu.memory_space<vmem>> -> memref<1x1xi32, #tpu.memory_space<vmem>>
          %dma_start3A_146 = tpu.memref_squeeze %dma_start3A_145 : memref<1x1xi32, #tpu.memory_space<vmem>> -> memref<1xi32, #tpu.memory_space<vmem>>
          %dma_start3A_147 = arith.constant 0 : i32
          %dma_start3A_148 = arith.constant 0 : i32
          %dma_start3A_149 = tpu.memref_slice %arg2[%dma_start3A_147, %dma_start3A_148] : memref<20000x128xf32, #tpu.memory_space<hbm>> -> memref<20000x128xf32, #tpu.memory_space<hbm>>
          tpu.enqueue_indirect_dma source(%dma_start3A_149 : memref<20000x128xf32, #tpu.memory_space<hbm>>) target(%dma_start3A_144 : memref<1x128xf32, #tpu.memory_space<vmem>>) offsets(%dma_start3A_146 : memref<1xi32, #tpu.memory_space<vmem>>) semaphore(%arg13 : memref<!tpu.dma_semaphore, #tpu.memory_space<semaphore_mem>>)
          %scan3A_150 = arith.constant 0 : i32
          %scan3A_151 = arith.constant 6 : i32
          %scan3A_152 = arith.addi %scan3A_91, %scan3A_151 : i32
          %dma_start3A_153 = arith.constant 0 : i32
          %dma_start3A_154 = tpu.memref_slice %arg10[%scan3A_152, %dma_start3A_153] : memref<128x128xf32, #tpu.memory_space<vmem>> -> memref<1x128xf32, #tpu.memory_space<vmem>>
          %dma_start3A_155 = tpu.memref_slice %arg7[%add3A_40, %scan3A_152] : memref<32x128xi32, #tpu.memory_space<vmem>> -> memref<1x1xi32, #tpu.memory_space<vmem>>
          %dma_start3A_156 = tpu.memref_squeeze %dma_start3A_155 : memref<1x1xi32, #tpu.memory_space<vmem>> -> memref<1xi32, #tpu.memory_space<vmem>>
          %dma_start3A_157 = arith.constant 0 : i32
          %dma_start3A_158 = arith.constant 0 : i32
          %dma_start3A_159 = tpu.memref_slice %arg2[%dma_start3A_157, %dma_start3A_158] : memref<20000x128xf32, #tpu.memory_space<hbm>> -> memref<20000x128xf32, #tpu.memory_space<hbm>>
          tpu.enqueue_indirect_dma source(%dma_start3A_159 : memref<20000x128xf32, #tpu.memory_space<hbm>>) target(%dma_start3A_154 : memref<1x128xf32, #tpu.memory_space<vmem>>) offsets(%dma_start3A_156 : memref<1xi32, #tpu.memory_space<vmem>>) semaphore(%arg13 : memref<!tpu.dma_semaphore, #tpu.memory_space<semaphore_mem>>)
          %scan3A_160 = arith.constant 0 : i32
          %scan3A_161 = arith.constant 7 : i32
          %scan3A_162 = arith.addi %scan3A_91, %scan3A_161 : i32
          %dma_start3A_163 = arith.constant 0 : i32
          %dma_start3A_164 = tpu.memref_slice %arg10[%scan3A_162, %dma_start3A_163] : memref<128x128xf32, #tpu.memory_space<vmem>> -> memref<1x128xf32, #tpu.memory_space<vmem>>
          %dma_start3A_165 = tpu.memref_slice %arg7[%add3A_40, %scan3A_162] : memref<32x128xi32, #tpu.memory_space<vmem>> -> memref<1x1xi32, #tpu.memory_space<vmem>>
          %dma_start3A_166 = tpu.memref_squeeze %dma_start3A_165 : memref<1x1xi32, #tpu.memory_space<vmem>> -> memref<1xi32, #tpu.memory_space<vmem>>
          %dma_start3A_167 = arith.constant 0 : i32
          %dma_start3A_168 = arith.constant 0 : i32
          %dma_start3A_169 = tpu.memref_slice %arg2[%dma_start3A_167, %dma_start3A_168] : memref<20000x128xf32, #tpu.memory_space<hbm>> -> memref<20000x128xf32, #tpu.memory_space<hbm>>
          tpu.enqueue_indirect_dma source(%dma_start3A_169 : memref<20000x128xf32, #tpu.memory_space<hbm>>) target(%dma_start3A_164 : memref<1x128xf32, #tpu.memory_space<vmem>>) offsets(%dma_start3A_166 : memref<1xi32, #tpu.memory_space<vmem>>) semaphore(%arg13 : memref<!tpu.dma_semaphore, #tpu.memory_space<semaphore_mem>>)
          %scan3A_170 = arith.constant 0 : i32
          scf.yield %scan3A_170 : i32
        }
        %scan3A_47 = arith.constant 128 : i32
        %dma_wait3A = arith.constant 0 : i32
        %dma_wait3A_48 = tpu.memref_slice %arg7[%mul3A_38, %dma_wait3A] : memref<32x128xi32, #tpu.memory_space<vmem>> -> memref<1x128xi32, #tpu.memory_space<vmem>>
        %dma_wait3A_49 = tpu.memref_squeeze %dma_wait3A_48 : memref<1x128xi32, #tpu.memory_space<vmem>> -> memref<128xi32, #tpu.memory_space<vmem>>
        %dma_wait3A_50 = arith.constant 0 : i32
        %dma_wait3A_51 = arith.constant 0 : i32
        %dma_wait3A_52 = tpu.memref_slice %arg2[%dma_wait3A_50, %dma_wait3A_51] : memref<20000x128xf32, #tpu.memory_space<hbm>> -> memref<20000x128xf32, #tpu.memory_space<hbm>>
        tpu.wait_indirect_dma semaphore(%arg12 : memref<!tpu.dma_semaphore, #tpu.memory_space<semaphore_mem>>) src(%dma_wait3A_52 : memref<20000x128xf32, #tpu.memory_space<hbm>>) dst(%arg9 : memref<128x128xf32, #tpu.memory_space<vmem>>)
        %dma_start3A = arith.constant 0 : i32
        %dma_start3A_53 = tpu.memref_slice %arg8[%mul3A_38, %dma_start3A] : memref<32x128xi32, #tpu.memory_space<vmem>> -> memref<1x128xi32, #tpu.memory_space<vmem>>
        %dma_start3A_54 = tpu.memref_squeeze %dma_start3A_53 : memref<1x128xi32, #tpu.memory_space<vmem>> -> memref<128xi32, #tpu.memory_space<vmem>>
        %dma_start3A_55 = arith.constant 0 : i32
        %dma_start3A_56 = arith.constant 0 : i32
        %dma_start3A_57 = tpu.memref_slice %arg11[%dma_start3A_55, %dma_start3A_56] : memref<10112x128xf32, #tpu.memory_space<vmem_shared>> -> memref<10112x128xf32, #tpu.memory_space<vmem_shared>>
        tpu.enqueue_indirect_dma source(%arg9 : memref<128x128xf32, #tpu.memory_space<vmem>>) target(%dma_start3A_57 : memref<10112x128xf32, #tpu.memory_space<vmem_shared>>) offsets(%dma_start3A_54 : memref<128xi32, #tpu.memory_space<vmem>>) semaphore(%arg14 : memref<!tpu.dma_semaphore, #tpu.memory_space<semaphore_mem>>) {add = true}
        %add3A_58 = arith.constant 1 : i32
        %add3A_59 = arith.addi %mul3A_38, %add3A_58 : i32
        %dma_wait3A_60 = arith.constant 0 : i32
        %dma_wait3A_61 = tpu.memref_slice %arg7[%add3A_59, %dma_wait3A_60] : memref<32x128xi32, #tpu.memory_space<vmem>> -> memref<1x128xi32, #tpu.memory_space<vmem>>
        %dma_wait3A_62 = tpu.memref_squeeze %dma_wait3A_61 : memref<1x128xi32, #tpu.memory_space<vmem>> -> memref<128xi32, #tpu.memory_space<vmem>>
        %dma_wait3A_63 = arith.constant 0 : i32
        %dma_wait3A_64 = arith.constant 0 : i32
        %dma_wait3A_65 = tpu.memref_slice %arg2[%dma_wait3A_63, %dma_wait3A_64] : memref<20000x128xf32, #tpu.memory_space<hbm>> -> memref<20000x128xf32, #tpu.memory_space<hbm>>
        tpu.wait_indirect_dma semaphore(%arg13 : memref<!tpu.dma_semaphore, #tpu.memory_space<semaphore_mem>>) src(%dma_wait3A_65 : memref<20000x128xf32, #tpu.memory_space<hbm>>) dst(%arg10 : memref<128x128xf32, #tpu.memory_space<vmem>>)
        %add3A_66 = arith.constant 1 : i32
        %add3A_67 = arith.addi %mul3A_38, %add3A_66 : i32
        %dma_start3A_68 = arith.constant 0 : i32
        %dma_start3A_69 = tpu.memref_slice %arg8[%add3A_67, %dma_start3A_68] : memref<32x128xi32, #tpu.memory_space<vmem>> -> memref<1x128xi32, #tpu.memory_space<vmem>>
        %dma_start3A_70 = tpu.memref_squeeze %dma_start3A_69 : memref<1x128xi32, #tpu.memory_space<vmem>> -> memref<128xi32, #tpu.memory_space<vmem>>
        %dma_start3A_71 = arith.constant 0 : i32
        %dma_start3A_72 = arith.constant 0 : i32
        %dma_start3A_73 = tpu.memref_slice %arg11[%dma_start3A_71, %dma_start3A_72] : memref<10112x128xf32, #tpu.memory_space<vmem_shared>> -> memref<10112x128xf32, #tpu.memory_space<vmem_shared>>
        tpu.enqueue_indirect_dma source(%arg10 : memref<128x128xf32, #tpu.memory_space<vmem>>) target(%dma_start3A_73 : memref<10112x128xf32, #tpu.memory_space<vmem_shared>>) offsets(%dma_start3A_70 : memref<128xi32, #tpu.memory_space<vmem>>) semaphore(%arg15 : memref<!tpu.dma_semaphore, #tpu.memory_space<semaphore_mem>>) {add = true}
        %dma_wait3A_74 = arith.constant 0 : i32
        %dma_wait3A_75 = tpu.memref_slice %arg8[%mul3A_38, %dma_wait3A_74] : memref<32x128xi32, #tpu.memory_space<vmem>> -> memref<1x128xi32, #tpu.memory_space<vmem>>
        %dma_wait3A_76 = tpu.memref_squeeze %dma_wait3A_75 : memref<1x128xi32, #tpu.memory_space<vmem>> -> memref<128xi32, #tpu.memory_space<vmem>>
        %dma_wait3A_77 = arith.constant 0 : i32
        %dma_wait3A_78 = arith.constant 0 : i32
        %dma_wait3A_79 = tpu.memref_slice %arg11[%dma_wait3A_77, %dma_wait3A_78] : memref<10112x128xf32, #tpu.memory_space<vmem_shared>> -> memref<10112x128xf32, #tpu.memory_space<vmem_shared>>
        tpu.wait_indirect_dma semaphore(%arg14 : memref<!tpu.dma_semaphore, #tpu.memory_space<semaphore_mem>>) src(%arg9 : memref<128x128xf32, #tpu.memory_space<vmem>>) dst(%dma_wait3A_79 : memref<10112x128xf32, #tpu.memory_space<vmem_shared>>)
        %add3A_80 = arith.constant 1 : i32
        %add3A_81 = arith.addi %scan3A_35, %add3A_80 : i32
        %lt3A = arith.constant 16 : i32
        %lt3A_82 = arith.cmpi slt, %add3A_81, %lt3A : i32
        %convert_element_type3A = arith.extui %lt3A_82 : i1 to i32
        %cond3A = arith.constant 0 : i32
        %cond3A_83 = arith.cmpi ne, %convert_element_type3A, %cond3A : i32
        scf.if %cond3A_83 {
          %add3A_91 = arith.constant 2 : i32
          %add3A_92 = arith.addi %mul3A_38, %add3A_91 : i32
          %scan3A_93 = arith.constant 0 : i32
          %scan3A_94 = arith.constant 0 : i32
          %scan3A_95 = arith.constant 128 : i32
          %scan3A_96 = arith.addi %scan3A_94, %scan3A_95 : i32
          %scan3A_97 = arith.constant 8 : i32
          %scan3A_98 = scf.for %scan3A_100 = %scan3A_94 to %scan3A_96 step %scan3A_97 iter_args(%scan3A_101 = %scan3A_93) -> (i32)  : i32 {
            %dma_start3A_102 = arith.constant 0 : i32
            %dma_start3A_103 = tpu.memref_slice %arg9[%scan3A_100, %dma_start3A_102] : memref<128x128xf32, #tpu.memory_space<vmem>> -> memref<1x128xf32, #tpu.memory_space<vmem>>
            %dma_start3A_104 = tpu.memref_slice %arg7[%add3A_92, %scan3A_100] : memref<32x128xi32, #tpu.memory_space<vmem>> -> memref<1x1xi32, #tpu.memory_space<vmem>>
            %dma_start3A_105 = tpu.memref_squeeze %dma_start3A_104 : memref<1x1xi32, #tpu.memory_space<vmem>> -> memref<1xi32, #tpu.memory_space<vmem>>
            %dma_start3A_106 = arith.constant 0 : i32
            %dma_start3A_107 = arith.constant 0 : i32
            %dma_start3A_108 = tpu.memref_slice %arg2[%dma_start3A_106, %dma_start3A_107] : memref<20000x128xf32, #tpu.memory_space<hbm>> -> memref<20000x128xf32, #tpu.memory_space<hbm>>
            tpu.enqueue_indirect_dma source(%dma_start3A_108 : memref<20000x128xf32, #tpu.memory_space<hbm>>) target(%dma_start3A_103 : memref<1x128xf32, #tpu.memory_space<vmem>>) offsets(%dma_start3A_105 : memref<1xi32, #tpu.memory_space<vmem>>) semaphore(%arg12 : memref<!tpu.dma_semaphore, #tpu.memory_space<semaphore_mem>>)
            %scan3A_109 = arith.constant 0 : i32
            %scan3A_110 = arith.constant 1 : i32
            %scan3A_111 = arith.addi %scan3A_100, %scan3A_110 : i32
            %dma_start3A_112 = arith.constant 0 : i32
            %dma_start3A_113 = tpu.memref_slice %arg9[%scan3A_111, %dma_start3A_112] : memref<128x128xf32, #tpu.memory_space<vmem>> -> memref<1x128xf32, #tpu.memory_space<vmem>>
            %dma_start3A_114 = tpu.memref_slice %arg7[%add3A_92, %scan3A_111] : memref<32x128xi32, #tpu.memory_space<vmem>> -> memref<1x1xi32, #tpu.memory_space<vmem>>
            %dma_start3A_115 = tpu.memref_squeeze %dma_start3A_114 : memref<1x1xi32, #tpu.memory_space<vmem>> -> memref<1xi32, #tpu.memory_space<vmem>>
            %dma_start3A_116 = arith.constant 0 : i32
            %dma_start3A_117 = arith.constant 0 : i32
            %dma_start3A_118 = tpu.memref_slice %arg2[%dma_start3A_116, %dma_start3A_117] : memref<20000x128xf32, #tpu.memory_space<hbm>> -> memref<20000x128xf32, #tpu.memory_space<hbm>>
            tpu.enqueue_indirect_dma source(%dma_start3A_118 : memref<20000x128xf32, #tpu.memory_space<hbm>>) target(%dma_start3A_113 : memref<1x128xf32, #tpu.memory_space<vmem>>) offsets(%dma_start3A_115 : memref<1xi32, #tpu.memory_space<vmem>>) semaphore(%arg12 : memref<!tpu.dma_semaphore, #tpu.memory_space<semaphore_mem>>)
            %scan3A_119 = arith.constant 0 : i32
            %scan3A_120 = arith.constant 2 : i32
            %scan3A_121 = arith.addi %scan3A_100, %scan3A_120 : i32
            %dma_start3A_122 = arith.constant 0 : i32
            %dma_start3A_123 = tpu.memref_slice %arg9[%scan3A_121, %dma_start3A_122] : memref<128x128xf32, #tpu.memory_space<vmem>> -> memref<1x128xf32, #tpu.memory_space<vmem>>
            %dma_start3A_124 = tpu.memref_slice %arg7[%add3A_92, %scan3A_121] : memref<32x128xi32, #tpu.memory_space<vmem>> -> memref<1x1xi32, #tpu.memory_space<vmem>>
            %dma_start3A_125 = tpu.memref_squeeze %dma_start3A_124 : memref<1x1xi32, #tpu.memory_space<vmem>> -> memref<1xi32, #tpu.memory_space<vmem>>
            %dma_start3A_126 = arith.constant 0 : i32
            %dma_start3A_127 = arith.constant 0 : i32
            %dma_start3A_128 = tpu.memref_slice %arg2[%dma_start3A_126, %dma_start3A_127] : memref<20000x128xf32, #tpu.memory_space<hbm>> -> memref<20000x128xf32, #tpu.memory_space<hbm>>
            tpu.enqueue_indirect_dma source(%dma_start3A_128 : memref<20000x128xf32, #tpu.memory_space<hbm>>) target(%dma_start3A_123 : memref<1x128xf32, #tpu.memory_space<vmem>>) offsets(%dma_start3A_125 : memref<1xi32, #tpu.memory_space<vmem>>) semaphore(%arg12 : memref<!tpu.dma_semaphore, #tpu.memory_space<semaphore_mem>>)
            %scan3A_129 = arith.constant 0 : i32
            %scan3A_130 = arith.constant 3 : i32
            %scan3A_131 = arith.addi %scan3A_100, %scan3A_130 : i32
            %dma_start3A_132 = arith.constant 0 : i32
            %dma_start3A_133 = tpu.memref_slice %arg9[%scan3A_131, %dma_start3A_132] : memref<128x128xf32, #tpu.memory_space<vmem>> -> memref<1x128xf32, #tpu.memory_space<vmem>>
            %dma_start3A_134 = tpu.memref_slice %arg7[%add3A_92, %scan3A_131] : memref<32x128xi32, #tpu.memory_space<vmem>> -> memref<1x1xi32, #tpu.memory_space<vmem>>
            %dma_start3A_135 = tpu.memref_squeeze %dma_start3A_134 : memref<1x1xi32, #tpu.memory_space<vmem>> -> memref<1xi32, #tpu.memory_space<vmem>>
            %dma_start3A_136 = arith.constant 0 : i32
            %dma_start3A_137 = arith.constant 0 : i32
            %dma_start3A_138 = tpu.memref_slice %arg2[%dma_start3A_136, %dma_start3A_137] : memref<20000x128xf32, #tpu.memory_space<hbm>> -> memref<20000x128xf32, #tpu.memory_space<hbm>>
            tpu.enqueue_indirect_dma source(%dma_start3A_138 : memref<20000x128xf32, #tpu.memory_space<hbm>>) target(%dma_start3A_133 : memref<1x128xf32, #tpu.memory_space<vmem>>) offsets(%dma_start3A_135 : memref<1xi32, #tpu.memory_space<vmem>>) semaphore(%arg12 : memref<!tpu.dma_semaphore, #tpu.memory_space<semaphore_mem>>)
            %scan3A_139 = arith.constant 0 : i32
            %scan3A_140 = arith.constant 4 : i32
            %scan3A_141 = arith.addi %scan3A_100, %scan3A_140 : i32
            %dma_start3A_142 = arith.constant 0 : i32
            %dma_start3A_143 = tpu.memref_slice %arg9[%scan3A_141, %dma_start3A_142] : memref<128x128xf32, #tpu.memory_space<vmem>> -> memref<1x128xf32, #tpu.memory_space<vmem>>
            %dma_start3A_144 = tpu.memref_slice %arg7[%add3A_92, %scan3A_141] : memref<32x128xi32, #tpu.memory_space<vmem>> -> memref<1x1xi32, #tpu.memory_space<vmem>>
            %dma_start3A_145 = tpu.memref_squeeze %dma_start3A_144 : memref<1x1xi32, #tpu.memory_space<vmem>> -> memref<1xi32, #tpu.memory_space<vmem>>
            %dma_start3A_146 = arith.constant 0 : i32
            %dma_start3A_147 = arith.constant 0 : i32
            %dma_start3A_148 = tpu.memref_slice %arg2[%dma_start3A_146, %dma_start3A_147] : memref<20000x128xf32, #tpu.memory_space<hbm>> -> memref<20000x128xf32, #tpu.memory_space<hbm>>
            tpu.enqueue_indirect_dma source(%dma_start3A_148 : memref<20000x128xf32, #tpu.memory_space<hbm>>) target(%dma_start3A_143 : memref<1x128xf32, #tpu.memory_space<vmem>>) offsets(%dma_start3A_145 : memref<1xi32, #tpu.memory_space<vmem>>) semaphore(%arg12 : memref<!tpu.dma_semaphore, #tpu.memory_space<semaphore_mem>>)
            %scan3A_149 = arith.constant 0 : i32
            %scan3A_150 = arith.constant 5 : i32
            %scan3A_151 = arith.addi %scan3A_100, %scan3A_150 : i32
            %dma_start3A_152 = arith.constant 0 : i32
            %dma_start3A_153 = tpu.memref_slice %arg9[%scan3A_151, %dma_start3A_152] : memref<128x128xf32, #tpu.memory_space<vmem>> -> memref<1x128xf32, #tpu.memory_space<vmem>>
            %dma_start3A_154 = tpu.memref_slice %arg7[%add3A_92, %scan3A_151] : memref<32x128xi32, #tpu.memory_space<vmem>> -> memref<1x1xi32, #tpu.memory_space<vmem>>
            %dma_start3A_155 = tpu.memref_squeeze %dma_start3A_154 : memref<1x1xi32, #tpu.memory_space<vmem>> -> memref<1xi32, #tpu.memory_space<vmem>>
            %dma_start3A_156 = arith.constant 0 : i32
            %dma_start3A_157 = arith.constant 0 : i32
            %dma_start3A_158 = tpu.memref_slice %arg2[%dma_start3A_156, %dma_start3A_157] : memref<20000x128xf32, #tpu.memory_space<hbm>> -> memref<20000x128xf32, #tpu.memory_space<hbm>>
            tpu.enqueue_indirect_dma source(%dma_start3A_158 : memref<20000x128xf32, #tpu.memory_space<hbm>>) target(%dma_start3A_153 : memref<1x128xf32, #tpu.memory_space<vmem>>) offsets(%dma_start3A_155 : memref<1xi32, #tpu.memory_space<vmem>>) semaphore(%arg12 : memref<!tpu.dma_semaphore, #tpu.memory_space<semaphore_mem>>)
            %scan3A_159 = arith.constant 0 : i32
            %scan3A_160 = arith.constant 6 : i32
            %scan3A_161 = arith.addi %scan3A_100, %scan3A_160 : i32
            %dma_start3A_162 = arith.constant 0 : i32
            %dma_start3A_163 = tpu.memref_slice %arg9[%scan3A_161, %dma_start3A_162] : memref<128x128xf32, #tpu.memory_space<vmem>> -> memref<1x128xf32, #tpu.memory_space<vmem>>
            %dma_start3A_164 = tpu.memref_slice %arg7[%add3A_92, %scan3A_161] : memref<32x128xi32, #tpu.memory_space<vmem>> -> memref<1x1xi32, #tpu.memory_space<vmem>>
            %dma_start3A_165 = tpu.memref_squeeze %dma_start3A_164 : memref<1x1xi32, #tpu.memory_space<vmem>> -> memref<1xi32, #tpu.memory_space<vmem>>
            %dma_start3A_166 = arith.constant 0 : i32
            %dma_start3A_167 = arith.constant 0 : i32
            %dma_start3A_168 = tpu.memref_slice %arg2[%dma_start3A_166, %dma_start3A_167] : memref<20000x128xf32, #tpu.memory_space<hbm>> -> memref<20000x128xf32, #tpu.memory_space<hbm>>
            tpu.enqueue_indirect_dma source(%dma_start3A_168 : memref<20000x128xf32, #tpu.memory_space<hbm>>) target(%dma_start3A_163 : memref<1x128xf32, #tpu.memory_space<vmem>>) offsets(%dma_start3A_165 : memref<1xi32, #tpu.memory_space<vmem>>) semaphore(%arg12 : memref<!tpu.dma_semaphore, #tpu.memory_space<semaphore_mem>>)
            %scan3A_169 = arith.constant 0 : i32
            %scan3A_170 = arith.constant 7 : i32
            %scan3A_171 = arith.addi %scan3A_100, %scan3A_170 : i32
            %dma_start3A_172 = arith.constant 0 : i32
            %dma_start3A_173 = tpu.memref_slice %arg9[%scan3A_171, %dma_start3A_172] : memref<128x128xf32, #tpu.memory_space<vmem>> -> memref<1x128xf32, #tpu.memory_space<vmem>>
            %dma_start3A_174 = tpu.memref_slice %arg7[%add3A_92, %scan3A_171] : memref<32x128xi32, #tpu.memory_space<vmem>> -> memref<1x1xi32, #tpu.memory_space<vmem>>
            %dma_start3A_175 = tpu.memref_squeeze %dma_start3A_174 : memref<1x1xi32, #tpu.memory_space<vmem>> -> memref<1xi32, #tpu.memory_space<vmem>>
            %dma_start3A_176 = arith.constant 0 : i32
            %dma_start3A_177 = arith.constant 0 : i32
            %dma_start3A_178 = tpu.memref_slice %arg2[%dma_start3A_176, %dma_start3A_177] : memref<20000x128xf32, #tpu.memory_space<hbm>> -> memref<20000x128xf32, #tpu.memory_space<hbm>>
            tpu.enqueue_indirect_dma source(%dma_start3A_178 : memref<20000x128xf32, #tpu.memory_space<hbm>>) target(%dma_start3A_173 : memref<1x128xf32, #tpu.memory_space<vmem>>) offsets(%dma_start3A_175 : memref<1xi32, #tpu.memory_space<vmem>>) semaphore(%arg12 : memref<!tpu.dma_semaphore, #tpu.memory_space<semaphore_mem>>)
            %scan3A_179 = arith.constant 0 : i32
            scf.yield %scan3A_179 : i32
          }
          %scan3A_99 = arith.constant 128 : i32
        } else {
        }
        %dma_wait3A_84 = arith.constant 0 : i32
        %dma_wait3A_85 = tpu.memref_slice %arg8[%add3A_67, %dma_wait3A_84] : memref<32x128xi32, #tpu.memory_space<vmem>> -> memref<1x128xi32, #tpu.memory_space<vmem>>
        %dma_wait3A_86 = tpu.memref_squeeze %dma_wait3A_85 : memref<1x128xi32, #tpu.memory_space<vmem>> -> memref<128xi32, #tpu.memory_space<vmem>>
        %dma_wait3A_87 = arith.constant 0 : i32
        %dma_wait3A_88 = arith.constant 0 : i32
        %dma_wait3A_89 = tpu.memref_slice %arg11[%dma_wait3A_87, %dma_wait3A_88] : memref<10112x128xf32, #tpu.memory_space<vmem_shared>> -> memref<10112x128xf32, #tpu.memory_space<vmem_shared>>
        tpu.wait_indirect_dma semaphore(%arg15 : memref<!tpu.dma_semaphore, #tpu.memory_space<semaphore_mem>>) src(%arg10 : memref<128x128xf32, #tpu.memory_space<vmem>>) dst(%dma_wait3A_89 : memref<10112x128xf32, #tpu.memory_space<vmem_shared>>)
        %scan3A_90 = arith.constant 0 : i32
        scf.yield %scan3A_90 : i32
      }
      %scan3A_33 = arith.constant 16 : i32
      %scan3A_34 = arith.constant 0 : i32
      scf.yield %scan3A_34 : i32
    }
    %scan3A_8 = arith.constant 5 : i32
    %barrier3A_9 = arith.constant 0 : index
    tpu.barrier barrier_id(%barrier3A_9)
    %mul3A_10 = arith.constant 632 : i32
    %mul3A_11 = arith.muli %arg1, %mul3A_10 : i32
    %mul3A_12 = arith.constant 632 : i32
    %mul3A_13 = arith.muli %arg1, %mul3A_12 : i32
    "tpu.region"() ({
      %run_scoped3A = tpu.sem_alloc : memref<!tpu.dma_semaphore, #tpu.memory_space<semaphore_mem>>
      %dma_start3A = arith.constant 0 : i32
      %dma_start3A_14 = tpu.memref_slice %arg6[%arg0, %mul3A_13, %dma_start3A] : memref<2x10112x128xf32, #tpu.memory_space<hbm>> -> memref<1x632x128xf32, #tpu.memory_space<hbm>>
      %dma_start3A_15 = tpu.memref_squeeze %dma_start3A_14 : memref<1x632x128xf32, #tpu.memory_space<hbm>> -> memref<632x128xf32, #tpu.memory_space<hbm>>
      %dma_start3A_16 = arith.constant 0 : i32
      %dma_start3A_17 = tpu.memref_slice %arg11[%mul3A_11, %dma_start3A_16] : memref<10112x128xf32, #tpu.memory_space<vmem_shared>> -> memref<632x128xf32, #tpu.memory_space<vmem_shared>>
      tpu.enqueue_dma source(%dma_start3A_17 : memref<632x128xf32, #tpu.memory_space<vmem_shared>>) target(%dma_start3A_15 : memref<632x128xf32, #tpu.memory_space<hbm>>) target_semaphore(%run_scoped3A : memref<!tpu.dma_semaphore, #tpu.memory_space<semaphore_mem>>)
      %dma_wait3A = arith.constant 0 : i32
      %dma_wait3A_18 = tpu.memref_slice %arg6[%arg0, %mul3A_13, %dma_wait3A] : memref<2x10112x128xf32, #tpu.memory_space<hbm>> -> memref<1x632x128xf32, #tpu.memory_space<hbm>>
      %dma_wait3A_19 = tpu.memref_squeeze %dma_wait3A_18 : memref<1x632x128xf32, #tpu.memory_space<hbm>> -> memref<632x128xf32, #tpu.memory_space<hbm>>
      %dma_wait3A_20 = arith.constant 0 : i32
      %dma_wait3A_21 = tpu.memref_slice %arg11[%mul3A_11, %dma_wait3A_20] : memref<10112x128xf32, #tpu.memory_space<vmem_shared>> -> memref<632x128xf32, #tpu.memory_space<vmem_shared>>
      tpu.wait_dma2 semaphore(%run_scoped3A : memref<!tpu.dma_semaphore, #tpu.memory_space<semaphore_mem>>) src(%dma_wait3A_21 : memref<632x128xf32, #tpu.memory_space<vmem_shared>>) dst(%dma_wait3A_19 : memref<632x128xf32, #tpu.memory_space<hbm>>)
      tpu.yield
    }) : () -> ()
    return
  }
}

#map = affine_map<(d0, d1) -> (0, 0)>
#map1 = affine_map<(d0, d1) -> (0, 0, 0)>
module attributes {stable_mosaic.version = 14 : i64} {
  func.func @_sc_agg(%arg0: i32, %arg1: i32, %arg2: memref<20000x128xf32, #tpu.memory_space<hbm>>, %arg3: memref<2x2560x128xi32, #tpu.memory_space<hbm>>, %arg4: memref<2560x128xi32, #tpu.memory_space<hbm>>, %arg5: memref<10112x128xf32, #tpu.memory_space<hbm>>, %arg6: memref<2x10112x128xf32, #tpu.memory_space<hbm>>, %arg7: memref<32x128xi32, #tpu.memory_space<vmem>>, %arg8: memref<32x128xi32, #tpu.memory_space<vmem>>, %arg9: memref<128x128xf32, #tpu.memory_space<vmem>>, %arg10: memref<128x128xf32, #tpu.memory_space<vmem>>, %arg11: memref<10112x128xf32, #tpu.memory_space<vmem_shared>>, %arg12: memref<!tpu.dma_semaphore, #tpu.memory_space<semaphore_mem>>, %arg13: memref<!tpu.dma_semaphore, #tpu.memory_space<semaphore_mem>>, %arg14: memref<!tpu.dma_semaphore, #tpu.memory_space<semaphore_mem>>, %arg15: memref<!tpu.dma_semaphore, #tpu.memory_space<semaphore_mem>>) attributes {dimension_semantics = [#tpu.dimension_semantics<core_parallel>, #tpu.dimension_semantics<subcore_parallel>], iteration_bounds = array<i64: 2, 16>, scalar_prefetch = 0 : i64, scratch_operands = 9 : i64, tpu.core_type = #tpu.core_type<sc_vector_subcore>, window_params = [{transform_indices = #map}, {transform_indices = #map1}, {transform_indices = #map}, {transform_indices = #map}, {transform_indices = #map1}]} {
    %mul3A = arith.constant 632 : i32
    %mul3A_0 = arith.muli %arg1, %mul3A : i32
    %mul3A_1 = arith.constant 632 : i32
    %mul3A_2 = arith.muli %arg1, %mul3A_1 : i32
    "tpu.region"() ({
      %run_scoped3A = tpu.sem_alloc : memref<!tpu.dma_semaphore, #tpu.memory_space<semaphore_mem>>
      %dma_start3A = arith.constant 0 : i32
      %dma_start3A_14 = tpu.memref_slice %arg11[%mul3A_2, %dma_start3A] : memref<10112x128xf32, #tpu.memory_space<vmem_shared>> -> memref<632x128xf32, #tpu.memory_space<vmem_shared>>
      %dma_start3A_15 = arith.constant 0 : i32
      %dma_start3A_16 = tpu.memref_slice %arg5[%mul3A_0, %dma_start3A_15] : memref<10112x128xf32, #tpu.memory_space<hbm>> -> memref<632x128xf32, #tpu.memory_space<hbm>>
      tpu.enqueue_dma source(%dma_start3A_16 : memref<632x128xf32, #tpu.memory_space<hbm>>) target(%dma_start3A_14 : memref<632x128xf32, #tpu.memory_space<vmem_shared>>) target_semaphore(%run_scoped3A : memref<!tpu.dma_semaphore, #tpu.memory_space<semaphore_mem>>)
      %dma_wait3A = arith.constant 0 : i32
      %dma_wait3A_17 = tpu.memref_slice %arg11[%mul3A_2, %dma_wait3A] : memref<10112x128xf32, #tpu.memory_space<vmem_shared>> -> memref<632x128xf32, #tpu.memory_space<vmem_shared>>
      %dma_wait3A_18 = arith.constant 0 : i32
      %dma_wait3A_19 = tpu.memref_slice %arg5[%mul3A_0, %dma_wait3A_18] : memref<10112x128xf32, #tpu.memory_space<hbm>> -> memref<632x128xf32, #tpu.memory_space<hbm>>
      tpu.wait_dma2 semaphore(%run_scoped3A : memref<!tpu.dma_semaphore, #tpu.memory_space<semaphore_mem>>) src(%dma_wait3A_19 : memref<632x128xf32, #tpu.memory_space<hbm>>) dst(%dma_wait3A_17 : memref<632x128xf32, #tpu.memory_space<vmem_shared>>)
      tpu.yield
    }) : () -> ()
    %barrier3A = arith.constant 0 : index
    tpu.barrier barrier_id(%barrier3A)
    %scan3A = arith.constant 0 : i32
    %scan3A_3 = arith.constant 0 : i32
    %scan3A_4 = arith.constant 5 : i32
    %scan3A_5 = arith.addi %scan3A_3, %scan3A_4 : i32
    %scan3A_6 = arith.constant 1 : i32
    %scan3A_7 = scf.for %scan3A_14 = %scan3A_3 to %scan3A_5 step %scan3A_6 iter_args(%scan3A_15 = %scan3A) -> (i32)  : i32 {
      %mul3A_16 = arith.constant 160 : i32
      %mul3A_17 = arith.muli %arg1, %mul3A_16 : i32
      %mul3A_18 = arith.constant 32 : i32
      %mul3A_19 = arith.muli %scan3A_14, %mul3A_18 : i32
      %add3A = arith.addi %mul3A_17, %mul3A_19 : i32
      "tpu.region"() ({
        %run_scoped3A = tpu.sem_alloc : memref<!tpu.dma_semaphore, #tpu.memory_space<semaphore_mem>>
        %dma_start3A = arith.constant 0 : i32
        %dma_start3A_35 = tpu.memref_slice %arg3[%arg0, %add3A, %dma_start3A] : memref<2x2560x128xi32, #tpu.memory_space<hbm>> -> memref<1x32x128xi32, #tpu.memory_space<hbm>>
        %dma_start3A_36 = tpu.memref_squeeze %dma_start3A_35 : memref<1x32x128xi32, #tpu.memory_space<hbm>> -> memref<32x128xi32, #tpu.memory_space<hbm>>
        %dma_start3A_37 = arith.constant 0 : i32
        %dma_start3A_38 = tpu.memref_slice %arg3[%arg0, %add3A, %dma_start3A_37] : memref<2x2560x128xi32, #tpu.memory_space<hbm>> -> memref<1x32x128xi32, #tpu.memory_space<hbm>>
        %dma_start3A_39 = tpu.memref_squeeze %dma_start3A_38 : memref<1x32x128xi32, #tpu.memory_space<hbm>> -> memref<32x128xi32, #tpu.memory_space<hbm>>
        tpu.enqueue_dma source(%dma_start3A_39 : memref<32x128xi32, #tpu.memory_space<hbm>>) target(%arg7 : memref<32x128xi32, #tpu.memory_space<vmem>>) target_semaphore(%run_scoped3A : memref<!tpu.dma_semaphore, #tpu.memory_space<semaphore_mem>>)
        %dma_wait3A = arith.constant 0 : i32
        %dma_wait3A_40 = tpu.memref_slice %arg3[%arg0, %add3A, %dma_wait3A] : memref<2x2560x128xi32, #tpu.memory_space<hbm>> -> memref<1x32x128xi32, #tpu.memory_space<hbm>>
        %dma_wait3A_41 = tpu.memref_squeeze %dma_wait3A_40 : memref<1x32x128xi32, #tpu.memory_space<hbm>> -> memref<32x128xi32, #tpu.memory_space<hbm>>
        %dma_wait3A_42 = arith.constant 0 : i32
        %dma_wait3A_43 = tpu.memref_slice %arg3[%arg0, %add3A, %dma_wait3A_42] : memref<2x2560x128xi32, #tpu.memory_space<hbm>> -> memref<1x32x128xi32, #tpu.memory_space<hbm>>
        %dma_wait3A_44 = tpu.memref_squeeze %dma_wait3A_43 : memref<1x32x128xi32, #tpu.memory_space<hbm>> -> memref<32x128xi32, #tpu.memory_space<hbm>>
        tpu.wait_dma2 semaphore(%run_scoped3A : memref<!tpu.dma_semaphore, #tpu.memory_space<semaphore_mem>>) src(%dma_wait3A_44 : memref<32x128xi32, #tpu.memory_space<hbm>>) dst(%arg7 : memref<32x128xi32, #tpu.memory_space<vmem>>)
        tpu.yield
      }) : () -> ()
      "tpu.region"() ({
        %run_scoped3A = tpu.sem_alloc : memref<!tpu.dma_semaphore, #tpu.memory_space<semaphore_mem>>
        %dma_start3A = arith.constant 0 : i32
        %dma_start3A_35 = tpu.memref_slice %arg4[%add3A, %dma_start3A] : memref<2560x128xi32, #tpu.memory_space<hbm>> -> memref<32x128xi32, #tpu.memory_space<hbm>>
        %dma_start3A_36 = arith.constant 0 : i32
        %dma_start3A_37 = tpu.memref_slice %arg4[%add3A, %dma_start3A_36] : memref<2560x128xi32, #tpu.memory_space<hbm>> -> memref<32x128xi32, #tpu.memory_space<hbm>>
        tpu.enqueue_dma source(%dma_start3A_37 : memref<32x128xi32, #tpu.memory_space<hbm>>) target(%arg8 : memref<32x128xi32, #tpu.memory_space<vmem>>) target_semaphore(%run_scoped3A : memref<!tpu.dma_semaphore, #tpu.memory_space<semaphore_mem>>)
        %dma_wait3A = arith.constant 0 : i32
        %dma_wait3A_38 = tpu.memref_slice %arg4[%add3A, %dma_wait3A] : memref<2560x128xi32, #tpu.memory_space<hbm>> -> memref<32x128xi32, #tpu.memory_space<hbm>>
        %dma_wait3A_39 = arith.constant 0 : i32
        %dma_wait3A_40 = tpu.memref_slice %arg4[%add3A, %dma_wait3A_39] : memref<2560x128xi32, #tpu.memory_space<hbm>> -> memref<32x128xi32, #tpu.memory_space<hbm>>
        tpu.wait_dma2 semaphore(%run_scoped3A : memref<!tpu.dma_semaphore, #tpu.memory_space<semaphore_mem>>) src(%dma_wait3A_40 : memref<32x128xi32, #tpu.memory_space<hbm>>) dst(%arg8 : memref<32x128xi32, #tpu.memory_space<vmem>>)
        tpu.yield
      }) : () -> ()
      %scan3A_20 = arith.constant 0 : i32
      %scan3A_21 = arith.constant 0 : i32
      %scan3A_22 = arith.constant 128 : i32
      %scan3A_23 = arith.addi %scan3A_21, %scan3A_22 : i32
      %scan3A_24 = arith.constant 8 : i32
      %scan3A_25 = scf.for %scan3A_35 = %scan3A_21 to %scan3A_23 step %scan3A_24 iter_args(%scan3A_36 = %scan3A_20) -> (i32)  : i32 {
        %dma_start3A = arith.constant 0 : i32
        %dma_start3A_37 = arith.constant 0 : i32
        %dma_start3A_38 = tpu.memref_slice %arg9[%scan3A_35, %dma_start3A_37] : memref<128x128xf32, #tpu.memory_space<vmem>> -> memref<1x128xf32, #tpu.memory_space<vmem>>
        %dma_start3A_39 = tpu.memref_slice %arg7[%dma_start3A, %scan3A_35] : memref<32x128xi32, #tpu.memory_space<vmem>> -> memref<1x1xi32, #tpu.memory_space<vmem>>
        %dma_start3A_40 = tpu.memref_squeeze %dma_start3A_39 : memref<1x1xi32, #tpu.memory_space<vmem>> -> memref<1xi32, #tpu.memory_space<vmem>>
        %dma_start3A_41 = arith.constant 0 : i32
        %dma_start3A_42 = arith.constant 0 : i32
        %dma_start3A_43 = tpu.memref_slice %arg2[%dma_start3A_41, %dma_start3A_42] : memref<20000x128xf32, #tpu.memory_space<hbm>> -> memref<20000x128xf32, #tpu.memory_space<hbm>>
        tpu.enqueue_indirect_dma source(%dma_start3A_43 : memref<20000x128xf32, #tpu.memory_space<hbm>>) target(%dma_start3A_38 : memref<1x128xf32, #tpu.memory_space<vmem>>) offsets(%dma_start3A_40 : memref<1xi32, #tpu.memory_space<vmem>>) semaphore(%arg12 : memref<!tpu.dma_semaphore, #tpu.memory_space<semaphore_mem>>)
        %scan3A_44 = arith.constant 0 : i32
        %scan3A_45 = arith.constant 1 : i32
        %scan3A_46 = arith.addi %scan3A_35, %scan3A_45 : i32
        %dma_start3A_47 = arith.constant 0 : i32
        %dma_start3A_48 = arith.constant 0 : i32
        %dma_start3A_49 = tpu.memref_slice %arg9[%scan3A_46, %dma_start3A_48] : memref<128x128xf32, #tpu.memory_space<vmem>> -> memref<1x128xf32, #tpu.memory_space<vmem>>
        %dma_start3A_50 = tpu.memref_slice %arg7[%dma_start3A_47, %scan3A_46] : memref<32x128xi32, #tpu.memory_space<vmem>> -> memref<1x1xi32, #tpu.memory_space<vmem>>
        %dma_start3A_51 = tpu.memref_squeeze %dma_start3A_50 : memref<1x1xi32, #tpu.memory_space<vmem>> -> memref<1xi32, #tpu.memory_space<vmem>>
        %dma_start3A_52 = arith.constant 0 : i32
        %dma_start3A_53 = arith.constant 0 : i32
        %dma_start3A_54 = tpu.memref_slice %arg2[%dma_start3A_52, %dma_start3A_53] : memref<20000x128xf32, #tpu.memory_space<hbm>> -> memref<20000x128xf32, #tpu.memory_space<hbm>>
        tpu.enqueue_indirect_dma source(%dma_start3A_54 : memref<20000x128xf32, #tpu.memory_space<hbm>>) target(%dma_start3A_49 : memref<1x128xf32, #tpu.memory_space<vmem>>) offsets(%dma_start3A_51 : memref<1xi32, #tpu.memory_space<vmem>>) semaphore(%arg12 : memref<!tpu.dma_semaphore, #tpu.memory_space<semaphore_mem>>)
        %scan3A_55 = arith.constant 0 : i32
        %scan3A_56 = arith.constant 2 : i32
        %scan3A_57 = arith.addi %scan3A_35, %scan3A_56 : i32
        %dma_start3A_58 = arith.constant 0 : i32
        %dma_start3A_59 = arith.constant 0 : i32
        %dma_start3A_60 = tpu.memref_slice %arg9[%scan3A_57, %dma_start3A_59] : memref<128x128xf32, #tpu.memory_space<vmem>> -> memref<1x128xf32, #tpu.memory_space<vmem>>
        %dma_start3A_61 = tpu.memref_slice %arg7[%dma_start3A_58, %scan3A_57] : memref<32x128xi32, #tpu.memory_space<vmem>> -> memref<1x1xi32, #tpu.memory_space<vmem>>
        %dma_start3A_62 = tpu.memref_squeeze %dma_start3A_61 : memref<1x1xi32, #tpu.memory_space<vmem>> -> memref<1xi32, #tpu.memory_space<vmem>>
        %dma_start3A_63 = arith.constant 0 : i32
        %dma_start3A_64 = arith.constant 0 : i32
        %dma_start3A_65 = tpu.memref_slice %arg2[%dma_start3A_63, %dma_start3A_64] : memref<20000x128xf32, #tpu.memory_space<hbm>> -> memref<20000x128xf32, #tpu.memory_space<hbm>>
        tpu.enqueue_indirect_dma source(%dma_start3A_65 : memref<20000x128xf32, #tpu.memory_space<hbm>>) target(%dma_start3A_60 : memref<1x128xf32, #tpu.memory_space<vmem>>) offsets(%dma_start3A_62 : memref<1xi32, #tpu.memory_space<vmem>>) semaphore(%arg12 : memref<!tpu.dma_semaphore, #tpu.memory_space<semaphore_mem>>)
        %scan3A_66 = arith.constant 0 : i32
        %scan3A_67 = arith.constant 3 : i32
        %scan3A_68 = arith.addi %scan3A_35, %scan3A_67 : i32
        %dma_start3A_69 = arith.constant 0 : i32
        %dma_start3A_70 = arith.constant 0 : i32
        %dma_start3A_71 = tpu.memref_slice %arg9[%scan3A_68, %dma_start3A_70] : memref<128x128xf32, #tpu.memory_space<vmem>> -> memref<1x128xf32, #tpu.memory_space<vmem>>
        %dma_start3A_72 = tpu.memref_slice %arg7[%dma_start3A_69, %scan3A_68] : memref<32x128xi32, #tpu.memory_space<vmem>> -> memref<1x1xi32, #tpu.memory_space<vmem>>
        %dma_start3A_73 = tpu.memref_squeeze %dma_start3A_72 : memref<1x1xi32, #tpu.memory_space<vmem>> -> memref<1xi32, #tpu.memory_space<vmem>>
        %dma_start3A_74 = arith.constant 0 : i32
        %dma_start3A_75 = arith.constant 0 : i32
        %dma_start3A_76 = tpu.memref_slice %arg2[%dma_start3A_74, %dma_start3A_75] : memref<20000x128xf32, #tpu.memory_space<hbm>> -> memref<20000x128xf32, #tpu.memory_space<hbm>>
        tpu.enqueue_indirect_dma source(%dma_start3A_76 : memref<20000x128xf32, #tpu.memory_space<hbm>>) target(%dma_start3A_71 : memref<1x128xf32, #tpu.memory_space<vmem>>) offsets(%dma_start3A_73 : memref<1xi32, #tpu.memory_space<vmem>>) semaphore(%arg12 : memref<!tpu.dma_semaphore, #tpu.memory_space<semaphore_mem>>)
        %scan3A_77 = arith.constant 0 : i32
        %scan3A_78 = arith.constant 4 : i32
        %scan3A_79 = arith.addi %scan3A_35, %scan3A_78 : i32
        %dma_start3A_80 = arith.constant 0 : i32
        %dma_start3A_81 = arith.constant 0 : i32
        %dma_start3A_82 = tpu.memref_slice %arg9[%scan3A_79, %dma_start3A_81] : memref<128x128xf32, #tpu.memory_space<vmem>> -> memref<1x128xf32, #tpu.memory_space<vmem>>
        %dma_start3A_83 = tpu.memref_slice %arg7[%dma_start3A_80, %scan3A_79] : memref<32x128xi32, #tpu.memory_space<vmem>> -> memref<1x1xi32, #tpu.memory_space<vmem>>
        %dma_start3A_84 = tpu.memref_squeeze %dma_start3A_83 : memref<1x1xi32, #tpu.memory_space<vmem>> -> memref<1xi32, #tpu.memory_space<vmem>>
        %dma_start3A_85 = arith.constant 0 : i32
        %dma_start3A_86 = arith.constant 0 : i32
        %dma_start3A_87 = tpu.memref_slice %arg2[%dma_start3A_85, %dma_start3A_86] : memref<20000x128xf32, #tpu.memory_space<hbm>> -> memref<20000x128xf32, #tpu.memory_space<hbm>>
        tpu.enqueue_indirect_dma source(%dma_start3A_87 : memref<20000x128xf32, #tpu.memory_space<hbm>>) target(%dma_start3A_82 : memref<1x128xf32, #tpu.memory_space<vmem>>) offsets(%dma_start3A_84 : memref<1xi32, #tpu.memory_space<vmem>>) semaphore(%arg12 : memref<!tpu.dma_semaphore, #tpu.memory_space<semaphore_mem>>)
        %scan3A_88 = arith.constant 0 : i32
        %scan3A_89 = arith.constant 5 : i32
        %scan3A_90 = arith.addi %scan3A_35, %scan3A_89 : i32
        %dma_start3A_91 = arith.constant 0 : i32
        %dma_start3A_92 = arith.constant 0 : i32
        %dma_start3A_93 = tpu.memref_slice %arg9[%scan3A_90, %dma_start3A_92] : memref<128x128xf32, #tpu.memory_space<vmem>> -> memref<1x128xf32, #tpu.memory_space<vmem>>
        %dma_start3A_94 = tpu.memref_slice %arg7[%dma_start3A_91, %scan3A_90] : memref<32x128xi32, #tpu.memory_space<vmem>> -> memref<1x1xi32, #tpu.memory_space<vmem>>
        %dma_start3A_95 = tpu.memref_squeeze %dma_start3A_94 : memref<1x1xi32, #tpu.memory_space<vmem>> -> memref<1xi32, #tpu.memory_space<vmem>>
        %dma_start3A_96 = arith.constant 0 : i32
        %dma_start3A_97 = arith.constant 0 : i32
        %dma_start3A_98 = tpu.memref_slice %arg2[%dma_start3A_96, %dma_start3A_97] : memref<20000x128xf32, #tpu.memory_space<hbm>> -> memref<20000x128xf32, #tpu.memory_space<hbm>>
        tpu.enqueue_indirect_dma source(%dma_start3A_98 : memref<20000x128xf32, #tpu.memory_space<hbm>>) target(%dma_start3A_93 : memref<1x128xf32, #tpu.memory_space<vmem>>) offsets(%dma_start3A_95 : memref<1xi32, #tpu.memory_space<vmem>>) semaphore(%arg12 : memref<!tpu.dma_semaphore, #tpu.memory_space<semaphore_mem>>)
        %scan3A_99 = arith.constant 0 : i32
        %scan3A_100 = arith.constant 6 : i32
        %scan3A_101 = arith.addi %scan3A_35, %scan3A_100 : i32
        %dma_start3A_102 = arith.constant 0 : i32
        %dma_start3A_103 = arith.constant 0 : i32
        %dma_start3A_104 = tpu.memref_slice %arg9[%scan3A_101, %dma_start3A_103] : memref<128x128xf32, #tpu.memory_space<vmem>> -> memref<1x128xf32, #tpu.memory_space<vmem>>
        %dma_start3A_105 = tpu.memref_slice %arg7[%dma_start3A_102, %scan3A_101] : memref<32x128xi32, #tpu.memory_space<vmem>> -> memref<1x1xi32, #tpu.memory_space<vmem>>
        %dma_start3A_106 = tpu.memref_squeeze %dma_start3A_105 : memref<1x1xi32, #tpu.memory_space<vmem>> -> memref<1xi32, #tpu.memory_space<vmem>>
        %dma_start3A_107 = arith.constant 0 : i32
        %dma_start3A_108 = arith.constant 0 : i32
        %dma_start3A_109 = tpu.memref_slice %arg2[%dma_start3A_107, %dma_start3A_108] : memref<20000x128xf32, #tpu.memory_space<hbm>> -> memref<20000x128xf32, #tpu.memory_space<hbm>>
        tpu.enqueue_indirect_dma source(%dma_start3A_109 : memref<20000x128xf32, #tpu.memory_space<hbm>>) target(%dma_start3A_104 : memref<1x128xf32, #tpu.memory_space<vmem>>) offsets(%dma_start3A_106 : memref<1xi32, #tpu.memory_space<vmem>>) semaphore(%arg12 : memref<!tpu.dma_semaphore, #tpu.memory_space<semaphore_mem>>)
        %scan3A_110 = arith.constant 0 : i32
        %scan3A_111 = arith.constant 7 : i32
        %scan3A_112 = arith.addi %scan3A_35, %scan3A_111 : i32
        %dma_start3A_113 = arith.constant 0 : i32
        %dma_start3A_114 = arith.constant 0 : i32
        %dma_start3A_115 = tpu.memref_slice %arg9[%scan3A_112, %dma_start3A_114] : memref<128x128xf32, #tpu.memory_space<vmem>> -> memref<1x128xf32, #tpu.memory_space<vmem>>
        %dma_start3A_116 = tpu.memref_slice %arg7[%dma_start3A_113, %scan3A_112] : memref<32x128xi32, #tpu.memory_space<vmem>> -> memref<1x1xi32, #tpu.memory_space<vmem>>
        %dma_start3A_117 = tpu.memref_squeeze %dma_start3A_116 : memref<1x1xi32, #tpu.memory_space<vmem>> -> memref<1xi32, #tpu.memory_space<vmem>>
        %dma_start3A_118 = arith.constant 0 : i32
        %dma_start3A_119 = arith.constant 0 : i32
        %dma_start3A_120 = tpu.memref_slice %arg2[%dma_start3A_118, %dma_start3A_119] : memref<20000x128xf32, #tpu.memory_space<hbm>> -> memref<20000x128xf32, #tpu.memory_space<hbm>>
        tpu.enqueue_indirect_dma source(%dma_start3A_120 : memref<20000x128xf32, #tpu.memory_space<hbm>>) target(%dma_start3A_115 : memref<1x128xf32, #tpu.memory_space<vmem>>) offsets(%dma_start3A_117 : memref<1xi32, #tpu.memory_space<vmem>>) semaphore(%arg12 : memref<!tpu.dma_semaphore, #tpu.memory_space<semaphore_mem>>)
        %scan3A_121 = arith.constant 0 : i32
        scf.yield %scan3A_121 : i32
      }
      %scan3A_26 = arith.constant 128 : i32
      %scan3A_27 = arith.constant 0 : i32
      %scan3A_28 = arith.constant 0 : i32
      %scan3A_29 = arith.constant 16 : i32
      %scan3A_30 = arith.addi %scan3A_28, %scan3A_29 : i32
      %scan3A_31 = arith.constant 1 : i32
      %scan3A_32 = scf.for %scan3A_35 = %scan3A_28 to %scan3A_30 step %scan3A_31 iter_args(%scan3A_36 = %scan3A_27) -> (i32)  : i32 {
        %mul3A_37 = arith.constant 2 : i32
        %mul3A_38 = arith.muli %mul3A_37, %scan3A_35 : i32
        %add3A_39 = arith.constant 1 : i32
        %add3A_40 = arith.addi %mul3A_38, %add3A_39 : i32
        %scan3A_41 = arith.constant 0 : i32
        %scan3A_42 = arith.constant 0 : i32
        %scan3A_43 = arith.constant 128 : i32
        %scan3A_44 = arith.addi %scan3A_42, %scan3A_43 : i32
        %scan3A_45 = arith.constant 8 : i32
        %scan3A_46 = scf.for %scan3A_91 = %scan3A_42 to %scan3A_44 step %scan3A_45 iter_args(%scan3A_92 = %scan3A_41) -> (i32)  : i32 {
          %dma_start3A_93 = arith.constant 0 : i32
          %dma_start3A_94 = tpu.memref_slice %arg10[%scan3A_91, %dma_start3A_93] : memref<128x128xf32, #tpu.memory_space<vmem>> -> memref<1x128xf32, #tpu.memory_space<vmem>>
          %dma_start3A_95 = tpu.memref_slice %arg7[%add3A_40, %scan3A_91] : memref<32x128xi32, #tpu.memory_space<vmem>> -> memref<1x1xi32, #tpu.memory_space<vmem>>
          %dma_start3A_96 = tpu.memref_squeeze %dma_start3A_95 : memref<1x1xi32, #tpu.memory_space<vmem>> -> memref<1xi32, #tpu.memory_space<vmem>>
          %dma_start3A_97 = arith.constant 0 : i32
          %dma_start3A_98 = arith.constant 0 : i32
          %dma_start3A_99 = tpu.memref_slice %arg2[%dma_start3A_97, %dma_start3A_98] : memref<20000x128xf32, #tpu.memory_space<hbm>> -> memref<20000x128xf32, #tpu.memory_space<hbm>>
          tpu.enqueue_indirect_dma source(%dma_start3A_99 : memref<20000x128xf32, #tpu.memory_space<hbm>>) target(%dma_start3A_94 : memref<1x128xf32, #tpu.memory_space<vmem>>) offsets(%dma_start3A_96 : memref<1xi32, #tpu.memory_space<vmem>>) semaphore(%arg13 : memref<!tpu.dma_semaphore, #tpu.memory_space<semaphore_mem>>)
          %scan3A_100 = arith.constant 0 : i32
          %scan3A_101 = arith.constant 1 : i32
          %scan3A_102 = arith.addi %scan3A_91, %scan3A_101 : i32
          %dma_start3A_103 = arith.constant 0 : i32
          %dma_start3A_104 = tpu.memref_slice %arg10[%scan3A_102, %dma_start3A_103] : memref<128x128xf32, #tpu.memory_space<vmem>> -> memref<1x128xf32, #tpu.memory_space<vmem>>
          %dma_start3A_105 = tpu.memref_slice %arg7[%add3A_40, %scan3A_102] : memref<32x128xi32, #tpu.memory_space<vmem>> -> memref<1x1xi32, #tpu.memory_space<vmem>>
          %dma_start3A_106 = tpu.memref_squeeze %dma_start3A_105 : memref<1x1xi32, #tpu.memory_space<vmem>> -> memref<1xi32, #tpu.memory_space<vmem>>
          %dma_start3A_107 = arith.constant 0 : i32
          %dma_start3A_108 = arith.constant 0 : i32
          %dma_start3A_109 = tpu.memref_slice %arg2[%dma_start3A_107, %dma_start3A_108] : memref<20000x128xf32, #tpu.memory_space<hbm>> -> memref<20000x128xf32, #tpu.memory_space<hbm>>
          tpu.enqueue_indirect_dma source(%dma_start3A_109 : memref<20000x128xf32, #tpu.memory_space<hbm>>) target(%dma_start3A_104 : memref<1x128xf32, #tpu.memory_space<vmem>>) offsets(%dma_start3A_106 : memref<1xi32, #tpu.memory_space<vmem>>) semaphore(%arg13 : memref<!tpu.dma_semaphore, #tpu.memory_space<semaphore_mem>>)
          %scan3A_110 = arith.constant 0 : i32
          %scan3A_111 = arith.constant 2 : i32
          %scan3A_112 = arith.addi %scan3A_91, %scan3A_111 : i32
          %dma_start3A_113 = arith.constant 0 : i32
          %dma_start3A_114 = tpu.memref_slice %arg10[%scan3A_112, %dma_start3A_113] : memref<128x128xf32, #tpu.memory_space<vmem>> -> memref<1x128xf32, #tpu.memory_space<vmem>>
          %dma_start3A_115 = tpu.memref_slice %arg7[%add3A_40, %scan3A_112] : memref<32x128xi32, #tpu.memory_space<vmem>> -> memref<1x1xi32, #tpu.memory_space<vmem>>
          %dma_start3A_116 = tpu.memref_squeeze %dma_start3A_115 : memref<1x1xi32, #tpu.memory_space<vmem>> -> memref<1xi32, #tpu.memory_space<vmem>>
          %dma_start3A_117 = arith.constant 0 : i32
          %dma_start3A_118 = arith.constant 0 : i32
          %dma_start3A_119 = tpu.memref_slice %arg2[%dma_start3A_117, %dma_start3A_118] : memref<20000x128xf32, #tpu.memory_space<hbm>> -> memref<20000x128xf32, #tpu.memory_space<hbm>>
          tpu.enqueue_indirect_dma source(%dma_start3A_119 : memref<20000x128xf32, #tpu.memory_space<hbm>>) target(%dma_start3A_114 : memref<1x128xf32, #tpu.memory_space<vmem>>) offsets(%dma_start3A_116 : memref<1xi32, #tpu.memory_space<vmem>>) semaphore(%arg13 : memref<!tpu.dma_semaphore, #tpu.memory_space<semaphore_mem>>)
          %scan3A_120 = arith.constant 0 : i32
          %scan3A_121 = arith.constant 3 : i32
          %scan3A_122 = arith.addi %scan3A_91, %scan3A_121 : i32
          %dma_start3A_123 = arith.constant 0 : i32
          %dma_start3A_124 = tpu.memref_slice %arg10[%scan3A_122, %dma_start3A_123] : memref<128x128xf32, #tpu.memory_space<vmem>> -> memref<1x128xf32, #tpu.memory_space<vmem>>
          %dma_start3A_125 = tpu.memref_slice %arg7[%add3A_40, %scan3A_122] : memref<32x128xi32, #tpu.memory_space<vmem>> -> memref<1x1xi32, #tpu.memory_space<vmem>>
          %dma_start3A_126 = tpu.memref_squeeze %dma_start3A_125 : memref<1x1xi32, #tpu.memory_space<vmem>> -> memref<1xi32, #tpu.memory_space<vmem>>
          %dma_start3A_127 = arith.constant 0 : i32
          %dma_start3A_128 = arith.constant 0 : i32
          %dma_start3A_129 = tpu.memref_slice %arg2[%dma_start3A_127, %dma_start3A_128] : memref<20000x128xf32, #tpu.memory_space<hbm>> -> memref<20000x128xf32, #tpu.memory_space<hbm>>
          tpu.enqueue_indirect_dma source(%dma_start3A_129 : memref<20000x128xf32, #tpu.memory_space<hbm>>) target(%dma_start3A_124 : memref<1x128xf32, #tpu.memory_space<vmem>>) offsets(%dma_start3A_126 : memref<1xi32, #tpu.memory_space<vmem>>) semaphore(%arg13 : memref<!tpu.dma_semaphore, #tpu.memory_space<semaphore_mem>>)
          %scan3A_130 = arith.constant 0 : i32
          %scan3A_131 = arith.constant 4 : i32
          %scan3A_132 = arith.addi %scan3A_91, %scan3A_131 : i32
          %dma_start3A_133 = arith.constant 0 : i32
          %dma_start3A_134 = tpu.memref_slice %arg10[%scan3A_132, %dma_start3A_133] : memref<128x128xf32, #tpu.memory_space<vmem>> -> memref<1x128xf32, #tpu.memory_space<vmem>>
          %dma_start3A_135 = tpu.memref_slice %arg7[%add3A_40, %scan3A_132] : memref<32x128xi32, #tpu.memory_space<vmem>> -> memref<1x1xi32, #tpu.memory_space<vmem>>
          %dma_start3A_136 = tpu.memref_squeeze %dma_start3A_135 : memref<1x1xi32, #tpu.memory_space<vmem>> -> memref<1xi32, #tpu.memory_space<vmem>>
          %dma_start3A_137 = arith.constant 0 : i32
          %dma_start3A_138 = arith.constant 0 : i32
          %dma_start3A_139 = tpu.memref_slice %arg2[%dma_start3A_137, %dma_start3A_138] : memref<20000x128xf32, #tpu.memory_space<hbm>> -> memref<20000x128xf32, #tpu.memory_space<hbm>>
          tpu.enqueue_indirect_dma source(%dma_start3A_139 : memref<20000x128xf32, #tpu.memory_space<hbm>>) target(%dma_start3A_134 : memref<1x128xf32, #tpu.memory_space<vmem>>) offsets(%dma_start3A_136 : memref<1xi32, #tpu.memory_space<vmem>>) semaphore(%arg13 : memref<!tpu.dma_semaphore, #tpu.memory_space<semaphore_mem>>)
          %scan3A_140 = arith.constant 0 : i32
          %scan3A_141 = arith.constant 5 : i32
          %scan3A_142 = arith.addi %scan3A_91, %scan3A_141 : i32
          %dma_start3A_143 = arith.constant 0 : i32
          %dma_start3A_144 = tpu.memref_slice %arg10[%scan3A_142, %dma_start3A_143] : memref<128x128xf32, #tpu.memory_space<vmem>> -> memref<1x128xf32, #tpu.memory_space<vmem>>
          %dma_start3A_145 = tpu.memref_slice %arg7[%add3A_40, %scan3A_142] : memref<32x128xi32, #tpu.memory_space<vmem>> -> memref<1x1xi32, #tpu.memory_space<vmem>>
          %dma_start3A_146 = tpu.memref_squeeze %dma_start3A_145 : memref<1x1xi32, #tpu.memory_space<vmem>> -> memref<1xi32, #tpu.memory_space<vmem>>
          %dma_start3A_147 = arith.constant 0 : i32
          %dma_start3A_148 = arith.constant 0 : i32
          %dma_start3A_149 = tpu.memref_slice %arg2[%dma_start3A_147, %dma_start3A_148] : memref<20000x128xf32, #tpu.memory_space<hbm>> -> memref<20000x128xf32, #tpu.memory_space<hbm>>
          tpu.enqueue_indirect_dma source(%dma_start3A_149 : memref<20000x128xf32, #tpu.memory_space<hbm>>) target(%dma_start3A_144 : memref<1x128xf32, #tpu.memory_space<vmem>>) offsets(%dma_start3A_146 : memref<1xi32, #tpu.memory_space<vmem>>) semaphore(%arg13 : memref<!tpu.dma_semaphore, #tpu.memory_space<semaphore_mem>>)
          %scan3A_150 = arith.constant 0 : i32
          %scan3A_151 = arith.constant 6 : i32
          %scan3A_152 = arith.addi %scan3A_91, %scan3A_151 : i32
          %dma_start3A_153 = arith.constant 0 : i32
          %dma_start3A_154 = tpu.memref_slice %arg10[%scan3A_152, %dma_start3A_153] : memref<128x128xf32, #tpu.memory_space<vmem>> -> memref<1x128xf32, #tpu.memory_space<vmem>>
          %dma_start3A_155 = tpu.memref_slice %arg7[%add3A_40, %scan3A_152] : memref<32x128xi32, #tpu.memory_space<vmem>> -> memref<1x1xi32, #tpu.memory_space<vmem>>
          %dma_start3A_156 = tpu.memref_squeeze %dma_start3A_155 : memref<1x1xi32, #tpu.memory_space<vmem>> -> memref<1xi32, #tpu.memory_space<vmem>>
          %dma_start3A_157 = arith.constant 0 : i32
          %dma_start3A_158 = arith.constant 0 : i32
          %dma_start3A_159 = tpu.memref_slice %arg2[%dma_start3A_157, %dma_start3A_158] : memref<20000x128xf32, #tpu.memory_space<hbm>> -> memref<20000x128xf32, #tpu.memory_space<hbm>>
          tpu.enqueue_indirect_dma source(%dma_start3A_159 : memref<20000x128xf32, #tpu.memory_space<hbm>>) target(%dma_start3A_154 : memref<1x128xf32, #tpu.memory_space<vmem>>) offsets(%dma_start3A_156 : memref<1xi32, #tpu.memory_space<vmem>>) semaphore(%arg13 : memref<!tpu.dma_semaphore, #tpu.memory_space<semaphore_mem>>)
          %scan3A_160 = arith.constant 0 : i32
          %scan3A_161 = arith.constant 7 : i32
          %scan3A_162 = arith.addi %scan3A_91, %scan3A_161 : i32
          %dma_start3A_163 = arith.constant 0 : i32
          %dma_start3A_164 = tpu.memref_slice %arg10[%scan3A_162, %dma_start3A_163] : memref<128x128xf32, #tpu.memory_space<vmem>> -> memref<1x128xf32, #tpu.memory_space<vmem>>
          %dma_start3A_165 = tpu.memref_slice %arg7[%add3A_40, %scan3A_162] : memref<32x128xi32, #tpu.memory_space<vmem>> -> memref<1x1xi32, #tpu.memory_space<vmem>>
          %dma_start3A_166 = tpu.memref_squeeze %dma_start3A_165 : memref<1x1xi32, #tpu.memory_space<vmem>> -> memref<1xi32, #tpu.memory_space<vmem>>
          %dma_start3A_167 = arith.constant 0 : i32
          %dma_start3A_168 = arith.constant 0 : i32
          %dma_start3A_169 = tpu.memref_slice %arg2[%dma_start3A_167, %dma_start3A_168] : memref<20000x128xf32, #tpu.memory_space<hbm>> -> memref<20000x128xf32, #tpu.memory_space<hbm>>
          tpu.enqueue_indirect_dma source(%dma_start3A_169 : memref<20000x128xf32, #tpu.memory_space<hbm>>) target(%dma_start3A_164 : memref<1x128xf32, #tpu.memory_space<vmem>>) offsets(%dma_start3A_166 : memref<1xi32, #tpu.memory_space<vmem>>) semaphore(%arg13 : memref<!tpu.dma_semaphore, #tpu.memory_space<semaphore_mem>>)
          %scan3A_170 = arith.constant 0 : i32
          scf.yield %scan3A_170 : i32
        }
        %scan3A_47 = arith.constant 128 : i32
        %dma_wait3A = arith.constant 0 : i32
        %dma_wait3A_48 = tpu.memref_slice %arg7[%mul3A_38, %dma_wait3A] : memref<32x128xi32, #tpu.memory_space<vmem>> -> memref<1x128xi32, #tpu.memory_space<vmem>>
        %dma_wait3A_49 = tpu.memref_squeeze %dma_wait3A_48 : memref<1x128xi32, #tpu.memory_space<vmem>> -> memref<128xi32, #tpu.memory_space<vmem>>
        %dma_wait3A_50 = arith.constant 0 : i32
        %dma_wait3A_51 = arith.constant 0 : i32
        %dma_wait3A_52 = tpu.memref_slice %arg2[%dma_wait3A_50, %dma_wait3A_51] : memref<20000x128xf32, #tpu.memory_space<hbm>> -> memref<20000x128xf32, #tpu.memory_space<hbm>>
        tpu.wait_indirect_dma semaphore(%arg12 : memref<!tpu.dma_semaphore, #tpu.memory_space<semaphore_mem>>) src(%dma_wait3A_52 : memref<20000x128xf32, #tpu.memory_space<hbm>>) dst(%arg9 : memref<128x128xf32, #tpu.memory_space<vmem>>)
        %dma_start3A = arith.constant 0 : i32
        %dma_start3A_53 = tpu.memref_slice %arg8[%mul3A_38, %dma_start3A] : memref<32x128xi32, #tpu.memory_space<vmem>> -> memref<1x128xi32, #tpu.memory_space<vmem>>
        %dma_start3A_54 = tpu.memref_squeeze %dma_start3A_53 : memref<1x128xi32, #tpu.memory_space<vmem>> -> memref<128xi32, #tpu.memory_space<vmem>>
        %dma_start3A_55 = arith.constant 0 : i32
        %dma_start3A_56 = arith.constant 0 : i32
        %dma_start3A_57 = tpu.memref_slice %arg11[%dma_start3A_55, %dma_start3A_56] : memref<10112x128xf32, #tpu.memory_space<vmem_shared>> -> memref<10112x128xf32, #tpu.memory_space<vmem_shared>>
        tpu.enqueue_indirect_dma source(%arg9 : memref<128x128xf32, #tpu.memory_space<vmem>>) target(%dma_start3A_57 : memref<10112x128xf32, #tpu.memory_space<vmem_shared>>) offsets(%dma_start3A_54 : memref<128xi32, #tpu.memory_space<vmem>>) semaphore(%arg14 : memref<!tpu.dma_semaphore, #tpu.memory_space<semaphore_mem>>) {add = true}
        %add3A_58 = arith.constant 1 : i32
        %add3A_59 = arith.addi %mul3A_38, %add3A_58 : i32
        %dma_wait3A_60 = arith.constant 0 : i32
        %dma_wait3A_61 = tpu.memref_slice %arg7[%add3A_59, %dma_wait3A_60] : memref<32x128xi32, #tpu.memory_space<vmem>> -> memref<1x128xi32, #tpu.memory_space<vmem>>
        %dma_wait3A_62 = tpu.memref_squeeze %dma_wait3A_61 : memref<1x128xi32, #tpu.memory_space<vmem>> -> memref<128xi32, #tpu.memory_space<vmem>>
        %dma_wait3A_63 = arith.constant 0 : i32
        %dma_wait3A_64 = arith.constant 0 : i32
        %dma_wait3A_65 = tpu.memref_slice %arg2[%dma_wait3A_63, %dma_wait3A_64] : memref<20000x128xf32, #tpu.memory_space<hbm>> -> memref<20000x128xf32, #tpu.memory_space<hbm>>
        tpu.wait_indirect_dma semaphore(%arg13 : memref<!tpu.dma_semaphore, #tpu.memory_space<semaphore_mem>>) src(%dma_wait3A_65 : memref<20000x128xf32, #tpu.memory_space<hbm>>) dst(%arg10 : memref<128x128xf32, #tpu.memory_space<vmem>>)
        %add3A_66 = arith.constant 1 : i32
        %add3A_67 = arith.addi %mul3A_38, %add3A_66 : i32
        %dma_start3A_68 = arith.constant 0 : i32
        %dma_start3A_69 = tpu.memref_slice %arg8[%add3A_67, %dma_start3A_68] : memref<32x128xi32, #tpu.memory_space<vmem>> -> memref<1x128xi32, #tpu.memory_space<vmem>>
        %dma_start3A_70 = tpu.memref_squeeze %dma_start3A_69 : memref<1x128xi32, #tpu.memory_space<vmem>> -> memref<128xi32, #tpu.memory_space<vmem>>
        %dma_start3A_71 = arith.constant 0 : i32
        %dma_start3A_72 = arith.constant 0 : i32
        %dma_start3A_73 = tpu.memref_slice %arg11[%dma_start3A_71, %dma_start3A_72] : memref<10112x128xf32, #tpu.memory_space<vmem_shared>> -> memref<10112x128xf32, #tpu.memory_space<vmem_shared>>
        tpu.enqueue_indirect_dma source(%arg10 : memref<128x128xf32, #tpu.memory_space<vmem>>) target(%dma_start3A_73 : memref<10112x128xf32, #tpu.memory_space<vmem_shared>>) offsets(%dma_start3A_70 : memref<128xi32, #tpu.memory_space<vmem>>) semaphore(%arg15 : memref<!tpu.dma_semaphore, #tpu.memory_space<semaphore_mem>>) {add = true}
        %dma_wait3A_74 = arith.constant 0 : i32
        %dma_wait3A_75 = tpu.memref_slice %arg8[%mul3A_38, %dma_wait3A_74] : memref<32x128xi32, #tpu.memory_space<vmem>> -> memref<1x128xi32, #tpu.memory_space<vmem>>
        %dma_wait3A_76 = tpu.memref_squeeze %dma_wait3A_75 : memref<1x128xi32, #tpu.memory_space<vmem>> -> memref<128xi32, #tpu.memory_space<vmem>>
        %dma_wait3A_77 = arith.constant 0 : i32
        %dma_wait3A_78 = arith.constant 0 : i32
        %dma_wait3A_79 = tpu.memref_slice %arg11[%dma_wait3A_77, %dma_wait3A_78] : memref<10112x128xf32, #tpu.memory_space<vmem_shared>> -> memref<10112x128xf32, #tpu.memory_space<vmem_shared>>
        tpu.wait_indirect_dma semaphore(%arg14 : memref<!tpu.dma_semaphore, #tpu.memory_space<semaphore_mem>>) src(%arg9 : memref<128x128xf32, #tpu.memory_space<vmem>>) dst(%dma_wait3A_79 : memref<10112x128xf32, #tpu.memory_space<vmem_shared>>)
        %add3A_80 = arith.constant 1 : i32
        %add3A_81 = arith.addi %scan3A_35, %add3A_80 : i32
        %lt3A = arith.constant 16 : i32
        %lt3A_82 = arith.cmpi slt, %add3A_81, %lt3A : i32
        %convert_element_type3A = arith.extui %lt3A_82 : i1 to i32
        %cond3A = arith.constant 0 : i32
        %cond3A_83 = arith.cmpi ne, %convert_element_type3A, %cond3A : i32
        scf.if %cond3A_83 {
          %add3A_91 = arith.constant 2 : i32
          %add3A_92 = arith.addi %mul3A_38, %add3A_91 : i32
          %scan3A_93 = arith.constant 0 : i32
          %scan3A_94 = arith.constant 0 : i32
          %scan3A_95 = arith.constant 128 : i32
          %scan3A_96 = arith.addi %scan3A_94, %scan3A_95 : i32
          %scan3A_97 = arith.constant 8 : i32
          %scan3A_98 = scf.for %scan3A_100 = %scan3A_94 to %scan3A_96 step %scan3A_97 iter_args(%scan3A_101 = %scan3A_93) -> (i32)  : i32 {
            %dma_start3A_102 = arith.constant 0 : i32
            %dma_start3A_103 = tpu.memref_slice %arg9[%scan3A_100, %dma_start3A_102] : memref<128x128xf32, #tpu.memory_space<vmem>> -> memref<1x128xf32, #tpu.memory_space<vmem>>
            %dma_start3A_104 = tpu.memref_slice %arg7[%add3A_92, %scan3A_100] : memref<32x128xi32, #tpu.memory_space<vmem>> -> memref<1x1xi32, #tpu.memory_space<vmem>>
            %dma_start3A_105 = tpu.memref_squeeze %dma_start3A_104 : memref<1x1xi32, #tpu.memory_space<vmem>> -> memref<1xi32, #tpu.memory_space<vmem>>
            %dma_start3A_106 = arith.constant 0 : i32
            %dma_start3A_107 = arith.constant 0 : i32
            %dma_start3A_108 = tpu.memref_slice %arg2[%dma_start3A_106, %dma_start3A_107] : memref<20000x128xf32, #tpu.memory_space<hbm>> -> memref<20000x128xf32, #tpu.memory_space<hbm>>
            tpu.enqueue_indirect_dma source(%dma_start3A_108 : memref<20000x128xf32, #tpu.memory_space<hbm>>) target(%dma_start3A_103 : memref<1x128xf32, #tpu.memory_space<vmem>>) offsets(%dma_start3A_105 : memref<1xi32, #tpu.memory_space<vmem>>) semaphore(%arg12 : memref<!tpu.dma_semaphore, #tpu.memory_space<semaphore_mem>>)
            %scan3A_109 = arith.constant 0 : i32
            %scan3A_110 = arith.constant 1 : i32
            %scan3A_111 = arith.addi %scan3A_100, %scan3A_110 : i32
            %dma_start3A_112 = arith.constant 0 : i32
            %dma_start3A_113 = tpu.memref_slice %arg9[%scan3A_111, %dma_start3A_112] : memref<128x128xf32, #tpu.memory_space<vmem>> -> memref<1x128xf32, #tpu.memory_space<vmem>>
            %dma_start3A_114 = tpu.memref_slice %arg7[%add3A_92, %scan3A_111] : memref<32x128xi32, #tpu.memory_space<vmem>> -> memref<1x1xi32, #tpu.memory_space<vmem>>
            %dma_start3A_115 = tpu.memref_squeeze %dma_start3A_114 : memref<1x1xi32, #tpu.memory_space<vmem>> -> memref<1xi32, #tpu.memory_space<vmem>>
            %dma_start3A_116 = arith.constant 0 : i32
            %dma_start3A_117 = arith.constant 0 : i32
            %dma_start3A_118 = tpu.memref_slice %arg2[%dma_start3A_116, %dma_start3A_117] : memref<20000x128xf32, #tpu.memory_space<hbm>> -> memref<20000x128xf32, #tpu.memory_space<hbm>>
            tpu.enqueue_indirect_dma source(%dma_start3A_118 : memref<20000x128xf32, #tpu.memory_space<hbm>>) target(%dma_start3A_113 : memref<1x128xf32, #tpu.memory_space<vmem>>) offsets(%dma_start3A_115 : memref<1xi32, #tpu.memory_space<vmem>>) semaphore(%arg12 : memref<!tpu.dma_semaphore, #tpu.memory_space<semaphore_mem>>)
            %scan3A_119 = arith.constant 0 : i32
            %scan3A_120 = arith.constant 2 : i32
            %scan3A_121 = arith.addi %scan3A_100, %scan3A_120 : i32
            %dma_start3A_122 = arith.constant 0 : i32
            %dma_start3A_123 = tpu.memref_slice %arg9[%scan3A_121, %dma_start3A_122] : memref<128x128xf32, #tpu.memory_space<vmem>> -> memref<1x128xf32, #tpu.memory_space<vmem>>
            %dma_start3A_124 = tpu.memref_slice %arg7[%add3A_92, %scan3A_121] : memref<32x128xi32, #tpu.memory_space<vmem>> -> memref<1x1xi32, #tpu.memory_space<vmem>>
            %dma_start3A_125 = tpu.memref_squeeze %dma_start3A_124 : memref<1x1xi32, #tpu.memory_space<vmem>> -> memref<1xi32, #tpu.memory_space<vmem>>
            %dma_start3A_126 = arith.constant 0 : i32
            %dma_start3A_127 = arith.constant 0 : i32
            %dma_start3A_128 = tpu.memref_slice %arg2[%dma_start3A_126, %dma_start3A_127] : memref<20000x128xf32, #tpu.memory_space<hbm>> -> memref<20000x128xf32, #tpu.memory_space<hbm>>
            tpu.enqueue_indirect_dma source(%dma_start3A_128 : memref<20000x128xf32, #tpu.memory_space<hbm>>) target(%dma_start3A_123 : memref<1x128xf32, #tpu.memory_space<vmem>>) offsets(%dma_start3A_125 : memref<1xi32, #tpu.memory_space<vmem>>) semaphore(%arg12 : memref<!tpu.dma_semaphore, #tpu.memory_space<semaphore_mem>>)
            %scan3A_129 = arith.constant 0 : i32
            %scan3A_130 = arith.constant 3 : i32
            %scan3A_131 = arith.addi %scan3A_100, %scan3A_130 : i32
            %dma_start3A_132 = arith.constant 0 : i32
            %dma_start3A_133 = tpu.memref_slice %arg9[%scan3A_131, %dma_start3A_132] : memref<128x128xf32, #tpu.memory_space<vmem>> -> memref<1x128xf32, #tpu.memory_space<vmem>>
            %dma_start3A_134 = tpu.memref_slice %arg7[%add3A_92, %scan3A_131] : memref<32x128xi32, #tpu.memory_space<vmem>> -> memref<1x1xi32, #tpu.memory_space<vmem>>
            %dma_start3A_135 = tpu.memref_squeeze %dma_start3A_134 : memref<1x1xi32, #tpu.memory_space<vmem>> -> memref<1xi32, #tpu.memory_space<vmem>>
            %dma_start3A_136 = arith.constant 0 : i32
            %dma_start3A_137 = arith.constant 0 : i32
            %dma_start3A_138 = tpu.memref_slice %arg2[%dma_start3A_136, %dma_start3A_137] : memref<20000x128xf32, #tpu.memory_space<hbm>> -> memref<20000x128xf32, #tpu.memory_space<hbm>>
            tpu.enqueue_indirect_dma source(%dma_start3A_138 : memref<20000x128xf32, #tpu.memory_space<hbm>>) target(%dma_start3A_133 : memref<1x128xf32, #tpu.memory_space<vmem>>) offsets(%dma_start3A_135 : memref<1xi32, #tpu.memory_space<vmem>>) semaphore(%arg12 : memref<!tpu.dma_semaphore, #tpu.memory_space<semaphore_mem>>)
            %scan3A_139 = arith.constant 0 : i32
            %scan3A_140 = arith.constant 4 : i32
            %scan3A_141 = arith.addi %scan3A_100, %scan3A_140 : i32
            %dma_start3A_142 = arith.constant 0 : i32
            %dma_start3A_143 = tpu.memref_slice %arg9[%scan3A_141, %dma_start3A_142] : memref<128x128xf32, #tpu.memory_space<vmem>> -> memref<1x128xf32, #tpu.memory_space<vmem>>
            %dma_start3A_144 = tpu.memref_slice %arg7[%add3A_92, %scan3A_141] : memref<32x128xi32, #tpu.memory_space<vmem>> -> memref<1x1xi32, #tpu.memory_space<vmem>>
            %dma_start3A_145 = tpu.memref_squeeze %dma_start3A_144 : memref<1x1xi32, #tpu.memory_space<vmem>> -> memref<1xi32, #tpu.memory_space<vmem>>
            %dma_start3A_146 = arith.constant 0 : i32
            %dma_start3A_147 = arith.constant 0 : i32
            %dma_start3A_148 = tpu.memref_slice %arg2[%dma_start3A_146, %dma_start3A_147] : memref<20000x128xf32, #tpu.memory_space<hbm>> -> memref<20000x128xf32, #tpu.memory_space<hbm>>
            tpu.enqueue_indirect_dma source(%dma_start3A_148 : memref<20000x128xf32, #tpu.memory_space<hbm>>) target(%dma_start3A_143 : memref<1x128xf32, #tpu.memory_space<vmem>>) offsets(%dma_start3A_145 : memref<1xi32, #tpu.memory_space<vmem>>) semaphore(%arg12 : memref<!tpu.dma_semaphore, #tpu.memory_space<semaphore_mem>>)
            %scan3A_149 = arith.constant 0 : i32
            %scan3A_150 = arith.constant 5 : i32
            %scan3A_151 = arith.addi %scan3A_100, %scan3A_150 : i32
            %dma_start3A_152 = arith.constant 0 : i32
            %dma_start3A_153 = tpu.memref_slice %arg9[%scan3A_151, %dma_start3A_152] : memref<128x128xf32, #tpu.memory_space<vmem>> -> memref<1x128xf32, #tpu.memory_space<vmem>>
            %dma_start3A_154 = tpu.memref_slice %arg7[%add3A_92, %scan3A_151] : memref<32x128xi32, #tpu.memory_space<vmem>> -> memref<1x1xi32, #tpu.memory_space<vmem>>
            %dma_start3A_155 = tpu.memref_squeeze %dma_start3A_154 : memref<1x1xi32, #tpu.memory_space<vmem>> -> memref<1xi32, #tpu.memory_space<vmem>>
            %dma_start3A_156 = arith.constant 0 : i32
            %dma_start3A_157 = arith.constant 0 : i32
            %dma_start3A_158 = tpu.memref_slice %arg2[%dma_start3A_156, %dma_start3A_157] : memref<20000x128xf32, #tpu.memory_space<hbm>> -> memref<20000x128xf32, #tpu.memory_space<hbm>>
            tpu.enqueue_indirect_dma source(%dma_start3A_158 : memref<20000x128xf32, #tpu.memory_space<hbm>>) target(%dma_start3A_153 : memref<1x128xf32, #tpu.memory_space<vmem>>) offsets(%dma_start3A_155 : memref<1xi32, #tpu.memory_space<vmem>>) semaphore(%arg12 : memref<!tpu.dma_semaphore, #tpu.memory_space<semaphore_mem>>)
            %scan3A_159 = arith.constant 0 : i32
            %scan3A_160 = arith.constant 6 : i32
            %scan3A_161 = arith.addi %scan3A_100, %scan3A_160 : i32
            %dma_start3A_162 = arith.constant 0 : i32
            %dma_start3A_163 = tpu.memref_slice %arg9[%scan3A_161, %dma_start3A_162] : memref<128x128xf32, #tpu.memory_space<vmem>> -> memref<1x128xf32, #tpu.memory_space<vmem>>
            %dma_start3A_164 = tpu.memref_slice %arg7[%add3A_92, %scan3A_161] : memref<32x128xi32, #tpu.memory_space<vmem>> -> memref<1x1xi32, #tpu.memory_space<vmem>>
            %dma_start3A_165 = tpu.memref_squeeze %dma_start3A_164 : memref<1x1xi32, #tpu.memory_space<vmem>> -> memref<1xi32, #tpu.memory_space<vmem>>
            %dma_start3A_166 = arith.constant 0 : i32
            %dma_start3A_167 = arith.constant 0 : i32
            %dma_start3A_168 = tpu.memref_slice %arg2[%dma_start3A_166, %dma_start3A_167] : memref<20000x128xf32, #tpu.memory_space<hbm>> -> memref<20000x128xf32, #tpu.memory_space<hbm>>
            tpu.enqueue_indirect_dma source(%dma_start3A_168 : memref<20000x128xf32, #tpu.memory_space<hbm>>) target(%dma_start3A_163 : memref<1x128xf32, #tpu.memory_space<vmem>>) offsets(%dma_start3A_165 : memref<1xi32, #tpu.memory_space<vmem>>) semaphore(%arg12 : memref<!tpu.dma_semaphore, #tpu.memory_space<semaphore_mem>>)
            %scan3A_169 = arith.constant 0 : i32
            %scan3A_170 = arith.constant 7 : i32
            %scan3A_171 = arith.addi %scan3A_100, %scan3A_170 : i32
            %dma_start3A_172 = arith.constant 0 : i32
            %dma_start3A_173 = tpu.memref_slice %arg9[%scan3A_171, %dma_start3A_172] : memref<128x128xf32, #tpu.memory_space<vmem>> -> memref<1x128xf32, #tpu.memory_space<vmem>>
            %dma_start3A_174 = tpu.memref_slice %arg7[%add3A_92, %scan3A_171] : memref<32x128xi32, #tpu.memory_space<vmem>> -> memref<1x1xi32, #tpu.memory_space<vmem>>
            %dma_start3A_175 = tpu.memref_squeeze %dma_start3A_174 : memref<1x1xi32, #tpu.memory_space<vmem>> -> memref<1xi32, #tpu.memory_space<vmem>>
            %dma_start3A_176 = arith.constant 0 : i32
            %dma_start3A_177 = arith.constant 0 : i32
            %dma_start3A_178 = tpu.memref_slice %arg2[%dma_start3A_176, %dma_start3A_177] : memref<20000x128xf32, #tpu.memory_space<hbm>> -> memref<20000x128xf32, #tpu.memory_space<hbm>>
            tpu.enqueue_indirect_dma source(%dma_start3A_178 : memref<20000x128xf32, #tpu.memory_space<hbm>>) target(%dma_start3A_173 : memref<1x128xf32, #tpu.memory_space<vmem>>) offsets(%dma_start3A_175 : memref<1xi32, #tpu.memory_space<vmem>>) semaphore(%arg12 : memref<!tpu.dma_semaphore, #tpu.memory_space<semaphore_mem>>)
            %scan3A_179 = arith.constant 0 : i32
            scf.yield %scan3A_179 : i32
          }
          %scan3A_99 = arith.constant 128 : i32
        } else {
        }
        %dma_wait3A_84 = arith.constant 0 : i32
        %dma_wait3A_85 = tpu.memref_slice %arg8[%add3A_67, %dma_wait3A_84] : memref<32x128xi32, #tpu.memory_space<vmem>> -> memref<1x128xi32, #tpu.memory_space<vmem>>
        %dma_wait3A_86 = tpu.memref_squeeze %dma_wait3A_85 : memref<1x128xi32, #tpu.memory_space<vmem>> -> memref<128xi32, #tpu.memory_space<vmem>>
        %dma_wait3A_87 = arith.constant 0 : i32
        %dma_wait3A_88 = arith.constant 0 : i32
        %dma_wait3A_89 = tpu.memref_slice %arg11[%dma_wait3A_87, %dma_wait3A_88] : memref<10112x128xf32, #tpu.memory_space<vmem_shared>> -> memref<10112x128xf32, #tpu.memory_space<vmem_shared>>
        tpu.wait_indirect_dma semaphore(%arg15 : memref<!tpu.dma_semaphore, #tpu.memory_space<semaphore_mem>>) src(%arg10 : memref<128x128xf32, #tpu.memory_space<vmem>>) dst(%dma_wait3A_89 : memref<10112x128xf32, #tpu.memory_space<vmem_shared>>)
        %scan3A_90 = arith.constant 0 : i32
        scf.yield %scan3A_90 : i32
      }
      %scan3A_33 = arith.constant 16 : i32
      %scan3A_34 = arith.constant 0 : i32
      scf.yield %scan3A_34 : i32
    }
    %scan3A_8 = arith.constant 5 : i32
    %barrier3A_9 = arith.constant 0 : index
    tpu.barrier barrier_id(%barrier3A_9)
    %mul3A_10 = arith.constant 632 : i32
    %mul3A_11 = arith.muli %arg1, %mul3A_10 : i32
    %mul3A_12 = arith.constant 632 : i32
    %mul3A_13 = arith.muli %arg1, %mul3A_12 : i32
    "tpu.region"() ({
      %run_scoped3A = tpu.sem_alloc : memref<!tpu.dma_semaphore, #tpu.memory_space<semaphore_mem>>
      %dma_start3A = arith.constant 0 : i32
      %dma_start3A_14 = tpu.memref_slice %arg6[%arg0, %mul3A_13, %dma_start3A] : memref<2x10112x128xf32, #tpu.memory_space<hbm>> -> memref<1x632x128xf32, #tpu.memory_space<hbm>>
      %dma_start3A_15 = tpu.memref_squeeze %dma_start3A_14 : memref<1x632x128xf32, #tpu.memory_space<hbm>> -> memref<632x128xf32, #tpu.memory_space<hbm>>
      %dma_start3A_16 = arith.constant 0 : i32
      %dma_start3A_17 = tpu.memref_slice %arg11[%mul3A_11, %dma_start3A_16] : memref<10112x128xf32, #tpu.memory_space<vmem_shared>> -> memref<632x128xf32, #tpu.memory_space<vmem_shared>>
      tpu.enqueue_dma source(%dma_start3A_17 : memref<632x128xf32, #tpu.memory_space<vmem_shared>>) target(%dma_start3A_15 : memref<632x128xf32, #tpu.memory_space<hbm>>) target_semaphore(%run_scoped3A : memref<!tpu.dma_semaphore, #tpu.memory_space<semaphore_mem>>)
      %dma_wait3A = arith.constant 0 : i32
      %dma_wait3A_18 = tpu.memref_slice %arg6[%arg0, %mul3A_13, %dma_wait3A] : memref<2x10112x128xf32, #tpu.memory_space<hbm>> -> memref<1x632x128xf32, #tpu.memory_space<hbm>>
      %dma_wait3A_19 = tpu.memref_squeeze %dma_wait3A_18 : memref<1x632x128xf32, #tpu.memory_space<hbm>> -> memref<632x128xf32, #tpu.memory_space<hbm>>
      %dma_wait3A_20 = arith.constant 0 : i32
      %dma_wait3A_21 = tpu.memref_slice %arg11[%mul3A_11, %dma_wait3A_20] : memref<10112x128xf32, #tpu.memory_space<vmem_shared>> -> memref<632x128xf32, #tpu.memory_space<vmem_shared>>
      tpu.wait_dma2 semaphore(%run_scoped3A : memref<!tpu.dma_semaphore, #tpu.memory_space<semaphore_mem>>) src(%dma_wait3A_21 : memref<632x128xf32, #tpu.memory_space<vmem_shared>>) dst(%dma_wait3A_19 : memref<632x128xf32, #tpu.memory_space<hbm>>)
      tpu.yield
    }) : () -> ()
    return
  }
}

module attributes {stable_mosaic.version = 14 : i64} {
  func.func @_fc_kernel(%arg0: i32, %arg1: memref<1000x1024xf32, #tpu.memory_space<vmem>>, %arg2: memref<1024x128xf32, #tpu.memory_space<vmem>>, %arg3: memref<1x128xf32, #tpu.memory_space<vmem>>, %arg4: memref<1x1xf32, #tpu.memory_space<vmem>>, %arg5: memref<1000x128xf32, #tpu.memory_space<vmem>>, %arg6: memref<2x1000x128xf32, #tpu.memory_space<vmem>>) attributes {dimension_semantics = [#tpu.dimension_semantics<arbitrary>], iteration_bounds = array<i64: 10>, scalar_prefetch = 0 : i64, scratch_operands = 0 : i64, tpu.core_type = #tpu.core_type<tc>, window_params = [{transform_indices = @transform_0, window_bounds = array<i64: 1000, 1024>}, {pipeline_mode = #tpu.pipeline_mode<synchronous>, transform_indices = @transform_1, window_bounds = array<i64: 1024, 128>}, {pipeline_mode = #tpu.pipeline_mode<synchronous>, transform_indices = @transform_2, window_bounds = array<i64: 1, 128>}, {pipeline_mode = #tpu.pipeline_mode<synchronous>, transform_indices = @transform_3, window_bounds = array<i64: 1, 1>}, {transform_indices = @transform_4, window_bounds = array<i64: 1000, 128>}, {transform_indices = @transform_5, window_bounds = array<i64: 2, 1000, 128>}]} {
    %get3A = arith.constant 0 : index
    %get3A_0 = arith.constant 0 : index
    %get3A_1 = vector.load %arg1[%get3A, %get3A_0] : memref<1000x1024xf32, #tpu.memory_space<vmem>>, vector<1000x1024xf32>
    %get3A_2 = arith.constant 0 : index
    %get3A_3 = arith.constant 0 : index
    %get3A_4 = vector.load %arg2[%get3A_2, %get3A_3] : memref<1024x128xf32, #tpu.memory_space<vmem>>, vector<1024x128xf32>
    %dot_general3A = arith.constant dense<0.000000e+00> : vector<1000x128xf32>
    %dot_general3A_5 = tpu.matmul %get3A_1, %get3A_4, %dot_general3A {dimension_numbers = #tpu.dot_dimension_numbers<[1], [0], [0], [1], [0, 0, 1, 1], [], []>, transpose_lhs_hint = false} : vector<1000x1024xf32>, vector<1024x128xf32>, vector<1000x128xf32> -> vector<1000x128xf32>
    %get3A_6 = arith.constant 0 : index
    %get3A_7 = arith.constant 0 : index
    %get3A_8 = vector.load %arg3[%get3A_6, %get3A_7] : memref<1x128xf32, #tpu.memory_space<vmem>>, vector<1x128xf32>
    %add3A = vector.broadcast %get3A_8 : vector<1x128xf32> to vector<1000x128xf32>
    %add3A_9 = arith.addf %dot_general3A_5, %add3A : vector<1000x128xf32>
    %max3A = arith.constant 0.000000e+00 : f32
    %max3A_10 = vector.broadcast %max3A : f32 to vector<1000x128xf32>
    %max3A_11 = arith.maximumf %add3A_9, %max3A_10 : vector<1000x128xf32>
    %swap3A = arith.constant 0 : index
    %swap3A_12 = arith.constant 0 : index
    %swap3A_13 = vector.load %arg5[%swap3A, %swap3A_12] : memref<1000x128xf32, #tpu.memory_space<vmem>>, vector<1000x128xf32>
    tpu.vector_store %arg5[%swap3A, %swap3A_12], %max3A_11 {strides = array<i32>} : memref<1000x128xf32, #tpu.memory_space<vmem>>, vector<1000x128xf32>,
    %get3A_14 = arith.constant 0 : index
    %get3A_15 = arith.constant 0 : index
    %get3A_16 = vector.load %arg4[%get3A_14, %get3A_15] : memref<1x1xf32, #tpu.memory_space<vmem>>, vector<1x1xf32>
    %get3A_17 = vector.extract %get3A_16[0, 0] : f32 from vector<1x1xf32>
    %max3A_18 = arith.constant 0.000000e+00 : f32
    %max3A_19 = vector.broadcast %max3A_18 : f32 to vector<1000x128xf32>
    %max3A_20 = arith.maximumf %max3A_11, %max3A_19 : vector<1000x128xf32>
    %add3A_21 = arith.constant 1.000000e-07 : f32
    %add3A_22 = vector.broadcast %add3A_21 : f32 to vector<1000x128xf32>
    %add3A_23 = arith.addf %max3A_20, %add3A_22 : vector<1000x128xf32>
    %mul3A = vector.broadcast %get3A_17 : f32 to vector<1000x128xf32>
    %mul3A_24 = arith.mulf %add3A_23, %mul3A : vector<1000x128xf32>
    %exp3A = math.exp %mul3A_24 : vector<1000x128xf32>
    %mul3A_25 = arith.mulf %exp3A, %add3A_23 : vector<1000x128xf32>
    %swap3A_26 = arith.constant 0 : index
    %swap3A_27 = arith.constant 0 : index
    %swap3A_28 = arith.constant 0 : index
    %swap3A_29 = vector.load %arg6[%swap3A_26, %swap3A_27, %swap3A_28] : memref<2x1000x128xf32, #tpu.memory_space<vmem>>, vector<1x1000x128xf32>
    %swap3A_30 = vector.shape_cast %swap3A_29 : vector<1x1000x128xf32> to vector<1000x128xf32>
    %swap3A_31 = vector.shape_cast %exp3A : vector<1000x128xf32> to vector<1x1000x128xf32>
    tpu.vector_store %arg6[%swap3A_26, %swap3A_27, %swap3A_28], %swap3A_31 {strides = array<i32>} : memref<2x1000x128xf32, #tpu.memory_space<vmem>>, vector<1x1000x128xf32>,
    %swap3A_32 = arith.constant 1 : index
    %swap3A_33 = arith.constant 0 : index
    %swap3A_34 = arith.constant 0 : index
    %swap3A_35 = vector.load %arg6[%swap3A_32, %swap3A_33, %swap3A_34] : memref<2x1000x128xf32, #tpu.memory_space<vmem>>, vector<1x1000x128xf32>
    %swap3A_36 = vector.shape_cast %swap3A_35 : vector<1x1000x128xf32> to vector<1000x128xf32>
    %swap3A_37 = vector.shape_cast %mul3A_25 : vector<1000x128xf32> to vector<1x1000x128xf32>
    tpu.vector_store %arg6[%swap3A_32, %swap3A_33, %swap3A_34], %swap3A_37 {strides = array<i32>} : memref<2x1000x128xf32, #tpu.memory_space<vmem>>, vector<1x1000x128xf32>,
    return
  }
  func.func @transform_0(%arg0: i32) -> (i32, i32) {
    %c0_i32 = arith.constant 0 : i32
    %c0_i32_0 = arith.constant 0 : i32
    return %arg0, %c0_i32 : i32, i32
  }
  func.func @transform_1(%arg0: i32) -> (i32, i32) {
    %c0_i32 = arith.constant 0 : i32
    %c0_i32_0 = arith.constant 0 : i32
    %c0_i32_1 = arith.constant 0 : i32
    return %c0_i32, %c0_i32_0 : i32, i32
  }
  func.func @transform_2(%arg0: i32) -> (i32, i32) {
    %c0_i32 = arith.constant 0 : i32
    %c0_i32_0 = arith.constant 0 : i32
    %c0_i32_1 = arith.constant 0 : i32
    return %c0_i32, %c0_i32_0 : i32, i32
  }
  func.func @transform_3(%arg0: i32) -> (i32, i32) {
    %c0_i32 = arith.constant 0 : i32
    %c0_i32_0 = arith.constant 0 : i32
    %c0_i32_1 = arith.constant 0 : i32
    return %c0_i32, %c0_i32_0 : i32, i32
  }
  func.func @transform_4(%arg0: i32) -> (i32, i32) {
    %c0_i32 = arith.constant 0 : i32
    %c0_i32_0 = arith.constant 0 : i32
    return %arg0, %c0_i32 : i32, i32
  }
  func.func @transform_5(%arg0: i32) -> (i32, i32, i32) {
    %c0_i32 = arith.constant 0 : i32
    %c0_i32_0 = arith.constant 0 : i32
    %c0_i32_1 = arith.constant 0 : i32
    return %c0_i32, %arg0, %c0_i32_0 : i32, i32, i32
  }
}

module attributes {stable_mosaic.version = 14 : i64} {
  func.func @_mlp_kernel(%arg0: i32, %arg1: memref<1000x128xf32, #tpu.memory_space<vmem>>, %arg2: memref<1x1000x128xf32, #tpu.memory_space<vmem>>, %arg3: memref<1x1000x128xf32, #tpu.memory_space<vmem>>, %arg4: memref<128x256xf32, #tpu.memory_space<vmem>>, %arg5: memref<1x256xf32, #tpu.memory_space<vmem>>, %arg6: memref<1x256xf32, #tpu.memory_space<vmem>>, %arg7: memref<1x256xf32, #tpu.memory_space<vmem>>, %arg8: memref<256x128xf32, #tpu.memory_space<vmem>>, %arg9: memref<1x128xf32, #tpu.memory_space<vmem>>, %arg10: memref<1x128xf32, #tpu.memory_space<vmem>>, %arg11: memref<1x128xf32, #tpu.memory_space<vmem>>, %arg12: memref<1x1xf32, #tpu.memory_space<vmem>>, %arg13: memref<1000x128xf32, #tpu.memory_space<vmem>>, %arg14: memref<2x1000x128xf32, #tpu.memory_space<vmem>>) attributes {dimension_semantics = [#tpu.dimension_semantics<arbitrary>], iteration_bounds = array<i64: 10>, scalar_prefetch = 0 : i64, scratch_operands = 0 : i64, tpu.core_type = #tpu.core_type<tc>, window_params = [{transform_indices = @transform_0, window_bounds = array<i64: 1000, 128>}, {transform_indices = @transform_1, window_bounds = array<i64: 1, 1000, 128>}, {transform_indices = @transform_2, window_bounds = array<i64: 1, 1000, 128>}, {pipeline_mode = #tpu.pipeline_mode<synchronous>, transform_indices = @transform_3, window_bounds = array<i64: 128, 256>}, {pipeline_mode = #tpu.pipeline_mode<synchronous>, transform_indices = @transform_4, window_bounds = array<i64: 1, 256>}, {pipeline_mode = #tpu.pipeline_mode<synchronous>, transform_indices = @transform_5, window_bounds = array<i64: 1, 256>}, {pipeline_mode = #tpu.pipeline_mode<synchronous>, transform_indices = @transform_6, window_bounds = array<i64: 1, 256>}, {pipeline_mode = #tpu.pipeline_mode<synchronous>, transform_indices = @transform_7, window_bounds = array<i64: 256, 128>}, {pipeline_mode = #tpu.pipeline_mode<synchronous>, transform_indices = @transform_8, window_bounds = array<i64: 1, 128>}, {pipeline_mode = #tpu.pipeline_mode<synchronous>, transform_indices = @transform_9, window_bounds = array<i64: 1, 128>}, {pipeline_mode = #tpu.pipeline_mode<synchronous>, transform_indices = @transform_10, window_bounds = array<i64: 1, 128>}, {pipeline_mode = #tpu.pipeline_mode<synchronous>, transform_indices = @transform_11, window_bounds = array<i64: 1, 1>}, {transform_indices = @transform_12, window_bounds = array<i64: 1000, 128>}, {transform_indices = @transform_13, window_bounds = array<i64: 2, 1000, 128>}]} {
    %get3A = arith.constant 0 : index
    %get3A_0 = arith.constant 0 : index
    %get3A_1 = vector.load %arg1[%get3A, %get3A_0] : memref<1000x128xf32, #tpu.memory_space<vmem>>, vector<1000x128xf32>
    %get3A_2 = arith.constant 0 : index
    %get3A_3 = arith.constant 0 : index
    %get3A_4 = arith.constant 0 : index
    %get3A_5 = vector.load %arg2[%get3A_2, %get3A_3, %get3A_4] : memref<1x1000x128xf32, #tpu.memory_space<vmem>>, vector<1x1000x128xf32>
    %get3A_6 = vector.shape_cast %get3A_5 : vector<1x1000x128xf32> to vector<1000x128xf32>
    %get3A_7 = arith.constant 0 : index
    %get3A_8 = arith.constant 0 : index
    %get3A_9 = arith.constant 0 : index
    %get3A_10 = vector.load %arg3[%get3A_7, %get3A_8, %get3A_9] : memref<1x1000x128xf32, #tpu.memory_space<vmem>>, vector<1x1000x128xf32>
    %get3A_11 = vector.shape_cast %get3A_10 : vector<1x1000x128xf32> to vector<1000x128xf32>
    %gt3A = arith.constant 0.000000e+00 : f32
    %gt3A_12 = vector.broadcast %gt3A : f32 to vector<1000x128xf32>
    %gt3A_13 = arith.cmpf ogt, %get3A_6, %gt3A_12 : vector<1000x128xf32>
    %div3A = arith.divf %get3A_11, %get3A_6 : vector<1000x128xf32>
    %jit3A = arith.constant 0.000000e+00 : f32
    %broadcast_in_dim3A = vector.broadcast %jit3A : f32 to vector<1000x128xf32>
    %select_n3A = arith.select %gt3A_13, %div3A, %broadcast_in_dim3A : vector<1000x128xi1>, vector<1000x128xf32>
    %add3A = arith.addf %select_n3A, %get3A_1 : vector<1000x128xf32>
    %get3A_14 = arith.constant 0 : index
    %get3A_15 = arith.constant 0 : index
    %get3A_16 = vector.load %arg4[%get3A_14, %get3A_15] : memref<128x256xf32, #tpu.memory_space<vmem>>, vector<128x256xf32>
    %dot_general3A = arith.constant dense<0.000000e+00> : vector<1000x256xf32>
    %dot_general3A_17 = tpu.matmul %add3A, %get3A_16, %dot_general3A {dimension_numbers = #tpu.dot_dimension_numbers<[1], [0], [0], [1], [0, 0, 1, 1], [], []>, transpose_lhs_hint = false} : vector<1000x128xf32>, vector<128x256xf32>, vector<1000x256xf32> -> vector<1000x256xf32>
    %get3A_18 = arith.constant 0 : index
    %get3A_19 = arith.constant 0 : index
    %get3A_20 = vector.load %arg5[%get3A_18, %get3A_19] : memref<1x256xf32, #tpu.memory_space<vmem>>, vector<1x256xf32>
    %add3A_21 = vector.broadcast %get3A_20 : vector<1x256xf32> to vector<1000x256xf32>
    %add3A_22 = arith.addf %dot_general3A_17, %add3A_21 : vector<1000x256xf32>
    %get3A_23 = arith.constant 0 : index
    %get3A_24 = arith.constant 0 : index
    %get3A_25 = vector.load %arg6[%get3A_23, %get3A_24] : memref<1x256xf32, #tpu.memory_space<vmem>>, vector<1x256xf32>
    %get3A_26 = arith.constant 0 : index
    %get3A_27 = arith.constant 0 : index
    %get3A_28 = vector.load %arg7[%get3A_26, %get3A_27] : memref<1x256xf32, #tpu.memory_space<vmem>>, vector<1x256xf32>
    %reduce_sum3A = arith.constant dense<0.000000e+00> : vector<1000xf32>
    %reduce_sum3A_29 = vector.multi_reduction <add>, %add3A_22, %reduce_sum3A [1] : vector<1000x256xf32> to vector<1000xf32>
    %broadcast_in_dim3A_30 = vector.shape_cast %reduce_sum3A_29 : vector<1000xf32> to vector<1000x1xf32>
    %div3A_31 = arith.constant 2.560000e+02 : f32
    %div3A_32 = vector.broadcast %div3A_31 : f32 to vector<1000x1xf32>
    %div3A_33 = arith.divf %broadcast_in_dim3A_30, %div3A_32 : vector<1000x1xf32>
    %jit3A_34 = arith.constant 0 : i32
    %reduce_sum3A_35 = arith.constant dense<0.000000e+00> : vector<1000xf32>
    %reduce_sum3A_36 = vector.multi_reduction <add>, %add3A_22, %reduce_sum3A_35 [1] : vector<1000x256xf32> to vector<1000xf32>
    %broadcast_in_dim3A_37 = vector.shape_cast %reduce_sum3A_36 : vector<1000xf32> to vector<1000x1xf32>
    %div3A_38 = arith.constant 2.560000e+02 : f32
    %div3A_39 = vector.broadcast %div3A_38 : f32 to vector<1000x1xf32>
    %div3A_40 = arith.divf %broadcast_in_dim3A_37, %div3A_39 : vector<1000x1xf32>
    %sub3A = vector.broadcast %div3A_40 : vector<1000x1xf32> to vector<1000x256xf32>
    %sub3A_41 = arith.subf %add3A_22, %sub3A : vector<1000x256xf32>
    %square3A = arith.mulf %sub3A_41, %sub3A_41 : vector<1000x256xf32>
    %convert_element_type3A = arith.sitofp %jit3A_34 : i32 to f32
    %sub3A_42 = arith.constant 2.560000e+02 : f32
    %sub3A_43 = arith.subf %sub3A_42, %convert_element_type3A : f32
    %reduce_sum3A_44 = arith.constant dense<0.000000e+00> : vector<1000xf32>
    %reduce_sum3A_45 = vector.multi_reduction <add>, %square3A, %reduce_sum3A_44 [1] : vector<1000x256xf32> to vector<1000xf32>
    %broadcast_in_dim3A_46 = vector.shape_cast %reduce_sum3A_45 : vector<1000xf32> to vector<1000x1xf32>
    %div3A_47 = vector.broadcast %sub3A_43 : f32 to vector<1000x1xf32>
    %div3A_48 = arith.divf %broadcast_in_dim3A_46, %div3A_47 : vector<1000x1xf32>
    %gt3A_49 = arith.constant 0.000000e+00 : f32
    %gt3A_50 = arith.cmpf ogt, %sub3A_43, %gt3A_49 : f32
    %jit3A_51 = arith.constant 0x7FC00000 : f32
    %broadcast_in_dim3A_52 = vector.broadcast %jit3A_51 : f32 to vector<1000x1xf32>
    %select_n3A_53 = arith.select %gt3A_50, %div3A_48, %broadcast_in_dim3A_52 : vector<1000x1xf32>
    %sub3A_54 = vector.broadcast %div3A_33 : vector<1000x1xf32> to vector<1000x256xf32>
    %sub3A_55 = arith.subf %add3A_22, %sub3A_54 : vector<1000x256xf32>
    %add3A_56 = arith.constant 9.99999974E-6 : f32
    %add3A_57 = vector.broadcast %add3A_56 : f32 to vector<1000x1xf32>
    %add3A_58 = arith.addf %select_n3A_53, %add3A_57 : vector<1000x1xf32>
    %rsqrt3A = math.rsqrt %add3A_58 : vector<1000x1xf32>
    %mul3A = vector.broadcast %rsqrt3A : vector<1000x1xf32> to vector<1000x256xf32>
    %mul3A_59 = arith.mulf %sub3A_55, %mul3A : vector<1000x256xf32>
    %mul3A_60 = vector.broadcast %get3A_25 : vector<1x256xf32> to vector<1000x256xf32>
    %mul3A_61 = arith.mulf %mul3A_59, %mul3A_60 : vector<1000x256xf32>
    %add3A_62 = vector.broadcast %get3A_28 : vector<1x256xf32> to vector<1000x256xf32>
    %add3A_63 = arith.addf %mul3A_61, %add3A_62 : vector<1000x256xf32>
    %max3A = arith.constant 0.000000e+00 : f32
    %max3A_64 = vector.broadcast %max3A : f32 to vector<1000x256xf32>
    %max3A_65 = arith.maximumf %add3A_63, %max3A_64 : vector<1000x256xf32>
    %get3A_66 = arith.constant 0 : index
    %get3A_67 = arith.constant 0 : index
    %get3A_68 = vector.load %arg8[%get3A_66, %get3A_67] : memref<256x128xf32, #tpu.memory_space<vmem>>, vector<256x128xf32>
    %dot_general3A_69 = arith.constant dense<0.000000e+00> : vector<1000x128xf32>
    %dot_general3A_70 = tpu.matmul %max3A_65, %get3A_68, %dot_general3A_69 {dimension_numbers = #tpu.dot_dimension_numbers<[1], [0], [0], [1], [0, 0, 1, 1], [], []>, transpose_lhs_hint = false} : vector<1000x256xf32>, vector<256x128xf32>, vector<1000x128xf32> -> vector<1000x128xf32>
    %get3A_71 = arith.constant 0 : index
    %get3A_72 = arith.constant 0 : index
    %get3A_73 = vector.load %arg9[%get3A_71, %get3A_72] : memref<1x128xf32, #tpu.memory_space<vmem>>, vector<1x128xf32>
    %add3A_74 = vector.broadcast %get3A_73 : vector<1x128xf32> to vector<1000x128xf32>
    %add3A_75 = arith.addf %dot_general3A_70, %add3A_74 : vector<1000x128xf32>
    %swap3A = arith.constant 0 : index
    %swap3A_76 = arith.constant 0 : index
    %swap3A_77 = vector.load %arg13[%swap3A, %swap3A_76] : memref<1000x128xf32, #tpu.memory_space<vmem>>, vector<1000x128xf32>
    tpu.vector_store %arg13[%swap3A, %swap3A_76], %add3A_75 {strides = array<i32>} : memref<1000x128xf32, #tpu.memory_space<vmem>>, vector<1000x128xf32>,
    %get3A_78 = arith.constant 0 : index
    %get3A_79 = arith.constant 0 : index
    %get3A_80 = vector.load %arg12[%get3A_78, %get3A_79] : memref<1x1xf32, #tpu.memory_space<vmem>>, vector<1x1xf32>
    %get3A_81 = vector.extract %get3A_80[0, 0] : f32 from vector<1x1xf32>
    %max3A_82 = arith.constant 0.000000e+00 : f32
    %max3A_83 = vector.broadcast %max3A_82 : f32 to vector<1000x128xf32>
    %max3A_84 = arith.maximumf %add3A_75, %max3A_83 : vector<1000x128xf32>
    %add3A_85 = arith.constant 1.000000e-07 : f32
    %add3A_86 = vector.broadcast %add3A_85 : f32 to vector<1000x128xf32>
    %add3A_87 = arith.addf %max3A_84, %add3A_86 : vector<1000x128xf32>
    %mul3A_88 = vector.broadcast %get3A_81 : f32 to vector<1000x128xf32>
    %mul3A_89 = arith.mulf %add3A_87, %mul3A_88 : vector<1000x128xf32>
    %exp3A = math.exp %mul3A_89 : vector<1000x128xf32>
    %mul3A_90 = arith.mulf %exp3A, %add3A_87 : vector<1000x128xf32>
    %swap3A_91 = arith.constant 0 : index
    %swap3A_92 = arith.constant 0 : index
    %swap3A_93 = arith.constant 0 : index
    %swap3A_94 = vector.load %arg14[%swap3A_91, %swap3A_92, %swap3A_93] : memref<2x1000x128xf32, #tpu.memory_space<vmem>>, vector<1x1000x128xf32>
    %swap3A_95 = vector.shape_cast %swap3A_94 : vector<1x1000x128xf32> to vector<1000x128xf32>
    %swap3A_96 = vector.shape_cast %exp3A : vector<1000x128xf32> to vector<1x1000x128xf32>
    tpu.vector_store %arg14[%swap3A_91, %swap3A_92, %swap3A_93], %swap3A_96 {strides = array<i32>} : memref<2x1000x128xf32, #tpu.memory_space<vmem>>, vector<1x1000x128xf32>,
    %swap3A_97 = arith.constant 1 : index
    %swap3A_98 = arith.constant 0 : index
    %swap3A_99 = arith.constant 0 : index
    %swap3A_100 = vector.load %arg14[%swap3A_97, %swap3A_98, %swap3A_99] : memref<2x1000x128xf32, #tpu.memory_space<vmem>>, vector<1x1000x128xf32>
    %swap3A_101 = vector.shape_cast %swap3A_100 : vector<1x1000x128xf32> to vector<1000x128xf32>
    %swap3A_102 = vector.shape_cast %mul3A_90 : vector<1000x128xf32> to vector<1x1000x128xf32>
    tpu.vector_store %arg14[%swap3A_97, %swap3A_98, %swap3A_99], %swap3A_102 {strides = array<i32>} : memref<2x1000x128xf32, #tpu.memory_space<vmem>>, vector<1x1000x128xf32>,
    return
  }
  func.func @transform_0(%arg0: i32) -> (i32, i32) {
    %c0_i32 = arith.constant 0 : i32
    %c0_i32_0 = arith.constant 0 : i32
    return %arg0, %c0_i32 : i32, i32
  }
  func.func @transform_1(%arg0: i32) -> (i32, i32, i32) {
    %c0_i32 = arith.constant 0 : i32
    %c0_i32_0 = arith.constant 0 : i32
    %c0_i32_1 = arith.constant 0 : i32
    return %c0_i32, %arg0, %c0_i32_0 : i32, i32, i32
  }
  func.func @transform_2(%arg0: i32) -> (i32, i32, i32) {
    %c1_i32 = arith.constant 1 : i32
    %c0_i32 = arith.constant 0 : i32
    %c0_i32_0 = arith.constant 0 : i32
    return %c1_i32, %arg0, %c0_i32 : i32, i32, i32
  }
  func.func @transform_3(%arg0: i32) -> (i32, i32) {
    %c0_i32 = arith.constant 0 : i32
    %c0_i32_0 = arith.constant 0 : i32
    %c0_i32_1 = arith.constant 0 : i32
    return %c0_i32, %c0_i32_0 : i32, i32
  }
  func.func @transform_4(%arg0: i32) -> (i32, i32) {
    %c0_i32 = arith.constant 0 : i32
    %c0_i32_0 = arith.constant 0 : i32
    %c0_i32_1 = arith.constant 0 : i32
    return %c0_i32, %c0_i32_0 : i32, i32
  }
  func.func @transform_5(%arg0: i32) -> (i32, i32) {
    %c0_i32 = arith.constant 0 : i32
    %c0_i32_0 = arith.constant 0 : i32
    %c0_i32_1 = arith.constant 0 : i32
    return %c0_i32, %c0_i32_0 : i32, i32
  }
  func.func @transform_6(%arg0: i32) -> (i32, i32) {
    %c0_i32 = arith.constant 0 : i32
    %c0_i32_0 = arith.constant 0 : i32
    %c0_i32_1 = arith.constant 0 : i32
    return %c0_i32, %c0_i32_0 : i32, i32
  }
  func.func @transform_7(%arg0: i32) -> (i32, i32) {
    %c0_i32 = arith.constant 0 : i32
    %c0_i32_0 = arith.constant 0 : i32
    %c0_i32_1 = arith.constant 0 : i32
    return %c0_i32, %c0_i32_0 : i32, i32
  }
  func.func @transform_8(%arg0: i32) -> (i32, i32) {
    %c0_i32 = arith.constant 0 : i32
    %c0_i32_0 = arith.constant 0 : i32
    %c0_i32_1 = arith.constant 0 : i32
    return %c0_i32, %c0_i32_0 : i32, i32
  }
  func.func @transform_9(%arg0: i32) -> (i32, i32) {
    %c0_i32 = arith.constant 0 : i32
    %c0_i32_0 = arith.constant 0 : i32
    %c0_i32_1 = arith.constant 0 : i32
    return %c0_i32, %c0_i32_0 : i32, i32
  }
  func.func @transform_10(%arg0: i32) -> (i32, i32) {
    %c0_i32 = arith.constant 0 : i32
    %c0_i32_0 = arith.constant 0 : i32
    %c0_i32_1 = arith.constant 0 : i32
    return %c0_i32, %c0_i32_0 : i32, i32
  }
  func.func @transform_11(%arg0: i32) -> (i32, i32) {
    %c0_i32 = arith.constant 0 : i32
    %c0_i32_0 = arith.constant 0 : i32
    %c0_i32_1 = arith.constant 0 : i32
    return %c0_i32, %c0_i32_0 : i32, i32
  }
  func.func @transform_12(%arg0: i32) -> (i32, i32) {
    %c0_i32 = arith.constant 0 : i32
    %c0_i32_0 = arith.constant 0 : i32
    return %arg0, %c0_i32 : i32, i32
  }
  func.func @transform_13(%arg0: i32) -> (i32, i32, i32) {
    %c0_i32 = arith.constant 0 : i32
    %c0_i32_0 = arith.constant 0 : i32
    %c0_i32_1 = arith.constant 0 : i32
    return %c0_i32, %arg0, %c0_i32_0 : i32, i32, i32
  }
}

module attributes {stable_mosaic.version = 14 : i64} {
  func.func @_mlp_kernel(%arg0: i32, %arg1: memref<1000x128xf32, #tpu.memory_space<vmem>>, %arg2: memref<1x1000x128xf32, #tpu.memory_space<vmem>>, %arg3: memref<1x1000x128xf32, #tpu.memory_space<vmem>>, %arg4: memref<128x256xf32, #tpu.memory_space<vmem>>, %arg5: memref<1x256xf32, #tpu.memory_space<vmem>>, %arg6: memref<1x256xf32, #tpu.memory_space<vmem>>, %arg7: memref<1x256xf32, #tpu.memory_space<vmem>>, %arg8: memref<256x128xf32, #tpu.memory_space<vmem>>, %arg9: memref<1x128xf32, #tpu.memory_space<vmem>>, %arg10: memref<1x128xf32, #tpu.memory_space<vmem>>, %arg11: memref<1x128xf32, #tpu.memory_space<vmem>>, %arg12: memref<1x1xf32, #tpu.memory_space<vmem>>, %arg13: memref<1000x128xf32, #tpu.memory_space<vmem>>, %arg14: memref<2x1000x128xf32, #tpu.memory_space<vmem>>) attributes {dimension_semantics = [#tpu.dimension_semantics<arbitrary>], iteration_bounds = array<i64: 10>, scalar_prefetch = 0 : i64, scratch_operands = 0 : i64, tpu.core_type = #tpu.core_type<tc>, window_params = [{transform_indices = @transform_0, window_bounds = array<i64: 1000, 128>}, {transform_indices = @transform_1, window_bounds = array<i64: 1, 1000, 128>}, {transform_indices = @transform_2, window_bounds = array<i64: 1, 1000, 128>}, {pipeline_mode = #tpu.pipeline_mode<synchronous>, transform_indices = @transform_3, window_bounds = array<i64: 128, 256>}, {pipeline_mode = #tpu.pipeline_mode<synchronous>, transform_indices = @transform_4, window_bounds = array<i64: 1, 256>}, {pipeline_mode = #tpu.pipeline_mode<synchronous>, transform_indices = @transform_5, window_bounds = array<i64: 1, 256>}, {pipeline_mode = #tpu.pipeline_mode<synchronous>, transform_indices = @transform_6, window_bounds = array<i64: 1, 256>}, {pipeline_mode = #tpu.pipeline_mode<synchronous>, transform_indices = @transform_7, window_bounds = array<i64: 256, 128>}, {pipeline_mode = #tpu.pipeline_mode<synchronous>, transform_indices = @transform_8, window_bounds = array<i64: 1, 128>}, {pipeline_mode = #tpu.pipeline_mode<synchronous>, transform_indices = @transform_9, window_bounds = array<i64: 1, 128>}, {pipeline_mode = #tpu.pipeline_mode<synchronous>, transform_indices = @transform_10, window_bounds = array<i64: 1, 128>}, {pipeline_mode = #tpu.pipeline_mode<synchronous>, transform_indices = @transform_11, window_bounds = array<i64: 1, 1>}, {transform_indices = @transform_12, window_bounds = array<i64: 1000, 128>}, {transform_indices = @transform_13, window_bounds = array<i64: 2, 1000, 128>}]} {
    %get3A = arith.constant 0 : index
    %get3A_0 = arith.constant 0 : index
    %get3A_1 = vector.load %arg1[%get3A, %get3A_0] : memref<1000x128xf32, #tpu.memory_space<vmem>>, vector<1000x128xf32>
    %get3A_2 = arith.constant 0 : index
    %get3A_3 = arith.constant 0 : index
    %get3A_4 = arith.constant 0 : index
    %get3A_5 = vector.load %arg2[%get3A_2, %get3A_3, %get3A_4] : memref<1x1000x128xf32, #tpu.memory_space<vmem>>, vector<1x1000x128xf32>
    %get3A_6 = vector.shape_cast %get3A_5 : vector<1x1000x128xf32> to vector<1000x128xf32>
    %get3A_7 = arith.constant 0 : index
    %get3A_8 = arith.constant 0 : index
    %get3A_9 = arith.constant 0 : index
    %get3A_10 = vector.load %arg3[%get3A_7, %get3A_8, %get3A_9] : memref<1x1000x128xf32, #tpu.memory_space<vmem>>, vector<1x1000x128xf32>
    %get3A_11 = vector.shape_cast %get3A_10 : vector<1x1000x128xf32> to vector<1000x128xf32>
    %gt3A = arith.constant 0.000000e+00 : f32
    %gt3A_12 = vector.broadcast %gt3A : f32 to vector<1000x128xf32>
    %gt3A_13 = arith.cmpf ogt, %get3A_6, %gt3A_12 : vector<1000x128xf32>
    %div3A = arith.divf %get3A_11, %get3A_6 : vector<1000x128xf32>
    %jit3A = arith.constant 0.000000e+00 : f32
    %broadcast_in_dim3A = vector.broadcast %jit3A : f32 to vector<1000x128xf32>
    %select_n3A = arith.select %gt3A_13, %div3A, %broadcast_in_dim3A : vector<1000x128xi1>, vector<1000x128xf32>
    %add3A = arith.addf %select_n3A, %get3A_1 : vector<1000x128xf32>
    %get3A_14 = arith.constant 0 : index
    %get3A_15 = arith.constant 0 : index
    %get3A_16 = vector.load %arg4[%get3A_14, %get3A_15] : memref<128x256xf32, #tpu.memory_space<vmem>>, vector<128x256xf32>
    %dot_general3A = arith.constant dense<0.000000e+00> : vector<1000x256xf32>
    %dot_general3A_17 = tpu.matmul %add3A, %get3A_16, %dot_general3A {dimension_numbers = #tpu.dot_dimension_numbers<[1], [0], [0], [1], [0, 0, 1, 1], [], []>, transpose_lhs_hint = false} : vector<1000x128xf32>, vector<128x256xf32>, vector<1000x256xf32> -> vector<1000x256xf32>
    %get3A_18 = arith.constant 0 : index
    %get3A_19 = arith.constant 0 : index
    %get3A_20 = vector.load %arg5[%get3A_18, %get3A_19] : memref<1x256xf32, #tpu.memory_space<vmem>>, vector<1x256xf32>
    %add3A_21 = vector.broadcast %get3A_20 : vector<1x256xf32> to vector<1000x256xf32>
    %add3A_22 = arith.addf %dot_general3A_17, %add3A_21 : vector<1000x256xf32>
    %get3A_23 = arith.constant 0 : index
    %get3A_24 = arith.constant 0 : index
    %get3A_25 = vector.load %arg6[%get3A_23, %get3A_24] : memref<1x256xf32, #tpu.memory_space<vmem>>, vector<1x256xf32>
    %get3A_26 = arith.constant 0 : index
    %get3A_27 = arith.constant 0 : index
    %get3A_28 = vector.load %arg7[%get3A_26, %get3A_27] : memref<1x256xf32, #tpu.memory_space<vmem>>, vector<1x256xf32>
    %reduce_sum3A = arith.constant dense<0.000000e+00> : vector<1000xf32>
    %reduce_sum3A_29 = vector.multi_reduction <add>, %add3A_22, %reduce_sum3A [1] : vector<1000x256xf32> to vector<1000xf32>
    %broadcast_in_dim3A_30 = vector.shape_cast %reduce_sum3A_29 : vector<1000xf32> to vector<1000x1xf32>
    %div3A_31 = arith.constant 2.560000e+02 : f32
    %div3A_32 = vector.broadcast %div3A_31 : f32 to vector<1000x1xf32>
    %div3A_33 = arith.divf %broadcast_in_dim3A_30, %div3A_32 : vector<1000x1xf32>
    %jit3A_34 = arith.constant 0 : i32
    %reduce_sum3A_35 = arith.constant dense<0.000000e+00> : vector<1000xf32>
    %reduce_sum3A_36 = vector.multi_reduction <add>, %add3A_22, %reduce_sum3A_35 [1] : vector<1000x256xf32> to vector<1000xf32>
    %broadcast_in_dim3A_37 = vector.shape_cast %reduce_sum3A_36 : vector<1000xf32> to vector<1000x1xf32>
    %div3A_38 = arith.constant 2.560000e+02 : f32
    %div3A_39 = vector.broadcast %div3A_38 : f32 to vector<1000x1xf32>
    %div3A_40 = arith.divf %broadcast_in_dim3A_37, %div3A_39 : vector<1000x1xf32>
    %sub3A = vector.broadcast %div3A_40 : vector<1000x1xf32> to vector<1000x256xf32>
    %sub3A_41 = arith.subf %add3A_22, %sub3A : vector<1000x256xf32>
    %square3A = arith.mulf %sub3A_41, %sub3A_41 : vector<1000x256xf32>
    %convert_element_type3A = arith.sitofp %jit3A_34 : i32 to f32
    %sub3A_42 = arith.constant 2.560000e+02 : f32
    %sub3A_43 = arith.subf %sub3A_42, %convert_element_type3A : f32
    %reduce_sum3A_44 = arith.constant dense<0.000000e+00> : vector<1000xf32>
    %reduce_sum3A_45 = vector.multi_reduction <add>, %square3A, %reduce_sum3A_44 [1] : vector<1000x256xf32> to vector<1000xf32>
    %broadcast_in_dim3A_46 = vector.shape_cast %reduce_sum3A_45 : vector<1000xf32> to vector<1000x1xf32>
    %div3A_47 = vector.broadcast %sub3A_43 : f32 to vector<1000x1xf32>
    %div3A_48 = arith.divf %broadcast_in_dim3A_46, %div3A_47 : vector<1000x1xf32>
    %gt3A_49 = arith.constant 0.000000e+00 : f32
    %gt3A_50 = arith.cmpf ogt, %sub3A_43, %gt3A_49 : f32
    %jit3A_51 = arith.constant 0x7FC00000 : f32
    %broadcast_in_dim3A_52 = vector.broadcast %jit3A_51 : f32 to vector<1000x1xf32>
    %select_n3A_53 = arith.select %gt3A_50, %div3A_48, %broadcast_in_dim3A_52 : vector<1000x1xf32>
    %sub3A_54 = vector.broadcast %div3A_33 : vector<1000x1xf32> to vector<1000x256xf32>
    %sub3A_55 = arith.subf %add3A_22, %sub3A_54 : vector<1000x256xf32>
    %add3A_56 = arith.constant 9.99999974E-6 : f32
    %add3A_57 = vector.broadcast %add3A_56 : f32 to vector<1000x1xf32>
    %add3A_58 = arith.addf %select_n3A_53, %add3A_57 : vector<1000x1xf32>
    %rsqrt3A = math.rsqrt %add3A_58 : vector<1000x1xf32>
    %mul3A = vector.broadcast %rsqrt3A : vector<1000x1xf32> to vector<1000x256xf32>
    %mul3A_59 = arith.mulf %sub3A_55, %mul3A : vector<1000x256xf32>
    %mul3A_60 = vector.broadcast %get3A_25 : vector<1x256xf32> to vector<1000x256xf32>
    %mul3A_61 = arith.mulf %mul3A_59, %mul3A_60 : vector<1000x256xf32>
    %add3A_62 = vector.broadcast %get3A_28 : vector<1x256xf32> to vector<1000x256xf32>
    %add3A_63 = arith.addf %mul3A_61, %add3A_62 : vector<1000x256xf32>
    %max3A = arith.constant 0.000000e+00 : f32
    %max3A_64 = vector.broadcast %max3A : f32 to vector<1000x256xf32>
    %max3A_65 = arith.maximumf %add3A_63, %max3A_64 : vector<1000x256xf32>
    %get3A_66 = arith.constant 0 : index
    %get3A_67 = arith.constant 0 : index
    %get3A_68 = vector.load %arg8[%get3A_66, %get3A_67] : memref<256x128xf32, #tpu.memory_space<vmem>>, vector<256x128xf32>
    %dot_general3A_69 = arith.constant dense<0.000000e+00> : vector<1000x128xf32>
    %dot_general3A_70 = tpu.matmul %max3A_65, %get3A_68, %dot_general3A_69 {dimension_numbers = #tpu.dot_dimension_numbers<[1], [0], [0], [1], [0, 0, 1, 1], [], []>, transpose_lhs_hint = false} : vector<1000x256xf32>, vector<256x128xf32>, vector<1000x128xf32> -> vector<1000x128xf32>
    %get3A_71 = arith.constant 0 : index
    %get3A_72 = arith.constant 0 : index
    %get3A_73 = vector.load %arg9[%get3A_71, %get3A_72] : memref<1x128xf32, #tpu.memory_space<vmem>>, vector<1x128xf32>
    %add3A_74 = vector.broadcast %get3A_73 : vector<1x128xf32> to vector<1000x128xf32>
    %add3A_75 = arith.addf %dot_general3A_70, %add3A_74 : vector<1000x128xf32>
    %get3A_76 = arith.constant 0 : index
    %get3A_77 = arith.constant 0 : index
    %get3A_78 = vector.load %arg10[%get3A_76, %get3A_77] : memref<1x128xf32, #tpu.memory_space<vmem>>, vector<1x128xf32>
    %get3A_79 = arith.constant 0 : index
    %get3A_80 = arith.constant 0 : index
    %get3A_81 = vector.load %arg11[%get3A_79, %get3A_80] : memref<1x128xf32, #tpu.memory_space<vmem>>, vector<1x128xf32>
    %reduce_sum3A_82 = arith.constant dense<0.000000e+00> : vector<1000xf32>
    %reduce_sum3A_83 = vector.multi_reduction <add>, %add3A_75, %reduce_sum3A_82 [1] : vector<1000x128xf32> to vector<1000xf32>
    %broadcast_in_dim3A_84 = vector.shape_cast %reduce_sum3A_83 : vector<1000xf32> to vector<1000x1xf32>
    %div3A_85 = arith.constant 1.280000e+02 : f32
    %div3A_86 = vector.broadcast %div3A_85 : f32 to vector<1000x1xf32>
    %div3A_87 = arith.divf %broadcast_in_dim3A_84, %div3A_86 : vector<1000x1xf32>
    %jit3A_88 = arith.constant 0 : i32
    %reduce_sum3A_89 = arith.constant dense<0.000000e+00> : vector<1000xf32>
    %reduce_sum3A_90 = vector.multi_reduction <add>, %add3A_75, %reduce_sum3A_89 [1] : vector<1000x128xf32> to vector<1000xf32>
    %broadcast_in_dim3A_91 = vector.shape_cast %reduce_sum3A_90 : vector<1000xf32> to vector<1000x1xf32>
    %div3A_92 = arith.constant 1.280000e+02 : f32
    %div3A_93 = vector.broadcast %div3A_92 : f32 to vector<1000x1xf32>
    %div3A_94 = arith.divf %broadcast_in_dim3A_91, %div3A_93 : vector<1000x1xf32>
    %sub3A_95 = vector.broadcast %div3A_94 : vector<1000x1xf32> to vector<1000x128xf32>
    %sub3A_96 = arith.subf %add3A_75, %sub3A_95 : vector<1000x128xf32>
    %square3A_97 = arith.mulf %sub3A_96, %sub3A_96 : vector<1000x128xf32>
    %convert_element_type3A_98 = arith.sitofp %jit3A_88 : i32 to f32
    %sub3A_99 = arith.constant 1.280000e+02 : f32
    %sub3A_100 = arith.subf %sub3A_99, %convert_element_type3A_98 : f32
    %reduce_sum3A_101 = arith.constant dense<0.000000e+00> : vector<1000xf32>
    %reduce_sum3A_102 = vector.multi_reduction <add>, %square3A_97, %reduce_sum3A_101 [1] : vector<1000x128xf32> to vector<1000xf32>
    %broadcast_in_dim3A_103 = vector.shape_cast %reduce_sum3A_102 : vector<1000xf32> to vector<1000x1xf32>
    %div3A_104 = vector.broadcast %sub3A_100 : f32 to vector<1000x1xf32>
    %div3A_105 = arith.divf %broadcast_in_dim3A_103, %div3A_104 : vector<1000x1xf32>
    %gt3A_106 = arith.constant 0.000000e+00 : f32
    %gt3A_107 = arith.cmpf ogt, %sub3A_100, %gt3A_106 : f32
    %jit3A_108 = arith.constant 0x7FC00000 : f32
    %broadcast_in_dim3A_109 = vector.broadcast %jit3A_108 : f32 to vector<1000x1xf32>
    %select_n3A_110 = arith.select %gt3A_107, %div3A_105, %broadcast_in_dim3A_109 : vector<1000x1xf32>
    %sub3A_111 = vector.broadcast %div3A_87 : vector<1000x1xf32> to vector<1000x128xf32>
    %sub3A_112 = arith.subf %add3A_75, %sub3A_111 : vector<1000x128xf32>
    %add3A_113 = arith.constant 9.99999974E-6 : f32
    %add3A_114 = vector.broadcast %add3A_113 : f32 to vector<1000x1xf32>
    %add3A_115 = arith.addf %select_n3A_110, %add3A_114 : vector<1000x1xf32>
    %rsqrt3A_116 = math.rsqrt %add3A_115 : vector<1000x1xf32>
    %mul3A_117 = vector.broadcast %rsqrt3A_116 : vector<1000x1xf32> to vector<1000x128xf32>
    %mul3A_118 = arith.mulf %sub3A_112, %mul3A_117 : vector<1000x128xf32>
    %mul3A_119 = vector.broadcast %get3A_78 : vector<1x128xf32> to vector<1000x128xf32>
    %mul3A_120 = arith.mulf %mul3A_118, %mul3A_119 : vector<1000x128xf32>
    %add3A_121 = vector.broadcast %get3A_81 : vector<1x128xf32> to vector<1000x128xf32>
    %add3A_122 = arith.addf %mul3A_120, %add3A_121 : vector<1000x128xf32>
    %max3A_123 = arith.constant 0.000000e+00 : f32
    %max3A_124 = vector.broadcast %max3A_123 : f32 to vector<1000x128xf32>
    %max3A_125 = arith.maximumf %add3A_122, %max3A_124 : vector<1000x128xf32>
    %add3A_126 = arith.addf %get3A_1, %max3A_125 : vector<1000x128xf32>
    %swap3A = arith.constant 0 : index
    %swap3A_127 = arith.constant 0 : index
    %swap3A_128 = vector.load %arg13[%swap3A, %swap3A_127] : memref<1000x128xf32, #tpu.memory_space<vmem>>, vector<1000x128xf32>
    tpu.vector_store %arg13[%swap3A, %swap3A_127], %add3A_126 {strides = array<i32>} : memref<1000x128xf32, #tpu.memory_space<vmem>>, vector<1000x128xf32>,
    %get3A_129 = arith.constant 0 : index
    %get3A_130 = arith.constant 0 : index
    %get3A_131 = vector.load %arg12[%get3A_129, %get3A_130] : memref<1x1xf32, #tpu.memory_space<vmem>>, vector<1x1xf32>
    %get3A_132 = vector.extract %get3A_131[0, 0] : f32 from vector<1x1xf32>
    %max3A_133 = arith.constant 0.000000e+00 : f32
    %max3A_134 = vector.broadcast %max3A_133 : f32 to vector<1000x128xf32>
    %max3A_135 = arith.maximumf %add3A_126, %max3A_134 : vector<1000x128xf32>
    %add3A_136 = arith.constant 1.000000e-07 : f32
    %add3A_137 = vector.broadcast %add3A_136 : f32 to vector<1000x128xf32>
    %add3A_138 = arith.addf %max3A_135, %add3A_137 : vector<1000x128xf32>
    %mul3A_139 = vector.broadcast %get3A_132 : f32 to vector<1000x128xf32>
    %mul3A_140 = arith.mulf %add3A_138, %mul3A_139 : vector<1000x128xf32>
    %exp3A = math.exp %mul3A_140 : vector<1000x128xf32>
    %mul3A_141 = arith.mulf %exp3A, %add3A_138 : vector<1000x128xf32>
    %swap3A_142 = arith.constant 0 : index
    %swap3A_143 = arith.constant 0 : index
    %swap3A_144 = arith.constant 0 : index
    %swap3A_145 = vector.load %arg14[%swap3A_142, %swap3A_143, %swap3A_144] : memref<2x1000x128xf32, #tpu.memory_space<vmem>>, vector<1x1000x128xf32>
    %swap3A_146 = vector.shape_cast %swap3A_145 : vector<1x1000x128xf32> to vector<1000x128xf32>
    %swap3A_147 = vector.shape_cast %exp3A : vector<1000x128xf32> to vector<1x1000x128xf32>
    tpu.vector_store %arg14[%swap3A_142, %swap3A_143, %swap3A_144], %swap3A_147 {strides = array<i32>} : memref<2x1000x128xf32, #tpu.memory_space<vmem>>, vector<1x1000x128xf32>,
    %swap3A_148 = arith.constant 1 : index
    %swap3A_149 = arith.constant 0 : index
    %swap3A_150 = arith.constant 0 : index
    %swap3A_151 = vector.load %arg14[%swap3A_148, %swap3A_149, %swap3A_150] : memref<2x1000x128xf32, #tpu.memory_space<vmem>>, vector<1x1000x128xf32>
    %swap3A_152 = vector.shape_cast %swap3A_151 : vector<1x1000x128xf32> to vector<1000x128xf32>
    %swap3A_153 = vector.shape_cast %mul3A_141 : vector<1000x128xf32> to vector<1x1000x128xf32>
    tpu.vector_store %arg14[%swap3A_148, %swap3A_149, %swap3A_150], %swap3A_153 {strides = array<i32>} : memref<2x1000x128xf32, #tpu.memory_space<vmem>>, vector<1x1000x128xf32>,
    return
  }
  func.func @transform_0(%arg0: i32) -> (i32, i32) {
    %c0_i32 = arith.constant 0 : i32
    %c0_i32_0 = arith.constant 0 : i32
    return %arg0, %c0_i32 : i32, i32
  }
  func.func @transform_1(%arg0: i32) -> (i32, i32, i32) {
    %c0_i32 = arith.constant 0 : i32
    %c0_i32_0 = arith.constant 0 : i32
    %c0_i32_1 = arith.constant 0 : i32
    return %c0_i32, %arg0, %c0_i32_0 : i32, i32, i32
  }
  func.func @transform_2(%arg0: i32) -> (i32, i32, i32) {
    %c1_i32 = arith.constant 1 : i32
    %c0_i32 = arith.constant 0 : i32
    %c0_i32_0 = arith.constant 0 : i32
    return %c1_i32, %arg0, %c0_i32 : i32, i32, i32
  }
  func.func @transform_3(%arg0: i32) -> (i32, i32) {
    %c0_i32 = arith.constant 0 : i32
    %c0_i32_0 = arith.constant 0 : i32
    %c0_i32_1 = arith.constant 0 : i32
    return %c0_i32, %c0_i32_0 : i32, i32
  }
  func.func @transform_4(%arg0: i32) -> (i32, i32) {
    %c0_i32 = arith.constant 0 : i32
    %c0_i32_0 = arith.constant 0 : i32
    %c0_i32_1 = arith.constant 0 : i32
    return %c0_i32, %c0_i32_0 : i32, i32
  }
  func.func @transform_5(%arg0: i32) -> (i32, i32) {
    %c0_i32 = arith.constant 0 : i32
    %c0_i32_0 = arith.constant 0 : i32
    %c0_i32_1 = arith.constant 0 : i32
    return %c0_i32, %c0_i32_0 : i32, i32
  }
  func.func @transform_6(%arg0: i32) -> (i32, i32) {
    %c0_i32 = arith.constant 0 : i32
    %c0_i32_0 = arith.constant 0 : i32
    %c0_i32_1 = arith.constant 0 : i32
    return %c0_i32, %c0_i32_0 : i32, i32
  }
  func.func @transform_7(%arg0: i32) -> (i32, i32) {
    %c0_i32 = arith.constant 0 : i32
    %c0_i32_0 = arith.constant 0 : i32
    %c0_i32_1 = arith.constant 0 : i32
    return %c0_i32, %c0_i32_0 : i32, i32
  }
  func.func @transform_8(%arg0: i32) -> (i32, i32) {
    %c0_i32 = arith.constant 0 : i32
    %c0_i32_0 = arith.constant 0 : i32
    %c0_i32_1 = arith.constant 0 : i32
    return %c0_i32, %c0_i32_0 : i32, i32
  }
  func.func @transform_9(%arg0: i32) -> (i32, i32) {
    %c0_i32 = arith.constant 0 : i32
    %c0_i32_0 = arith.constant 0 : i32
    %c0_i32_1 = arith.constant 0 : i32
    return %c0_i32, %c0_i32_0 : i32, i32
  }
  func.func @transform_10(%arg0: i32) -> (i32, i32) {
    %c0_i32 = arith.constant 0 : i32
    %c0_i32_0 = arith.constant 0 : i32
    %c0_i32_1 = arith.constant 0 : i32
    return %c0_i32, %c0_i32_0 : i32, i32
  }
  func.func @transform_11(%arg0: i32) -> (i32, i32) {
    %c0_i32 = arith.constant 0 : i32
    %c0_i32_0 = arith.constant 0 : i32
    %c0_i32_1 = arith.constant 0 : i32
    return %c0_i32, %c0_i32_0 : i32, i32
  }
  func.func @transform_12(%arg0: i32) -> (i32, i32) {
    %c0_i32 = arith.constant 0 : i32
    %c0_i32_0 = arith.constant 0 : i32
    return %arg0, %c0_i32 : i32, i32
  }
  func.func @transform_13(%arg0: i32) -> (i32, i32, i32) {
    %c0_i32 = arith.constant 0 : i32
    %c0_i32_0 = arith.constant 0 : i32
    %c0_i32_1 = arith.constant 0 : i32
    return %c0_i32, %arg0, %c0_i32_0 : i32, i32, i32
  }
}

module attributes {stable_mosaic.version = 14 : i64} {
  func.func @_mlp_kernel(%arg0: i32, %arg1: memref<1000x128xf32, #tpu.memory_space<vmem>>, %arg2: memref<1x1000x128xf32, #tpu.memory_space<vmem>>, %arg3: memref<1x1000x128xf32, #tpu.memory_space<vmem>>, %arg4: memref<128x256xf32, #tpu.memory_space<vmem>>, %arg5: memref<1x256xf32, #tpu.memory_space<vmem>>, %arg6: memref<1x256xf32, #tpu.memory_space<vmem>>, %arg7: memref<1x256xf32, #tpu.memory_space<vmem>>, %arg8: memref<256x128xf32, #tpu.memory_space<vmem>>, %arg9: memref<1x128xf32, #tpu.memory_space<vmem>>, %arg10: memref<1x128xf32, #tpu.memory_space<vmem>>, %arg11: memref<1x128xf32, #tpu.memory_space<vmem>>, %arg12: memref<1x1xf32, #tpu.memory_space<vmem>>, %arg13: memref<1000x128xf32, #tpu.memory_space<vmem>>, %arg14: memref<1000x128xf32, #tpu.memory_space<vmem>>) attributes {dimension_semantics = [#tpu.dimension_semantics<arbitrary>], iteration_bounds = array<i64: 10>, scalar_prefetch = 0 : i64, scratch_operands = 0 : i64, tpu.core_type = #tpu.core_type<tc>, window_params = [{transform_indices = @transform_0, window_bounds = array<i64: 1000, 128>}, {transform_indices = @transform_1, window_bounds = array<i64: 1, 1000, 128>}, {transform_indices = @transform_2, window_bounds = array<i64: 1, 1000, 128>}, {pipeline_mode = #tpu.pipeline_mode<synchronous>, transform_indices = @transform_3, window_bounds = array<i64: 128, 256>}, {pipeline_mode = #tpu.pipeline_mode<synchronous>, transform_indices = @transform_4, window_bounds = array<i64: 1, 256>}, {pipeline_mode = #tpu.pipeline_mode<synchronous>, transform_indices = @transform_5, window_bounds = array<i64: 1, 256>}, {pipeline_mode = #tpu.pipeline_mode<synchronous>, transform_indices = @transform_6, window_bounds = array<i64: 1, 256>}, {pipeline_mode = #tpu.pipeline_mode<synchronous>, transform_indices = @transform_7, window_bounds = array<i64: 256, 128>}, {pipeline_mode = #tpu.pipeline_mode<synchronous>, transform_indices = @transform_8, window_bounds = array<i64: 1, 128>}, {pipeline_mode = #tpu.pipeline_mode<synchronous>, transform_indices = @transform_9, window_bounds = array<i64: 1, 128>}, {pipeline_mode = #tpu.pipeline_mode<synchronous>, transform_indices = @transform_10, window_bounds = array<i64: 1, 128>}, {pipeline_mode = #tpu.pipeline_mode<synchronous>, transform_indices = @transform_11, window_bounds = array<i64: 1, 1>}, {transform_indices = @transform_12, window_bounds = array<i64: 1000, 128>}, {transform_indices = @transform_13, window_bounds = array<i64: 1000, 128>}]} {
    %get3A = arith.constant 0 : index
    %get3A_0 = arith.constant 0 : index
    %get3A_1 = vector.load %arg1[%get3A, %get3A_0] : memref<1000x128xf32, #tpu.memory_space<vmem>>, vector<1000x128xf32>
    %get3A_2 = arith.constant 0 : index
    %get3A_3 = arith.constant 0 : index
    %get3A_4 = arith.constant 0 : index
    %get3A_5 = vector.load %arg2[%get3A_2, %get3A_3, %get3A_4] : memref<1x1000x128xf32, #tpu.memory_space<vmem>>, vector<1x1000x128xf32>
    %get3A_6 = vector.shape_cast %get3A_5 : vector<1x1000x128xf32> to vector<1000x128xf32>
    %get3A_7 = arith.constant 0 : index
    %get3A_8 = arith.constant 0 : index
    %get3A_9 = arith.constant 0 : index
    %get3A_10 = vector.load %arg3[%get3A_7, %get3A_8, %get3A_9] : memref<1x1000x128xf32, #tpu.memory_space<vmem>>, vector<1x1000x128xf32>
    %get3A_11 = vector.shape_cast %get3A_10 : vector<1x1000x128xf32> to vector<1000x128xf32>
    %gt3A = arith.constant 0.000000e+00 : f32
    %gt3A_12 = vector.broadcast %gt3A : f32 to vector<1000x128xf32>
    %gt3A_13 = arith.cmpf ogt, %get3A_6, %gt3A_12 : vector<1000x128xf32>
    %div3A = arith.divf %get3A_11, %get3A_6 : vector<1000x128xf32>
    %jit3A = arith.constant 0.000000e+00 : f32
    %broadcast_in_dim3A = vector.broadcast %jit3A : f32 to vector<1000x128xf32>
    %select_n3A = arith.select %gt3A_13, %div3A, %broadcast_in_dim3A : vector<1000x128xi1>, vector<1000x128xf32>
    %add3A = arith.addf %select_n3A, %get3A_1 : vector<1000x128xf32>
    %get3A_14 = arith.constant 0 : index
    %get3A_15 = arith.constant 0 : index
    %get3A_16 = vector.load %arg4[%get3A_14, %get3A_15] : memref<128x256xf32, #tpu.memory_space<vmem>>, vector<128x256xf32>
    %dot_general3A = arith.constant dense<0.000000e+00> : vector<1000x256xf32>
    %dot_general3A_17 = tpu.matmul %add3A, %get3A_16, %dot_general3A {dimension_numbers = #tpu.dot_dimension_numbers<[1], [0], [0], [1], [0, 0, 1, 1], [], []>, transpose_lhs_hint = false} : vector<1000x128xf32>, vector<128x256xf32>, vector<1000x256xf32> -> vector<1000x256xf32>
    %get3A_18 = arith.constant 0 : index
    %get3A_19 = arith.constant 0 : index
    %get3A_20 = vector.load %arg5[%get3A_18, %get3A_19] : memref<1x256xf32, #tpu.memory_space<vmem>>, vector<1x256xf32>
    %add3A_21 = vector.broadcast %get3A_20 : vector<1x256xf32> to vector<1000x256xf32>
    %add3A_22 = arith.addf %dot_general3A_17, %add3A_21 : vector<1000x256xf32>
    %get3A_23 = arith.constant 0 : index
    %get3A_24 = arith.constant 0 : index
    %get3A_25 = vector.load %arg6[%get3A_23, %get3A_24] : memref<1x256xf32, #tpu.memory_space<vmem>>, vector<1x256xf32>
    %get3A_26 = arith.constant 0 : index
    %get3A_27 = arith.constant 0 : index
    %get3A_28 = vector.load %arg7[%get3A_26, %get3A_27] : memref<1x256xf32, #tpu.memory_space<vmem>>, vector<1x256xf32>
    %reduce_sum3A = arith.constant dense<0.000000e+00> : vector<1000xf32>
    %reduce_sum3A_29 = vector.multi_reduction <add>, %add3A_22, %reduce_sum3A [1] : vector<1000x256xf32> to vector<1000xf32>
    %broadcast_in_dim3A_30 = vector.shape_cast %reduce_sum3A_29 : vector<1000xf32> to vector<1000x1xf32>
    %div3A_31 = arith.constant 2.560000e+02 : f32
    %div3A_32 = vector.broadcast %div3A_31 : f32 to vector<1000x1xf32>
    %div3A_33 = arith.divf %broadcast_in_dim3A_30, %div3A_32 : vector<1000x1xf32>
    %jit3A_34 = arith.constant 0 : i32
    %reduce_sum3A_35 = arith.constant dense<0.000000e+00> : vector<1000xf32>
    %reduce_sum3A_36 = vector.multi_reduction <add>, %add3A_22, %reduce_sum3A_35 [1] : vector<1000x256xf32> to vector<1000xf32>
    %broadcast_in_dim3A_37 = vector.shape_cast %reduce_sum3A_36 : vector<1000xf32> to vector<1000x1xf32>
    %div3A_38 = arith.constant 2.560000e+02 : f32
    %div3A_39 = vector.broadcast %div3A_38 : f32 to vector<1000x1xf32>
    %div3A_40 = arith.divf %broadcast_in_dim3A_37, %div3A_39 : vector<1000x1xf32>
    %sub3A = vector.broadcast %div3A_40 : vector<1000x1xf32> to vector<1000x256xf32>
    %sub3A_41 = arith.subf %add3A_22, %sub3A : vector<1000x256xf32>
    %square3A = arith.mulf %sub3A_41, %sub3A_41 : vector<1000x256xf32>
    %convert_element_type3A = arith.sitofp %jit3A_34 : i32 to f32
    %sub3A_42 = arith.constant 2.560000e+02 : f32
    %sub3A_43 = arith.subf %sub3A_42, %convert_element_type3A : f32
    %reduce_sum3A_44 = arith.constant dense<0.000000e+00> : vector<1000xf32>
    %reduce_sum3A_45 = vector.multi_reduction <add>, %square3A, %reduce_sum3A_44 [1] : vector<1000x256xf32> to vector<1000xf32>
    %broadcast_in_dim3A_46 = vector.shape_cast %reduce_sum3A_45 : vector<1000xf32> to vector<1000x1xf32>
    %div3A_47 = vector.broadcast %sub3A_43 : f32 to vector<1000x1xf32>
    %div3A_48 = arith.divf %broadcast_in_dim3A_46, %div3A_47 : vector<1000x1xf32>
    %gt3A_49 = arith.constant 0.000000e+00 : f32
    %gt3A_50 = arith.cmpf ogt, %sub3A_43, %gt3A_49 : f32
    %jit3A_51 = arith.constant 0x7FC00000 : f32
    %broadcast_in_dim3A_52 = vector.broadcast %jit3A_51 : f32 to vector<1000x1xf32>
    %select_n3A_53 = arith.select %gt3A_50, %div3A_48, %broadcast_in_dim3A_52 : vector<1000x1xf32>
    %sub3A_54 = vector.broadcast %div3A_33 : vector<1000x1xf32> to vector<1000x256xf32>
    %sub3A_55 = arith.subf %add3A_22, %sub3A_54 : vector<1000x256xf32>
    %add3A_56 = arith.constant 9.99999974E-6 : f32
    %add3A_57 = vector.broadcast %add3A_56 : f32 to vector<1000x1xf32>
    %add3A_58 = arith.addf %select_n3A_53, %add3A_57 : vector<1000x1xf32>
    %rsqrt3A = math.rsqrt %add3A_58 : vector<1000x1xf32>
    %mul3A = vector.broadcast %rsqrt3A : vector<1000x1xf32> to vector<1000x256xf32>
    %mul3A_59 = arith.mulf %sub3A_55, %mul3A : vector<1000x256xf32>
    %mul3A_60 = vector.broadcast %get3A_25 : vector<1x256xf32> to vector<1000x256xf32>
    %mul3A_61 = arith.mulf %mul3A_59, %mul3A_60 : vector<1000x256xf32>
    %add3A_62 = vector.broadcast %get3A_28 : vector<1x256xf32> to vector<1000x256xf32>
    %add3A_63 = arith.addf %mul3A_61, %add3A_62 : vector<1000x256xf32>
    %max3A = arith.constant 0.000000e+00 : f32
    %max3A_64 = vector.broadcast %max3A : f32 to vector<1000x256xf32>
    %max3A_65 = arith.maximumf %add3A_63, %max3A_64 : vector<1000x256xf32>
    %get3A_66 = arith.constant 0 : index
    %get3A_67 = arith.constant 0 : index
    %get3A_68 = vector.load %arg8[%get3A_66, %get3A_67] : memref<256x128xf32, #tpu.memory_space<vmem>>, vector<256x128xf32>
    %dot_general3A_69 = arith.constant dense<0.000000e+00> : vector<1000x128xf32>
    %dot_general3A_70 = tpu.matmul %max3A_65, %get3A_68, %dot_general3A_69 {dimension_numbers = #tpu.dot_dimension_numbers<[1], [0], [0], [1], [0, 0, 1, 1], [], []>, transpose_lhs_hint = false} : vector<1000x256xf32>, vector<256x128xf32>, vector<1000x128xf32> -> vector<1000x128xf32>
    %get3A_71 = arith.constant 0 : index
    %get3A_72 = arith.constant 0 : index
    %get3A_73 = vector.load %arg9[%get3A_71, %get3A_72] : memref<1x128xf32, #tpu.memory_space<vmem>>, vector<1x128xf32>
    %add3A_74 = vector.broadcast %get3A_73 : vector<1x128xf32> to vector<1000x128xf32>
    %add3A_75 = arith.addf %dot_general3A_70, %add3A_74 : vector<1000x128xf32>
    %get3A_76 = arith.constant 0 : index
    %get3A_77 = arith.constant 0 : index
    %get3A_78 = vector.load %arg10[%get3A_76, %get3A_77] : memref<1x128xf32, #tpu.memory_space<vmem>>, vector<1x128xf32>
    %get3A_79 = arith.constant 0 : index
    %get3A_80 = arith.constant 0 : index
    %get3A_81 = vector.load %arg11[%get3A_79, %get3A_80] : memref<1x128xf32, #tpu.memory_space<vmem>>, vector<1x128xf32>
    %reduce_sum3A_82 = arith.constant dense<0.000000e+00> : vector<1000xf32>
    %reduce_sum3A_83 = vector.multi_reduction <add>, %add3A_75, %reduce_sum3A_82 [1] : vector<1000x128xf32> to vector<1000xf32>
    %broadcast_in_dim3A_84 = vector.shape_cast %reduce_sum3A_83 : vector<1000xf32> to vector<1000x1xf32>
    %div3A_85 = arith.constant 1.280000e+02 : f32
    %div3A_86 = vector.broadcast %div3A_85 : f32 to vector<1000x1xf32>
    %div3A_87 = arith.divf %broadcast_in_dim3A_84, %div3A_86 : vector<1000x1xf32>
    %jit3A_88 = arith.constant 0 : i32
    %reduce_sum3A_89 = arith.constant dense<0.000000e+00> : vector<1000xf32>
    %reduce_sum3A_90 = vector.multi_reduction <add>, %add3A_75, %reduce_sum3A_89 [1] : vector<1000x128xf32> to vector<1000xf32>
    %broadcast_in_dim3A_91 = vector.shape_cast %reduce_sum3A_90 : vector<1000xf32> to vector<1000x1xf32>
    %div3A_92 = arith.constant 1.280000e+02 : f32
    %div3A_93 = vector.broadcast %div3A_92 : f32 to vector<1000x1xf32>
    %div3A_94 = arith.divf %broadcast_in_dim3A_91, %div3A_93 : vector<1000x1xf32>
    %sub3A_95 = vector.broadcast %div3A_94 : vector<1000x1xf32> to vector<1000x128xf32>
    %sub3A_96 = arith.subf %add3A_75, %sub3A_95 : vector<1000x128xf32>
    %square3A_97 = arith.mulf %sub3A_96, %sub3A_96 : vector<1000x128xf32>
    %convert_element_type3A_98 = arith.sitofp %jit3A_88 : i32 to f32
    %sub3A_99 = arith.constant 1.280000e+02 : f32
    %sub3A_100 = arith.subf %sub3A_99, %convert_element_type3A_98 : f32
    %reduce_sum3A_101 = arith.constant dense<0.000000e+00> : vector<1000xf32>
    %reduce_sum3A_102 = vector.multi_reduction <add>, %square3A_97, %reduce_sum3A_101 [1] : vector<1000x128xf32> to vector<1000xf32>
    %broadcast_in_dim3A_103 = vector.shape_cast %reduce_sum3A_102 : vector<1000xf32> to vector<1000x1xf32>
    %div3A_104 = vector.broadcast %sub3A_100 : f32 to vector<1000x1xf32>
    %div3A_105 = arith.divf %broadcast_in_dim3A_103, %div3A_104 : vector<1000x1xf32>
    %gt3A_106 = arith.constant 0.000000e+00 : f32
    %gt3A_107 = arith.cmpf ogt, %sub3A_100, %gt3A_106 : f32
    %jit3A_108 = arith.constant 0x7FC00000 : f32
    %broadcast_in_dim3A_109 = vector.broadcast %jit3A_108 : f32 to vector<1000x1xf32>
    %select_n3A_110 = arith.select %gt3A_107, %div3A_105, %broadcast_in_dim3A_109 : vector<1000x1xf32>
    %sub3A_111 = vector.broadcast %div3A_87 : vector<1000x1xf32> to vector<1000x128xf32>
    %sub3A_112 = arith.subf %add3A_75, %sub3A_111 : vector<1000x128xf32>
    %add3A_113 = arith.constant 9.99999974E-6 : f32
    %add3A_114 = vector.broadcast %add3A_113 : f32 to vector<1000x1xf32>
    %add3A_115 = arith.addf %select_n3A_110, %add3A_114 : vector<1000x1xf32>
    %rsqrt3A_116 = math.rsqrt %add3A_115 : vector<1000x1xf32>
    %mul3A_117 = vector.broadcast %rsqrt3A_116 : vector<1000x1xf32> to vector<1000x128xf32>
    %mul3A_118 = arith.mulf %sub3A_112, %mul3A_117 : vector<1000x128xf32>
    %mul3A_119 = vector.broadcast %get3A_78 : vector<1x128xf32> to vector<1000x128xf32>
    %mul3A_120 = arith.mulf %mul3A_118, %mul3A_119 : vector<1000x128xf32>
    %add3A_121 = vector.broadcast %get3A_81 : vector<1x128xf32> to vector<1000x128xf32>
    %add3A_122 = arith.addf %mul3A_120, %add3A_121 : vector<1000x128xf32>
    %max3A_123 = arith.constant 0.000000e+00 : f32
    %max3A_124 = vector.broadcast %max3A_123 : f32 to vector<1000x128xf32>
    %max3A_125 = arith.maximumf %add3A_122, %max3A_124 : vector<1000x128xf32>
    %add3A_126 = arith.addf %get3A_1, %max3A_125 : vector<1000x128xf32>
    %swap3A = arith.constant 0 : index
    %swap3A_127 = arith.constant 0 : index
    %swap3A_128 = vector.load %arg13[%swap3A, %swap3A_127] : memref<1000x128xf32, #tpu.memory_space<vmem>>, vector<1000x128xf32>
    tpu.vector_store %arg13[%swap3A, %swap3A_127], %add3A_126 {strides = array<i32>} : memref<1000x128xf32, #tpu.memory_space<vmem>>, vector<1000x128xf32>,
    return
  }
  func.func @transform_0(%arg0: i32) -> (i32, i32) {
    %c0_i32 = arith.constant 0 : i32
    %c0_i32_0 = arith.constant 0 : i32
    return %arg0, %c0_i32 : i32, i32
  }
  func.func @transform_1(%arg0: i32) -> (i32, i32, i32) {
    %c0_i32 = arith.constant 0 : i32
    %c0_i32_0 = arith.constant 0 : i32
    %c0_i32_1 = arith.constant 0 : i32
    return %c0_i32, %arg0, %c0_i32_0 : i32, i32, i32
  }
  func.func @transform_2(%arg0: i32) -> (i32, i32, i32) {
    %c1_i32 = arith.constant 1 : i32
    %c0_i32 = arith.constant 0 : i32
    %c0_i32_0 = arith.constant 0 : i32
    return %c1_i32, %arg0, %c0_i32 : i32, i32, i32
  }
  func.func @transform_3(%arg0: i32) -> (i32, i32) {
    %c0_i32 = arith.constant 0 : i32
    %c0_i32_0 = arith.constant 0 : i32
    %c0_i32_1 = arith.constant 0 : i32
    return %c0_i32, %c0_i32_0 : i32, i32
  }
  func.func @transform_4(%arg0: i32) -> (i32, i32) {
    %c0_i32 = arith.constant 0 : i32
    %c0_i32_0 = arith.constant 0 : i32
    %c0_i32_1 = arith.constant 0 : i32
    return %c0_i32, %c0_i32_0 : i32, i32
  }
  func.func @transform_5(%arg0: i32) -> (i32, i32) {
    %c0_i32 = arith.constant 0 : i32
    %c0_i32_0 = arith.constant 0 : i32
    %c0_i32_1 = arith.constant 0 : i32
    return %c0_i32, %c0_i32_0 : i32, i32
  }
  func.func @transform_6(%arg0: i32) -> (i32, i32) {
    %c0_i32 = arith.constant 0 : i32
    %c0_i32_0 = arith.constant 0 : i32
    %c0_i32_1 = arith.constant 0 : i32
    return %c0_i32, %c0_i32_0 : i32, i32
  }
  func.func @transform_7(%arg0: i32) -> (i32, i32) {
    %c0_i32 = arith.constant 0 : i32
    %c0_i32_0 = arith.constant 0 : i32
    %c0_i32_1 = arith.constant 0 : i32
    return %c0_i32, %c0_i32_0 : i32, i32
  }
  func.func @transform_8(%arg0: i32) -> (i32, i32) {
    %c0_i32 = arith.constant 0 : i32
    %c0_i32_0 = arith.constant 0 : i32
    %c0_i32_1 = arith.constant 0 : i32
    return %c0_i32, %c0_i32_0 : i32, i32
  }
  func.func @transform_9(%arg0: i32) -> (i32, i32) {
    %c0_i32 = arith.constant 0 : i32
    %c0_i32_0 = arith.constant 0 : i32
    %c0_i32_1 = arith.constant 0 : i32
    return %c0_i32, %c0_i32_0 : i32, i32
  }
  func.func @transform_10(%arg0: i32) -> (i32, i32) {
    %c0_i32 = arith.constant 0 : i32
    %c0_i32_0 = arith.constant 0 : i32
    %c0_i32_1 = arith.constant 0 : i32
    return %c0_i32, %c0_i32_0 : i32, i32
  }
  func.func @transform_11(%arg0: i32) -> (i32, i32) {
    %c0_i32 = arith.constant 0 : i32
    %c0_i32_0 = arith.constant 0 : i32
    %c0_i32_1 = arith.constant 0 : i32
    return %c0_i32, %c0_i32_0 : i32, i32
  }
  func.func @transform_12(%arg0: i32) -> (i32, i32) {
    %c0_i32 = arith.constant 0 : i32
    %c0_i32_0 = arith.constant 0 : i32
    return %arg0, %c0_i32 : i32, i32
  }
  func.func @transform_13(%arg0: i32) -> (i32, i32) {
    %c0_i32 = arith.constant 0 : i32
    %c0_i32_0 = arith.constant 0 : i32
    return %arg0, %c0_i32 : i32, i32
  }
}

</mosaic_0001>

<sc_bundles>
// kernel: kernel.12.cloned.1.call-start
scs
__scs_entry_jumppad:
0x0: {  	(pc) =	sbr.rel $0x88, $3  }
0x1: {  	(tag) =	ssettag $0x0;
	lr =	simm.s32 $0x1  }
0x2: {  	[smem:$0x3F82] =	sst lr;
	_ =	strace $0xD0000000  }
0x3: {  	_ = 	snop  }
0x4: {  	_ = 	snop  }
0x5: {  	_ = 	snop  }
0x6: {  	_ = 	snop  }
0x7: {  	_ = 	snop  }
__scs_overlays_trampoline_lowered:
0x8: {  	[smem:$0x3F91] =	sst s0  }
0x9: {  	[smem:$0x3F92] =	sst s1  }
0xa: {  	[smem:$0x3F93] =	sst s2  }
0xb: {  	[smem:$0x3F94] =	sst s3  }
0xc: {  	[smem:$0x3F95] =	sst s4  }
0xd: {  	[smem:$0x3F96] =	sst s5  }
0xe: {  	[smem:$0x3F97] =	sst s6  }
0xf: {  	[smem:$0x3F98] =	sst s7  }
0x10: {  	[smem:$0x3F99] =	sst s8  }
0x11: {  	[smem:$0x3F9A] =	sst s9;
	s0 =	simm.s32 @!p0 $0x0  }
0x12: {  	s1 =	sld [smem:$0x3F80];
	s0 =	simm.s32 @p0 $0x1  }
0x13: {  	[smem:$0x3F9B] =	sst s0;
	s0 =	simm.s32 @!p1 $0x0  }
0x14: {  	s2 =	sld [smem:$0x3F7F];
	s0 =	simm.s32 @p1 $0x1  }
0x15: {  	[smem:$0x3F9C] =	sst s0;
	s0 =	simm.s32 @!p2 $0x0  }
0x16: {  	s3 =	sld [smem:$0x3FDB];
	s0 =	simm.s32 @p2 $0x1  }
0x17: {  	s4 =	simm.s32 $0x1BF5;
	[smem:$0x3F9E] =	sst s0  }
0x18: {  	s0 =	sld [smem:$0x3F81];
	_ =	swait.ge [sflag:s4], $0x0  }
0x19: {  	s7 =	sld [smem:$0x3F82]  }
0x1a: {  	s8 =	sadd.s32 $0xFFFFE003, lr  }
0x1b: {  	s9 =	sadd.s32 $0xFFFFFEF7, lr;
	s5 =	simm.s32 $0xFFFFFFFF;
	p2 =	slt.u32 s8, $0xFFFFF086  }
0x1c: {  	p1 =	slt.u32 s9, $0xF7A;
	s5 =	simm.s32 @!p2 $0x0  }
0x1d: {  	s5 =	simm.s32 @p1 $0x1;
	p0 =	seq.s32 s7, s2  }
0x1e: {  	s7 =	smul.u32 @!p0 $0xF7A, s2;
	p2 =	seq.s32 @!p0 s5, $0x0  }
0x1f: {  	s9 =	smul.u32 $0xF7A, s1;
	s8 =	simm.s32 @!p0 $0x1BF5;
	p2 =	por !p2, p0  }
0x20: {  	[sflag:s8] =	ssyncset.s32 @!p0 $0xFFFFF086;
	s6 =	sadd.s32 @!p0 s3, s7;
	s7 =	simm.s32 @!p0 $0x108  }
0x21: {  	s3 =	sadd.s32 s3, s9;
	s6 =	sadd.s32 @!p0 $0x88, s6;
	s7 =	simm.s32 @p2 $0x1082  }
0x22: {  	[simem:s7], [sflag:s8] =	dma.local @!p0 [hbm:s6], $0xF7A  }
0x23: {  	s9 =	sor.u32 $0xD0000000, s2;
	s6 =	simm.s32 $0x108;
	_ =	swait.ge @!p0 [sflag:s8], $0x0  }
0x24: {  	s3 =	sadd.s32 $0x88, s3;
	s6 =	simm.s32 @!p1 $0x1082;
	[sflag:s4] =	ssyncset.s32 $0xFFFFF086  }
0x25: {  	[simem:s6], [sflag:s4] =	dma.local [hbm:s3], $0xF7A  }
0x26: {  	[smem:$0x3F82] =	sst s1;
	(tag) =	ssettag s2;
	_ =	strace s9  }
0x27: {  	s1 =	sld [smem:$0x3F92]  }
0x28: {  	s2 =	sld [smem:$0x3F93]  }
0x29: {  	s4 =	sld [smem:$0x3F95]  }
0x2a: {  	p0 =	seq.s32 s5, $0x0;
	s5 =	sld [smem:$0x3F96]  }
0x2b: {  	s6 =	sld [smem:$0x3F97]  }
0x2c: {  	s7 =	sld [smem:$0x3F98]  }
0x2d: {  	s3 =	simm.s32 $0x108;
	s8 =	sld [smem:$0x3F99]  }
0x2e: {  	s3 =	simm.s32 @!p0 $0x1082;
	s9 =	sld [smem:$0x3F9A]  }
0x2f: {  	lr =	sadd.s32 s0, s3;
	s0 =	sld [smem:$0x3F91]  }
0x30: {  	s3 =	sld [smem:$0x3F94]  }
0x31: {  	[smem:$0x3F9D] =	sst s10  }
0x32: {  	s10 =	sld [smem:$0x3F9B];
	_ =	sdelay $0x3  }
0x33: {  	p0 =	seq.s32 s10, $0x1;
	s10 =	sld [smem:$0x3F9D];
	_ =	sdelay $0x3  }
0x34: {  	[smem:$0x3F9D] =	sst s10  }
0x35: {  	s10 =	sld [smem:$0x3F9C];
	_ =	sdelay $0x3  }
0x36: {  	p1 =	seq.s32 s10, $0x1;
	s10 =	sld [smem:$0x3F9D];
	_ =	sdelay $0x3  }
0x37: {  	[smem:$0x3F9D] =	sst s10  }
0x38: {  	s10 =	sld [smem:$0x3F9E]  }
0x39: {  	_ = 	snop;
	(pc) =	sbr.ind lr, $3  }
0x3a: {  	_ = 	snop  }
0x3b: {  	_ = 	snop  }
0x3c: {  	p2 =	seq.s32 s10, $0x1;
	s10 =	sld [smem:$0x3F9D]  }
0x3d: {  	_ =	shalt  }
0x3e: {  	_ =	shalt  }
0x3f: {  	_ =	shalt  }
0x40: {  	_ =	shalt  }
0x41: {  	_ =	shalt  }
0x42: {  	_ =	shalt  }
0x43: {  	_ =	shalt  }
0x44: {  	_ =	shalt  }
0x45: {  	_ =	shalt  }
0x46: {  	_ =	shalt  }
0x47: {  	_ =	shalt  }
0x48: {  	_ =	shalt  }
0x49: {  	_ =	shalt  }
0x4a: {  	_ =	shalt  }
0x4b: {  	_ =	shalt  }
0x4c: {  	_ =	shalt  }
0x4d: {  	_ =	shalt  }
0x4e: {  	_ =	shalt  }
0x4f: {  	_ =	shalt  }
0x50: {  	_ =	shalt  }
0x51: {  	_ =	shalt  }
0x52: {  	_ =	shalt  }
0x53: {  	_ =	shalt  }
0x54: {  	_ =	shalt  }
0x55: {  	_ =	shalt  }
0x56: {  	_ =	shalt  }
0x57: {  	_ =	shalt  }
0x58: {  	_ =	shalt  }
0x59: {  	_ =	shalt  }
0x5a: {  	_ =	shalt  }
0x5b: {  	_ =	shalt  }
0x5c: {  	_ =	shalt  }
0x5d: {  	_ =	shalt  }
0x5e: {  	_ =	shalt  }
0x5f: {  	_ =	shalt  }
0x60: {  	_ =	shalt  }
0x61: {  	_ =	shalt  }
0x62: {  	_ =	shalt  }
0x63: {  	_ =	shalt  }
0x64: {  	_ =	shalt  }
0x65: {  	_ =	shalt  }
0x66: {  	_ =	shalt  }
0x67: {  	_ =	shalt  }
0x68: {  	_ =	shalt  }
0x69: {  	_ =	shalt  }
0x6a: {  	_ =	shalt  }
0x6b: {  	_ =	shalt  }
0x6c: {  	_ =	shalt  }
0x6d: {  	_ =	shalt  }
0x6e: {  	_ =	shalt  }
0x6f: {  	_ =	shalt  }
0x70: {  	_ =	shalt  }
0x71: {  	_ =	shalt  }
0x72: {  	_ =	shalt  }
0x73: {  	_ =	shalt  }
0x74: {  	_ =	shalt  }
0x75: {  	_ =	shalt  }
0x76: {  	_ =	shalt  }
0x77: {  	_ =	shalt  }
0x78: {  	_ =	shalt  }
0x79: {  	_ =	shalt  }
0x7a: {  	_ =	shalt  }
0x7b: {  	_ =	shalt  }
0x7c: {  	_ =	shalt  }
0x7d: {  	_ =	shalt  }
0x7e: {  	_ =	shalt  }
0x7f: {  	_ =	shalt  }
0x80: {  	_ =	shalt  }
0x81: {  	_ =	shalt  }
0x82: {  	_ =	shalt  }
0x83: {  	_ =	shalt  }
0x84: {  	_ =	shalt  }
0x85: {  	_ =	shalt  }
0x86: {  	_ =	shalt  }
0x87: {  	_ =	shalt  }
.Lfunc_end0:
.L_simem_size_0:
called_computation.1_lowered:
.L_overlay_start_0:
0x88: {  	s2 =	sld [smem:$0x3FD9]  }
0x89: {  	s3 =	sld [smem:$0x3FFE];
	_ =	sdelay $0x1  }
0x8a: {  	s1 =	srdreg.scid  }
0x8b: {  	s0 =	sand.u32 $0x1, s1  }
0x8c: {  	s14 =	sshll.u32 s0, $0xA;
	s2 =	sadd.s32 s3, s2  }
0x8d: {  	s2 =	sadd.s32 s2, s14  }
0x8e: {  	[smem:$0x3FA9] =	sst s2  }
0x8f: {  	_ = 	snop  }
0x90: {  	s2 =	sld [smem:$0x3FD0];
	_ =	sdelay $0x2  }
0x91: {  	s15 =	simm.s32 $0xA;
	s4 =	simm.s32 $0x10  }
0x92: {  	[smem:s4], [sflag:s15] =	dma.local [hbm:s2], $0x1  }
0x93: {  	_ =	swait.eq [sflag:s15], $0x1  }
0x94: {  	[sflag:s15] =	ssyncset.done $0x0  }
0x95: {  	s16 =	sld [smem:$0x10];
	[sflag:s15] =	ssyncadd.s32 $0xFFFFFFFF  }
0x96: {  	s17 =	sld [smem:$0x11];
	(tm) =	ssettm $0x1  }
0x97: {  	s18 =	sld [smem:$0x3FFB];
	_ =	sdelay $0x3  }
0x98: {  	_ =	strace s18  }
0x99: {  	s4 =	sld [smem:$0x3FFC];
	_ =	sdelay $0x3  }
0x9a: {  	_ =	strace s4  }
0x9b: {  	s4 =	sld [smem:$0x3FFD];
	_ =	sdelay $0x3  }
0x9c: {  	_ =	strace s4  }
0x9d: {  	_ =	strace $0x8FFFFFFF  }
0x9e: {  	s19 =	sld [smem:$0x3FDB];
	_ =	sdelay $0x1  }
0x9f: {  	s5 =	simm.s32 $_scs_section_size  }
0xa0: {  	s6 =	simm.s32 $_size__tile_overlayer_lowered;
	s7 =	simm.s32 $_tile_overlayer_lowered  }
0xa1: {  	s22 =	simm.s32 $0x1BFF;
	s21 =	sshll.u32 s7, $0x1;
	s4 =	sadd.s32 s5, s19  }
0xa2: {  	s8 =	simm.s32 $0x0;
	s20 =	sshll.u32 s6, $0x1;
	s6 =	sadd.s32 s21, s4  }
0xa3: {  	[timem:s8], [sflag:s22] =	dma.local [hbm:s6], s20  }
0xa4: {  	_ =	swait.ge [sflag:s22], s20  }
0xa5: {  	s5 =	ssub.s32 $0x0, s20;
	[sflag:s22] =	ssyncset.done $0x0  }
0xa6: {  	[sflag:s22] =	ssyncadd.s32 s5;
	_ =	sdelay $0x1  }
0xa7: {  	s23 =	simm.s32 $0x1B8B  }
0xa8: {  	_ =	swait.ge [sflag:s23], $0x1  }
0xa9: {  	[sflag:s23] =	ssyncset.done $0x0  }
0xaa: {  	s25 =	simm.s32 $0x1B8E;
	s24 =	sld [smem:$0x3FFE];
	[sflag:s23] =	ssyncadd.s32 $0xFFFFFFFF  }
0xab: {  	s26 =	simm.s32 $execute0_lowered;
	[smem:$0x3FD2] =	sst s25  }
0xac: {  	s6 =	sshll.u32 s26, $0x1;
	_ =	strace $0x80000049;
	[dreg:$0x1] =	wrdreg $0xFFFFFFFF  }
0xad: {  	s28 =	simm.s32 $_size_execute0_lowered;
	s4 =	sadd.s32 s4, s6;
	[dreg:$0x0] =	wrdreg $0x0  }
0xae: {  	s6 =	sshll.u32 s28, $0x1;
	[dreg:$0x2] =	wrdreg s4  }
0xaf: {  	[dreg:$0x3] =	wrdreg s6  }
0xb0: {  	[dreg:$0x4] =	wrdreg $0xC0  }
0xb1: {  	_ =	task [dreg:s8], $0x5FFFF  }
0xb2: {  	[dreg:$0x1] =	wrdreg $0xFFFFFFFF  }
0xb3: {  	[dreg:$0x0] =	wrdreg $0x60  }
0xb4: {  	[dreg:$0x2] =	wrdreg s24  }
0xb5: {  	[dreg:$0x3] =	wrdreg s17  }
0xb6: {  	[dreg:$0x4] =	wrdreg s16  }
0xb7: {  	[dreg:$0x5] =	wrdreg $0xA0000  }
0xb8: {  	[dreg:$0x6] =	wrdreg $0x9  }
0xb9: {  	_ =	task.clear_ibuf [dreg:s8], $0x7FFFF;
	_ =	strace $0x90000049  }
0xba: {  	s29 =	simm.s32 $0x9;
	_ =	strace $0x8000004B  }
0xbb: {  	_ =	swait.ge [sflag:s29], $0x1  }
0xbc: {  	[sflag:s29] =	ssyncadd.s32 $0xFFFFFFFF  }
0xbd: {  	_ =	strace $0x9000004B  }
0xbe: {  	_ =	sfence  }
0xbf: {  	s30 =	sld [smem:$0x0];
	_ =	sdelay $0x2  }
0xc0: {  	s31 =	sshll.u32 s1, $0xD;
	s1 =	sshrl.u32 s1, $0x2  }
0xc1: {  	s3 =	sand.u32 $0x4000, s31;
	s1 =	sadd.s32 s1, s30  }
0xc2: {  	s0 =	sor.u32 s3, s0;
	s1 =	sshll.u32 s1, $0x11  }
0xc3: {  	s0 =	sor.u32 s1, s0  }
0xc4: {  	s0 =	sadd.s32 $0x8F2B, s0  }
0xc5: {  	[sflag:s0] =	ssyncadd.remote.s32 $0x1  }
0xc6: {  	_ =	sfence.sel $0xFFFF  }
0xc7: {  	[dreg:$0x0] =	wrdreg $0xFFFFFFFF;
	(pc) =	sbr.abs _section_cstart, $3  }
0xc8: {  	[dreg:$0x1] =	wrdreg $0xFFFFFFFF  }
0xc9: {  	_ =	task.clear_ibuf [dreg:s8], $0x2FFFF;
	_ =	strace $0x9FFFFFFF  }
0xca: {  	(tm) =	ssettm $0x7FFFFFFF  }
0xcb: {  	_ =	shalt  }
tec
execute0_lowered:
.L_overlay_start_1:
0x0: {  	(tag) =	ssettag $0x1  }
0x1: {  	s0 =	rddreg [dreg:$0x0]  }
0x2: {  	s1 =	rddreg [dreg:$0x1]  }
0x3: {  	s3 =	rddreg [dreg:$0x2]  }
0x4: {  	s2 =	rddreg [dreg:$0x3];
	s4 =	simm.s32 $0x0  }
0x5: {  	s15 =	stileid.u32;
	s6 =	srdreg.scid;
	s16 =	simm.s32 $0x1  }
0x6: {  	s17 =	simm.s32 $0x80;
	s18 =	simm.s32 $0x2000;
	s19 =	simm.s32 $0x2  }
0x7: {  	s20 =	simm.s32 $0x6000;
	s21 =	simm.s32 $0x3;
	s22 =	simm.s32 $0x4  }
0x8: {  	s23 =	simm.s32 $0x0;
	[smem:$0x7FF] =	sst s4;
	s7 =	smul.u32 $0x13C00, s15  }
0x9: {  	s5 =	sadd.s32 $0x18E00, s0;
	s10 =	sand.u32 $0x1, s6;
	s9 =	smul.u32 $0x4F000, s15  }
0xa: {  	s6 =	sadd.s32 $0x4E00, s0;
	s30 =	sshll.u32 s15, $0x6;
	s13 =	smul.u32 $0x13C000, s10  }
0xb: {  	_ =	strace $0x8000004A;
	s8 =	ssub.s32 $0x2, s10;
	s10 =	smul.u32 $0x50000, s10  }
0xc: {  	s11 =	sshrl.u32 s7, $0x3;
	s12 =	sshrl.u32 s8, $0x1;
	s28 =	sshrl.u32 s9, $0x2  }
0xd: {  	s0 =	sadd.s32 s11, s0;
	s26 =	ssub.s32 s8, s12;
	s14 =	sadd.s32 s28, s2  }
.Ltmp0:
0xe: {  	s29 =	sadd.s32 s7, s13;
	s0 =	sadd.s32 $0x67000, s0;
	(pc) =	sbr.rel .LBB2_1-.Ltmp0, $4  }
0xf: {  	s31 =	smax.u32 s26, $0x1;
	[dreg:$0x5] =	wrdreg s0;
	s0 =	sshrl.u32 s29, $0x3  }
0x10: {  	s8 =	smul.u32 $0x5000, s15;
	[dreg:$0x7] =	wrdreg s31;
	s0 =	sadd.s32 s3, s0  }
0x11: {  	s7 =	sor.u32 $0x1C05, s30;
	s3 =	sshrl.u32 s14, $0x3;
	[dreg:$0x6] =	wrdreg s0  }
0x12: {  	s15 =	simm.s32 $0x1000;
	s14 =	simm.s32 $0x5;
	[dreg:$0x8] =	wrdreg s3  }
.LBB2_13:
0x13: {  	[bflag:$0x0] =	sbarrier.arrive $0xFFFF  }
0x14: {  	s0 =	rddreg [dreg:$0x6]  }
0x15: {  	s3 =	rddreg [dreg:$0x8]  }
0x16: {  	[hbm:s0], [sflag:s13] =	dma.local [spmem:s3], $0x2780  }
0x17: {  	_ =	swait.ge [sflag:s14], $0x2780  }
0x18: {  	s23 =	sadd.s32 $0x1, s23;
	s31 =	rddreg [dreg:$0x7]  }
0x19: {  	p0 =	sne.s32 s23, s31  }
.Ltmp1:
0x1a: {  	_ = 	snop;
	(pc) =	sbr.rel @!p0 .LBB2_14-.Ltmp1, $3  }
0x1b: {  	_ =	sdelay $0x1  }
0x1c: {  	[sflag:s14] =	ssyncset.done $0x0  }
0x1d: {  	s7 =	smov.u32 s13;
	[sflag:s14] =	ssyncadd.s32 $0xFFFFD880  }
.LBB2_1:
0x1e: {  	s0 =	rddreg [dreg:$0x5]  }
0x1f: {  	[spmem:s3], [sflag:s7] =	dma.local [hbm:s0], $0x2780  }
.Ltmp2:
0x20: {  	_ =	swait.ge [sflag:s14], $0x2780;
	(pc) =	sbr.rel .LBB2_2-.Ltmp2, $4  }
0x21: {  	[sflag:s14] =	ssyncset.done $0x0  }
0x22: {  	[sflag:s14] =	ssyncadd.s32 $0xFFFFD880  }
0x23: {  	[bflag:$0x0] =	sbarrier.arrive $0xFFFF  }
0x24: {  	s13 =	smov.u32 s7;
	s24 =	simm.s32 $0x0  }
.LBB2_12:
0x25: {  	s24 =	sadd.s32 $0x1, s24  }
0x26: {  	p0 =	sne.s32 s24, $0x5  }
.Ltmp3:
0x27: {  	_ = 	snop;
	(pc) =	sbr.rel @!p0 .LBB2_13-.Ltmp3, $1  }
0x28: {  	_ =	sdelay $0x3  }
.LBB2_2:
0x29: {  	s0 =	sshll.u32 s24, $0xC  }
0x2a: {  	s0 =	sadd.s32 s8, s0  }
0x2b: {  	s3 =	sadd.s32 s10, s0  }
0x2c: {  	s3 =	sshrl.u32 s3, $0x3  }
0x2d: {  	s3 =	sadd.s32 s6, s3  }
0x2e: {  	[tilespmem:s4], [sflag:$0x5] =	stream.linear.gather [hbm4b:s3+s4], $0x1000, $0x38;
	[tilespmem:$0x1DC00] =	vst v63  }
0x2f: {  	_ =	swait.ge [sflag:s14], $0x1000  }
0x30: {  	s0 =	sshrl.u32 s0, $0x3;
	[sflag:s14] =	ssyncset.done $0x0  }
0x31: {  	s0 =	sadd.s32 s1, s0;
	[sflag:s14] =	ssyncadd.s32 $0xFFFFF000  }
0x32: {  	[tilespmem:s15], [sflag:$0x5] =	stream.linear.gather [hbm4b:s0+s4], $0x1000, $0x38;
	[tilespmem:$0x1DC00] =	vst v63  }
0x33: {  	_ =	swait.ge [sflag:s14], $0x1000  }
0x34: {  	s11 =	simm.s32 $0x2000;
	[sflag:s14] =	ssyncset.done $0x0  }
0x35: {  	s12 =	simm.s32 $0x0;
	s25 =	simm.s32 $0x2080;
	[sflag:s14] =	ssyncadd.s32 $0xFFFFF000  }
0x36: {  	[tilespmem:s11], [sflag:$0x1] =	stream.indirect.gather [hbm4b:s5+s16], $0x80, s12, s16, $0xb8;
	[tilespmem:$0x1DC00] =	vst v63  }
0x37: {  	s26 =	simm.s32 $0x1;
	s28 =	simm.s32 $0x2100;
	s31 =	simm.s32 $0x2  }
0x38: {  	[tilespmem:s25], [sflag:$0x1] =	stream.indirect.gather [hbm4b:s5+s16], $0x80, s26, s16, $0xb8;
	[tilespmem:$0x1DC00] =	vst v63  }
0x39: {  	s7 =	simm.s32 $0x2180;
	s9 =	simm.s32 $0x3;
	s29 =	simm.s32 $0x0  }
0x3a: {  	[tilespmem:s28], [sflag:$0x1] =	stream.indirect.gather [hbm4b:s5+s16], $0x80, s31, s16, $0xb8;
	[tilespmem:$0x1DC00] =	vst v63  }
0x3b: {  	s30 =	simm.s32 $0x2600;
	s3 =	simm.s32 $0x2380;
	s0 =	simm.s32 $0xC  }
0x3c: {  	[tilespmem:s7], [sflag:$0x1] =	stream.indirect.gather [hbm4b:s5+s16], $0x80, s9, s16, $0xb8;
	[tilespmem:$0x1DC00] =	vst v63  }
0x3d: {  	s11 =	simm.s32 $0x4;
	s12 =	simm.s32 $0x2200;
	s25 =	simm.s32 $0x2280  }
0x3e: {  	[tilespmem:s12], [sflag:$0x1] =	stream.indirect.gather [hbm4b:s5+s16], $0x80, s11, s16, $0xb8;
	[tilespmem:$0x1DC00] =	vst v63  }
0x3f: {  	s26 =	simm.s32 $0x5;
	s28 =	simm.s32 $0x2300;
	s31 =	simm.s32 $0x6  }
0x40: {  	[tilespmem:s25], [sflag:$0x1] =	stream.indirect.gather [hbm4b:s5+s16], $0x80, s26, s16, $0xb8;
	[tilespmem:$0x1DC00] =	vst v63  }
0x41: {  	s7 =	simm.s32 $0x87;
	s11 =	simm.s32 $0x7;
	s26 =	simm.s32 $0x107  }
0x42: {  	[tilespmem:s28], [sflag:$0x1] =	stream.indirect.gather [hbm4b:s5+s16], $0x80, s31, s16, $0xb8;
	[tilespmem:$0x1DC00] =	vst v63  }
.LBB2_3:
0x43: {  	[tilespmem:s3], [sflag:$0x1] =	stream.indirect.gather [hbm4b:s5+s16], $0x80, s11, s16, $0xb8;
	[tilespmem:$0x1DC00] =	vst v63  }
0x44: {  	s3 =	sadd.s32 $0xFFFFFE00, s30;
	s11 =	sadd.s32 $0xFFFFFFFC, s0;
	s29 =	sadd.s32 $0x8, s29  }
0x45: {  	[tilespmem:s3], [sflag:$0x1] =	stream.indirect.gather [hbm4b:s5+s16], $0x80, s11, s16, $0xb8;
	[tilespmem:$0x1DC00] =	vst v63  }
0x46: {  	p0 =	slt.u32 s29, $0x78;
	s3 =	sadd.s32 $0xFFFFFE80, s30;
	s11 =	sadd.s32 $0xFFFFFFFD, s0  }
0x47: {  	[tilespmem:s3], [sflag:$0x1] =	stream.indirect.gather [hbm4b:s5+s16], $0x80, s11, s16, $0xb8;
	[tilespmem:$0x1DC00] =	vst v63  }
0x48: {  	s25 =	smov.u32 s30;
	s3 =	sadd.s32 $0xFFFFFF00, s30;
	s11 =	sadd.s32 $0xFFFFFFFE, s0  }
0x49: {  	[tilespmem:s3], [sflag:$0x1] =	stream.indirect.gather [hbm4b:s5+s16], $0x80, s11, s16, $0xb8;
	[tilespmem:$0x1DC00] =	vst v63  }
0x4a: {  	s3 =	sadd.s32 $0xFFFFFF80, s30;
	s11 =	sadd.s32 $0xFFFFFFFF, s0  }
0x4b: {  	[tilespmem:s3], [sflag:$0x1] =	stream.indirect.gather [hbm4b:s5+s16], $0x80, s11, s16, $0xb8;
	[tilespmem:$0x1DC00] =	vst v63  }
0x4c: {  	s28 =	simm.s32 $0x0  }
0x4d: {  	[tilespmem:s30], [sflag:$0x1] =	stream.indirect.gather [hbm4b:s5+s16], $0x80, s0, s16, $0xb8;
	[tilespmem:$0x1DC00] =	vst v63  }
.Ltmp4:
0x4e: {  	s3 =	sadd.s32 $0x80, s30;
	s11 =	sadd.s32 $0x1, s0;
	(pc) =	sbr.rel @p0 .LBB2_3-.Ltmp4, $4  }
0x4f: {  	[tilespmem:s3], [sflag:$0x1] =	stream.indirect.gather [hbm4b:s5+s16], $0x80, s11, s16, $0xb8;
	[tilespmem:$0x1DC00] =	vst v63  }
0x50: {  	s30 =	sadd.s32 $0x400, s30;
	s3 =	sadd.s32 $0x100, s25;
	s11 =	sadd.s32 $0x2, s0  }
0x51: {  	[tilespmem:s3], [sflag:$0x1] =	stream.indirect.gather [hbm4b:s5+s16], $0x80, s11, s16, $0xb8;
	[tilespmem:$0x1DC00] =	vst v63  }
0x52: {  	s3 =	sadd.s32 $0x180, s25;
	s11 =	sadd.s32 $0x3, s0;
	s0 =	sadd.s32 $0x8, s0  }
.Ltmp5:
0x53: {  	(pc) =	sbr.rel .LBB2_5-.Ltmp5, $2  }
0x54: {  	_ =	sdelay $0x2  }
0x55: {  	[tilespmem:s3], [sflag:$0x1] =	stream.indirect.gather [hbm4b:s5+s16], $0x80, s11, s16, $0xb8;
	[tilespmem:$0x1DC00] =	vst v63  }
.LBB2_10:
0x56: {  	[tilespmem:s11], [sflag:$0x1] =	stream.indirect.gather [hbm4b:s5+s16], $0x80, s25, s16, $0xb8;
	[tilespmem:$0x1DC00] =	vst v63  }
.LBB2_11:
0x57: {  	s28 =	sadd.s32 $0x1, s28  }
0x58: {  	p0 =	sne.s32 s28, $0x10  }
.Ltmp6:
0x59: {  	_ = 	snop;
	(pc) =	sbr.rel @!p0 .LBB2_12-.Ltmp6, $4  }
0x5a: {  	_ = 	snop  }
0x5b: {  	_ =	swait.ge [sflag:s22], $0x4000  }
0x5c: {  	[sflag:s22] =	ssyncset.done $0x0  }
0x5d: {  	s7 =	sadd.s32 $0x100, s7;
	s26 =	sadd.s32 $0x100, s26;
	[sflag:s22] =	ssyncadd.s32 $0xFFFFC000  }
.LBB2_5:
0x5e: {  	s0 =	simm.s32 $0x6000;
	s3 =	sadd.s32 $0xFFFFFFF9, s7  }
0x5f: {  	[tilespmem:s0], [sflag:$0x2] =	stream.indirect.gather [hbm4b:s5+s16], $0x80, s3, s16, $0xb8;
	[tilespmem:$0x1DC00] =	vst v63  }
0x60: {  	s9 =	simm.s32 $0x6080;
	s11 =	sadd.s32 $0xFFFFFFFA, s7  }
0x61: {  	[tilespmem:s9], [sflag:$0x2] =	stream.indirect.gather [hbm4b:s5+s16], $0x80, s11, s16, $0xb8;
	[tilespmem:$0x1DC00] =	vst v63  }
0x62: {  	s12 =	simm.s32 $0x6100;
	s25 =	sadd.s32 $0xFFFFFFFB, s7  }
0x63: {  	[tilespmem:s12], [sflag:$0x2] =	stream.indirect.gather [hbm4b:s5+s16], $0x80, s25, s16, $0xb8;
	[tilespmem:$0x1DC00] =	vst v63  }
0x64: {  	s30 =	sshll.u32 s28, $0xA;
	s9 =	simm.s32 $0x6180;
	s11 =	sadd.s32 $0xFFFFFFFC, s7  }
0x65: {  	[tilespmem:s9], [sflag:$0x2] =	stream.indirect.gather [hbm4b:s5+s16], $0x80, s11, s16, $0xb8;
	[tilespmem:$0x1DC00] =	vst v63  }
0x66: {  	s31 =	simm.s32 $0x0;
	s12 =	simm.s32 $0x6200;
	s25 =	sadd.s32 $0xFFFFFFFD, s7  }
0x67: {  	[tilespmem:s12], [sflag:$0x2] =	stream.indirect.gather [hbm4b:s5+s16], $0x80, s25, s16, $0xb8;
	[tilespmem:$0x1DC00] =	vst v63  }
0x68: {  	s29 =	sor.u32 $0x200, s30;
	s9 =	simm.s32 $0x6280;
	s11 =	sadd.s32 $0xFFFFFFFE, s7  }
0x69: {  	[tilespmem:s9], [sflag:$0x2] =	stream.indirect.gather [hbm4b:s5+s16], $0x80, s11, s16, $0xb8;
	[tilespmem:$0x1DC00] =	vst v63  }
0x6a: {  	s0 =	sadd.s32 $0x8, s7;
	s12 =	simm.s32 $0x6300;
	s25 =	sadd.s32 $0xFFFFFFFF, s7  }
0x6b: {  	[tilespmem:s12], [sflag:$0x2] =	stream.indirect.gather [hbm4b:s5+s16], $0x80, s25, s16, $0xb8;
	[tilespmem:$0x1DC00] =	vst v63  }
0x6c: {  	s3 =	simm.s32 $0x6780;
	s11 =	simm.s32 $0x6380;
	s25 =	smov.u32 s7  }
.LBB2_6:
0x6d: {  	[tilespmem:s11], [sflag:$0x2] =	stream.indirect.gather [hbm4b:s5+s16], $0x80, s25, s16, $0xb8;
	[tilespmem:$0x1DC00] =	vst v63  }
0x6e: {  	s11 =	sadd.s32 $0xFFFFFC80, s3;
	s25 =	sadd.s32 $0xFFFFFFF9, s0;
	s31 =	sadd.s32 $0x8, s31  }
0x6f: {  	[tilespmem:s11], [sflag:$0x2] =	stream.indirect.gather [hbm4b:s5+s16], $0x80, s25, s16, $0xb8;
	[tilespmem:$0x1DC00] =	vst v63  }
0x70: {  	p0 =	slt.u32 s31, $0x78;
	s11 =	sadd.s32 $0xFFFFFD00, s3;
	s25 =	sadd.s32 $0xFFFFFFFA, s0  }
0x71: {  	[tilespmem:s11], [sflag:$0x2] =	stream.indirect.gather [hbm4b:s5+s16], $0x80, s25, s16, $0xb8;
	[tilespmem:$0x1DC00] =	vst v63  }
0x72: {  	s12 =	sadd.s32 $0xFFFFFFFB, s0;
	s11 =	sadd.s32 $0xFFFFFD80, s3;
	s25 =	smov.u32 s0  }
0x73: {  	[tilespmem:s11], [sflag:$0x2] =	stream.indirect.gather [hbm4b:s5+s16], $0x80, s12, s16, $0xb8;
	[tilespmem:$0x1DC00] =	vst v63  }
0x74: {  	s9 =	sadd.s32 $0xFFFFFFFC, s0;
	s12 =	sadd.s32 $0xFFFFFE00, s3;
	s11 =	smov.u32 s3  }
0x75: {  	[tilespmem:s12], [sflag:$0x2] =	stream.indirect.gather [hbm4b:s5+s16], $0x80, s9, s16, $0xb8;
	[tilespmem:$0x1DC00] =	vst v63  }
0x76: {  	s9 =	sadd.s32 $0xFFFFFE80, s3;
	s12 =	sadd.s32 $0xFFFFFFFD, s0  }
0x77: {  	[tilespmem:s9], [sflag:$0x2] =	stream.indirect.gather [hbm4b:s5+s16], $0x80, s12, s16, $0xb8;
	[tilespmem:$0x1DC00] =	vst v63  }
.Ltmp7:
0x78: {  	s9 =	sadd.s32 $0xFFFFFF00, s3;
	s12 =	sadd.s32 $0xFFFFFFFE, s0;
	(pc) =	sbr.rel @p0 .LBB2_6-.Ltmp7, $4  }
0x79: {  	[tilespmem:s9], [sflag:$0x2] =	stream.indirect.gather [hbm4b:s5+s16], $0x80, s12, s16, $0xb8;
	[tilespmem:$0x1DC00] =	vst v63  }
0x7a: {  	s9 =	sadd.s32 $0xFFFFFF80, s3;
	s12 =	sadd.s32 $0xFFFFFFFF, s0  }
0x7b: {  	[tilespmem:s9], [sflag:$0x2] =	stream.indirect.gather [hbm4b:s5+s16], $0x80, s12, s16, $0xb8;
	[tilespmem:$0x1DC00] =	vst v63  }
0x7c: {  	s0 =	sadd.s32 $0x8, s0;
	s3 =	sadd.s32 $0x400, s3  }
0x7d: {  	[tilespmem:s11], [sflag:$0x2] =	stream.indirect.gather [hbm4b:s5+s16], $0x80, s25, s16, $0xb8;
	[tilespmem:$0x1DC00] =	vst v63  }
0x7e: {  	_ =	swait.ge [sflag:s16], $0x4000  }
0x7f: {  	s0 =	sshra.s32 s30, $0x2;
	[sflag:s16] =	ssyncset.done $0x0  }
0x80: {  	s0 =	sadd.s32 $0x1000, s0;
	[sflag:s16] =	ssyncadd.s32 $0xFFFFC000  }
0x81: {  	[spmem:s2] =	stream.indirect.scatter.add.f32 [tilespmem:s18], [sflag:$0x3], $0x80, s0, s17, $0xb8;
	[tilespmem:$0x1DC00] =	vst v63  }
0x82: {  	_ =	swait.ge [sflag:s19], $0x4000  }
0x83: {  	s31 =	sshra.s32 s29, $0x2;
	p0 =	seq.s32 s28, $0xF;
	[sflag:s19] =	ssyncset.done $0x0  }
.Ltmp8:
0x84: {  	s0 =	sadd.s32 $0x1000, s31;
	[sflag:s19] =	ssyncadd.s32 $0xFFFFC000;
	(pc) =	sbr.rel @p0 .LBB2_11-.Ltmp8, $4  }
0x85: {  	[spmem:s2] =	stream.indirect.scatter.add.f32 [tilespmem:s20], [sflag:$0x4], $0x80, s0, s17, $0xb8;
	[tilespmem:$0x1DC00] =	vst v63  }
0x86: {  	_ =	swait.ge [sflag:s21], $0x4000  }
0x87: {  	[sflag:s21] =	ssyncset.done $0x0  }
0x88: {  	[sflag:s21] =	ssyncadd.s32 $0xFFFFC000  }
0x89: {  	s0 =	simm.s32 $0x2000;
	s3 =	sadd.s32 $0xFFFFFFF9, s26  }
0x8a: {  	[tilespmem:s0], [sflag:$0x1] =	stream.indirect.gather [hbm4b:s5+s16], $0x80, s3, s16, $0xb8;
	[tilespmem:$0x1DC00] =	vst v63  }
0x8b: {  	s9 =	simm.s32 $0x2080;
	s11 =	sadd.s32 $0xFFFFFFFA, s26  }
0x8c: {  	[tilespmem:s9], [sflag:$0x1] =	stream.indirect.gather [hbm4b:s5+s16], $0x80, s11, s16, $0xb8;
	[tilespmem:$0x1DC00] =	vst v63  }
0x8d: {  	s12 =	simm.s32 $0x2100;
	s25 =	sadd.s32 $0xFFFFFFFB, s26;
	s30 =	simm.s32 $0x2180  }
0x8e: {  	[tilespmem:s12], [sflag:$0x1] =	stream.indirect.gather [hbm4b:s5+s16], $0x80, s25, s16, $0xb8;
	[tilespmem:$0x1DC00] =	vst v63  }
0x8f: {  	s31 =	sadd.s32 $0xFFFFFFFC, s26;
	s29 =	simm.s32 $0x0;
	s0 =	sadd.s32 $0x8, s26  }
0x90: {  	[tilespmem:s30], [sflag:$0x1] =	stream.indirect.gather [hbm4b:s5+s16], $0x80, s31, s16, $0xb8;
	[tilespmem:$0x1DC00] =	vst v63  }
0x91: {  	s3 =	simm.s32 $0x2780;
	s9 =	simm.s32 $0x2200;
	s11 =	sadd.s32 $0xFFFFFFFD, s26  }
0x92: {  	[tilespmem:s9], [sflag:$0x1] =	stream.indirect.gather [hbm4b:s5+s16], $0x80, s11, s16, $0xb8;
	[tilespmem:$0x1DC00] =	vst v63  }
0x93: {  	s12 =	simm.s32 $0x2280;
	s25 =	sadd.s32 $0xFFFFFFFE, s26;
	s30 =	simm.s32 $0x2300  }
0x94: {  	[tilespmem:s12], [sflag:$0x1] =	stream.indirect.gather [hbm4b:s5+s16], $0x80, s25, s16, $0xb8;
	[tilespmem:$0x1DC00] =	vst v63  }
0x95: {  	s31 =	sadd.s32 $0xFFFFFFFF, s26;
	s11 =	simm.s32 $0x2380;
	s25 =	smov.u32 s26  }
0x96: {  	[tilespmem:s30], [sflag:$0x1] =	stream.indirect.gather [hbm4b:s5+s16], $0x80, s31, s16, $0xb8;
	[tilespmem:$0x1DC00] =	vst v63  }
.LBB2_9:
0x97: {  	[tilespmem:s11], [sflag:$0x1] =	stream.indirect.gather [hbm4b:s5+s16], $0x80, s25, s16, $0xb8;
	[tilespmem:$0x1DC00] =	vst v63  }
0x98: {  	s9 =	sadd.s32 $0xFFFFFC80, s3;
	s11 =	sadd.s32 $0xFFFFFFF9, s0;
	s29 =	sadd.s32 $0x8, s29  }
0x99: {  	[tilespmem:s9], [sflag:$0x1] =	stream.indirect.gather [hbm4b:s5+s16], $0x80, s11, s16, $0xb8;
	[tilespmem:$0x1DC00] =	vst v63  }
0x9a: {  	p0 =	slt.u32 s29, $0x78;
	s9 =	sadd.s32 $0xFFFFFD00, s3;
	s11 =	sadd.s32 $0xFFFFFFFA, s0  }
0x9b: {  	[tilespmem:s9], [sflag:$0x1] =	stream.indirect.gather [hbm4b:s5+s16], $0x80, s11, s16, $0xb8;
	[tilespmem:$0x1DC00] =	vst v63  }
0x9c: {  	s25 =	smov.u32 s0;
	s9 =	sadd.s32 $0xFFFFFD80, s3;
	s11 =	sadd.s32 $0xFFFFFFFB, s0  }
0x9d: {  	[tilespmem:s9], [sflag:$0x1] =	stream.indirect.gather [hbm4b:s5+s16], $0x80, s11, s16, $0xb8;
	[tilespmem:$0x1DC00] =	vst v63  }
0x9e: {  	s12 =	sadd.s32 $0xFFFFFFFC, s0;
	s9 =	sadd.s32 $0xFFFFFE00, s3;
	s11 =	smov.u32 s3  }
0x9f: {  	[tilespmem:s9], [sflag:$0x1] =	stream.indirect.gather [hbm4b:s5+s16], $0x80, s12, s16, $0xb8;
	[tilespmem:$0x1DC00] =	vst v63  }
0xa0: {  	s9 =	sadd.s32 $0xFFFFFE80, s3;
	s12 =	sadd.s32 $0xFFFFFFFD, s0  }
0xa1: {  	[tilespmem:s9], [sflag:$0x1] =	stream.indirect.gather [hbm4b:s5+s16], $0x80, s12, s16, $0xb8;
	[tilespmem:$0x1DC00] =	vst v63  }
.Ltmp9:
0xa2: {  	s9 =	sadd.s32 $0xFFFFFF00, s3;
	s12 =	sadd.s32 $0xFFFFFFFE, s0;
	(pc) =	sbr.rel @p0 .LBB2_9-.Ltmp9, $4  }
0xa3: {  	[tilespmem:s9], [sflag:$0x1] =	stream.indirect.gather [hbm4b:s5+s16], $0x80, s12, s16, $0xb8;
	[tilespmem:$0x1DC00] =	vst v63  }
0xa4: {  	s9 =	sadd.s32 $0xFFFFFF80, s3;
	s12 =	sadd.s32 $0xFFFFFFFF, s0  }
0xa5: {  	[tilespmem:s9], [sflag:$0x1] =	stream.indirect.gather [hbm4b:s5+s16], $0x80, s12, s16, $0xb8;
	[tilespmem:$0x1DC00] =	vst v63  }
0xa6: {  	s0 =	sadd.s32 $0x8, s0;
	s3 =	sadd.s32 $0x400, s3  }
.Ltmp10:
0xa7: {  	_ = 	snop;
	(pc) =	sbr.rel .LBB2_10-.Ltmp10, $1  }
0xa8: {  	_ =	sdelay $0x3  }
.LBB2_14:
0xa9: {  	_ =	sfence.sel $0x180000  }
0xaa: {  	[bflag:$0x0] =	sbarrier.arrive $0xFFFF  }
0xab: {  	_ =	strace $0x9000004A  }
0xac: {  	s0 =	stileid.u32;
	[bflag:$0x2] =	sbarrier.arrive $0xFFFF  }
0xad: {  	p0 =	sne.s32 s0, $0x0;
	s0 =	rddreg [dreg:$0x4]  }
0xae: {  	s0 =	sadd.s32 @!p0 $0x100000, s0  }
0xaf: {  	[sflag:s0] =	ssyncadd.tile.s32 @!p0 $0x1;
	_ =	shalt  }
.Lfunc_end2:
_tile_overlayer_lowered:
.L_overlay_start_2:
0xb0: {  	(tag) =	ssettag $0x2  }
0xb1: {  	s0 =	rddreg [dreg:$0x0];
	s2 =	stileid.u32  }
0xb2: {  	s1 =	rddreg [dreg:$0x1];
	p0 =	sne.s32 s2, $0x0  }
0xb3: {  	s3 =	rddreg [dreg:$0x2];
	[bflag:$0x3] =	sbarrier.arrive $0xFFFF;
	s2 =	simm.s32 @!p0 $0x1C05  }
0xb4: {  	[timem:s3], [sflag:s2] =	dma.local @!p0 [hbm:s0], s1  }
0xb5: {  	s0 =	simm.s32 @!p0 $0x5  }
0xb6: {  	_ =	swait.ge @!p0 [sflag:s0], s1  }
0xb7: {  	s1 =	ssub.s32 @!p0 $0x0, s1;
	[sflag:s0] =	ssyncset.done @!p0 $0x0  }
0xb8: {  	[sflag:s0] =	ssyncadd.s32 @!p0 s1  }
0xb9: {  	[bflag:$0x3] =	sbarrier.arrive $0xFFFF  }
0xba: {  	_ =	shalt  }

// kernel: kernel.15.cloned.1.call-start
scs
__scs_entry_jumppad:
0x0: {  	(pc) =	sbr.rel $0x88, $3  }
0x1: {  	(tag) =	ssettag $0x0;
	lr =	simm.s32 $0x1  }
0x2: {  	[smem:$0x3F82] =	sst lr;
	_ =	strace $0xD0000000  }
0x3: {  	_ = 	snop  }
0x4: {  	_ = 	snop  }
0x5: {  	_ = 	snop  }
0x6: {  	_ = 	snop  }
0x7: {  	_ = 	snop  }
__scs_overlays_trampoline_lowered:
0x8: {  	[smem:$0x3F91] =	sst s0  }
0x9: {  	[smem:$0x3F92] =	sst s1  }
0xa: {  	[smem:$0x3F93] =	sst s2  }
0xb: {  	[smem:$0x3F94] =	sst s3  }
0xc: {  	[smem:$0x3F95] =	sst s4  }
0xd: {  	[smem:$0x3F96] =	sst s5  }
0xe: {  	[smem:$0x3F97] =	sst s6  }
0xf: {  	[smem:$0x3F98] =	sst s7  }
0x10: {  	[smem:$0x3F99] =	sst s8  }
0x11: {  	[smem:$0x3F9A] =	sst s9;
	s0 =	simm.s32 @!p0 $0x0  }
0x12: {  	s1 =	sld [smem:$0x3F80];
	s0 =	simm.s32 @p0 $0x1  }
0x13: {  	[smem:$0x3F9B] =	sst s0;
	s0 =	simm.s32 @!p1 $0x0  }
0x14: {  	s2 =	sld [smem:$0x3F7F];
	s0 =	simm.s32 @p1 $0x1  }
0x15: {  	[smem:$0x3F9C] =	sst s0;
	s0 =	simm.s32 @!p2 $0x0  }
0x16: {  	s3 =	sld [smem:$0x3FDB];
	s0 =	simm.s32 @p2 $0x1  }
0x17: {  	s4 =	simm.s32 $0x1BF5;
	[smem:$0x3F9E] =	sst s0  }
0x18: {  	s0 =	sld [smem:$0x3F81];
	_ =	swait.ge [sflag:s4], $0x0  }
0x19: {  	s7 =	sld [smem:$0x3F82]  }
0x1a: {  	s8 =	sadd.s32 $0xFFFFE003, lr  }
0x1b: {  	s9 =	sadd.s32 $0xFFFFFEF7, lr;
	s5 =	simm.s32 $0xFFFFFFFF;
	p2 =	slt.u32 s8, $0xFFFFF086  }
0x1c: {  	p1 =	slt.u32 s9, $0xF7A;
	s5 =	simm.s32 @!p2 $0x0  }
0x1d: {  	s5 =	simm.s32 @p1 $0x1;
	p0 =	seq.s32 s7, s2  }
0x1e: {  	s7 =	smul.u32 @!p0 $0xF7A, s2;
	p2 =	seq.s32 @!p0 s5, $0x0  }
0x1f: {  	s9 =	smul.u32 $0xF7A, s1;
	s8 =	simm.s32 @!p0 $0x1BF5;
	p2 =	por !p2, p0  }
0x20: {  	[sflag:s8] =	ssyncset.s32 @!p0 $0xFFFFF086;
	s6 =	sadd.s32 @!p0 s3, s7;
	s7 =	simm.s32 @!p0 $0x108  }
0x21: {  	s3 =	sadd.s32 s3, s9;
	s6 =	sadd.s32 @!p0 $0x88, s6;
	s7 =	simm.s32 @p2 $0x1082  }
0x22: {  	[simem:s7], [sflag:s8] =	dma.local @!p0 [hbm:s6], $0xF7A  }
0x23: {  	s9 =	sor.u32 $0xD0000000, s2;
	s6 =	simm.s32 $0x108;
	_ =	swait.ge @!p0 [sflag:s8], $0x0  }
0x24: {  	s3 =	sadd.s32 $0x88, s3;
	s6 =	simm.s32 @!p1 $0x1082;
	[sflag:s4] =	ssyncset.s32 $0xFFFFF086  }
0x25: {  	[simem:s6], [sflag:s4] =	dma.local [hbm:s3], $0xF7A  }
0x26: {  	[smem:$0x3F82] =	sst s1;
	(tag) =	ssettag s2;
	_ =	strace s9  }
0x27: {  	s1 =	sld [smem:$0x3F92]  }
0x28: {  	s2 =	sld [smem:$0x3F93]  }
0x29: {  	s4 =	sld [smem:$0x3F95]  }
0x2a: {  	p0 =	seq.s32 s5, $0x0;
	s5 =	sld [smem:$0x3F96]  }
0x2b: {  	s6 =	sld [smem:$0x3F97]  }
0x2c: {  	s7 =	sld [smem:$0x3F98]  }
0x2d: {  	s3 =	simm.s32 $0x108;
	s8 =	sld [smem:$0x3F99]  }
0x2e: {  	s3 =	simm.s32 @!p0 $0x1082;
	s9 =	sld [smem:$0x3F9A]  }
0x2f: {  	lr =	sadd.s32 s0, s3;
	s0 =	sld [smem:$0x3F91]  }
0x30: {  	s3 =	sld [smem:$0x3F94]  }
0x31: {  	[smem:$0x3F9D] =	sst s10  }
0x32: {  	s10 =	sld [smem:$0x3F9B];
	_ =	sdelay $0x3  }
0x33: {  	p0 =	seq.s32 s10, $0x1;
	s10 =	sld [smem:$0x3F9D];
	_ =	sdelay $0x3  }
0x34: {  	[smem:$0x3F9D] =	sst s10  }
0x35: {  	s10 =	sld [smem:$0x3F9C];
	_ =	sdelay $0x3  }
0x36: {  	p1 =	seq.s32 s10, $0x1;
	s10 =	sld [smem:$0x3F9D];
	_ =	sdelay $0x3  }
0x37: {  	[smem:$0x3F9D] =	sst s10  }
0x38: {  	s10 =	sld [smem:$0x3F9E]  }
0x39: {  	_ = 	snop;
	(pc) =	sbr.ind lr, $3  }
0x3a: {  	_ = 	snop  }
0x3b: {  	_ = 	snop  }
0x3c: {  	p2 =	seq.s32 s10, $0x1;
	s10 =	sld [smem:$0x3F9D]  }
0x3d: {  	_ =	shalt  }
0x3e: {  	_ =	shalt  }
0x3f: {  	_ =	shalt  }
0x40: {  	_ =	shalt  }
0x41: {  	_ =	shalt  }
0x42: {  	_ =	shalt  }
0x43: {  	_ =	shalt  }
0x44: {  	_ =	shalt  }
0x45: {  	_ =	shalt  }
0x46: {  	_ =	shalt  }
0x47: {  	_ =	shalt  }
0x48: {  	_ =	shalt  }
0x49: {  	_ =	shalt  }
0x4a: {  	_ =	shalt  }
0x4b: {  	_ =	shalt  }
0x4c: {  	_ =	shalt  }
0x4d: {  	_ =	shalt  }
0x4e: {  	_ =	shalt  }
0x4f: {  	_ =	shalt  }
0x50: {  	_ =	shalt  }
0x51: {  	_ =	shalt  }
0x52: {  	_ =	shalt  }
0x53: {  	_ =	shalt  }
0x54: {  	_ =	shalt  }
0x55: {  	_ =	shalt  }
0x56: {  	_ =	shalt  }
0x57: {  	_ =	shalt  }
0x58: {  	_ =	shalt  }
0x59: {  	_ =	shalt  }
0x5a: {  	_ =	shalt  }
0x5b: {  	_ =	shalt  }
0x5c: {  	_ =	shalt  }
0x5d: {  	_ =	shalt  }
0x5e: {  	_ =	shalt  }
0x5f: {  	_ =	shalt  }
0x60: {  	_ =	shalt  }
0x61: {  	_ =	shalt  }
0x62: {  	_ =	shalt  }
0x63: {  	_ =	shalt  }
0x64: {  	_ =	shalt  }
0x65: {  	_ =	shalt  }
0x66: {  	_ =	shalt  }
0x67: {  	_ =	shalt  }
0x68: {  	_ =	shalt  }
0x69: {  	_ =	shalt  }
0x6a: {  	_ =	shalt  }
0x6b: {  	_ =	shalt  }
0x6c: {  	_ =	shalt  }
0x6d: {  	_ =	shalt  }
0x6e: {  	_ =	shalt  }
0x6f: {  	_ =	shalt  }
0x70: {  	_ =	shalt  }
0x71: {  	_ =	shalt  }
0x72: {  	_ =	shalt  }
0x73: {  	_ =	shalt  }
0x74: {  	_ =	shalt  }
0x75: {  	_ =	shalt  }
0x76: {  	_ =	shalt  }
0x77: {  	_ =	shalt  }
0x78: {  	_ =	shalt  }
0x79: {  	_ =	shalt  }
0x7a: {  	_ =	shalt  }
0x7b: {  	_ =	shalt  }
0x7c: {  	_ =	shalt  }
0x7d: {  	_ =	shalt  }
0x7e: {  	_ =	shalt  }
0x7f: {  	_ =	shalt  }
0x80: {  	_ =	shalt  }
0x81: {  	_ =	shalt  }
0x82: {  	_ =	shalt  }
0x83: {  	_ =	shalt  }
0x84: {  	_ =	shalt  }
0x85: {  	_ =	shalt  }
0x86: {  	_ =	shalt  }
0x87: {  	_ =	shalt  }
.Lfunc_end0:
.L_simem_size_0:
called_computation.2_lowered:
.L_overlay_start_0:
0x88: {  	s2 =	sld [smem:$0x3FD9]  }
0x89: {  	s3 =	sld [smem:$0x3FFE];
	_ =	sdelay $0x1  }
0x8a: {  	s1 =	srdreg.scid  }
0x8b: {  	s0 =	sand.u32 $0x1, s1  }
0x8c: {  	s14 =	sshll.u32 s0, $0xA;
	s2 =	sadd.s32 s3, s2  }
0x8d: {  	s2 =	sadd.s32 s2, s14  }
0x8e: {  	[smem:$0x3FA9] =	sst s2  }
0x8f: {  	_ = 	snop  }
0x90: {  	s2 =	sld [smem:$0x3FD0];
	_ =	sdelay $0x2  }
0x91: {  	s15 =	simm.s32 $0xA;
	s4 =	simm.s32 $0x10  }
0x92: {  	[smem:s4], [sflag:s15] =	dma.local [hbm:s2], $0x1  }
0x93: {  	_ =	swait.eq [sflag:s15], $0x1  }
0x94: {  	[sflag:s15] =	ssyncset.done $0x0  }
0x95: {  	s16 =	sld [smem:$0x10];
	[sflag:s15] =	ssyncadd.s32 $0xFFFFFFFF  }
0x96: {  	s17 =	sld [smem:$0x11];
	(tm) =	ssettm $0x1  }
0x97: {  	s18 =	sld [smem:$0x3FFB];
	_ =	sdelay $0x3  }
0x98: {  	_ =	strace s18  }
0x99: {  	s4 =	sld [smem:$0x3FFC];
	_ =	sdelay $0x3  }
0x9a: {  	_ =	strace s4  }
0x9b: {  	s4 =	sld [smem:$0x3FFD];
	_ =	sdelay $0x3  }
0x9c: {  	_ =	strace s4  }
0x9d: {  	_ =	strace $0x8FFFFFFF  }
0x9e: {  	s19 =	sld [smem:$0x3FDB];
	_ =	sdelay $0x1  }
0x9f: {  	s5 =	simm.s32 $_scs_section_size  }
0xa0: {  	s6 =	simm.s32 $_size__tile_overlayer_lowered;
	s7 =	simm.s32 $_tile_overlayer_lowered  }
0xa1: {  	s22 =	simm.s32 $0x1BFF;
	s21 =	sshll.u32 s7, $0x1;
	s4 =	sadd.s32 s5, s19  }
0xa2: {  	s8 =	simm.s32 $0x0;
	s20 =	sshll.u32 s6, $0x1;
	s6 =	sadd.s32 s21, s4  }
0xa3: {  	[timem:s8], [sflag:s22] =	dma.local [hbm:s6], s20  }
0xa4: {  	_ =	swait.ge [sflag:s22], s20  }
0xa5: {  	s5 =	ssub.s32 $0x0, s20;
	[sflag:s22] =	ssyncset.done $0x0  }
0xa6: {  	[sflag:s22] =	ssyncadd.s32 s5;
	_ =	sdelay $0x1  }
0xa7: {  	s23 =	simm.s32 $0x1B8B  }
0xa8: {  	_ =	swait.ge [sflag:s23], $0x1  }
0xa9: {  	[sflag:s23] =	ssyncset.done $0x0  }
0xaa: {  	s25 =	simm.s32 $0x1B8E;
	s24 =	sld [smem:$0x3FFE];
	[sflag:s23] =	ssyncadd.s32 $0xFFFFFFFF  }
0xab: {  	s26 =	simm.s32 $execute0_lowered;
	[smem:$0x3FD2] =	sst s25  }
0xac: {  	s6 =	sshll.u32 s26, $0x1;
	_ =	strace $0x8000004C;
	[dreg:$0x1] =	wrdreg $0xFFFFFFFF  }
0xad: {  	s28 =	simm.s32 $_size_execute0_lowered;
	s4 =	sadd.s32 s4, s6;
	[dreg:$0x0] =	wrdreg $0x0  }
0xae: {  	s6 =	sshll.u32 s28, $0x1;
	[dreg:$0x2] =	wrdreg s4  }
0xaf: {  	[dreg:$0x3] =	wrdreg s6  }
0xb0: {  	[dreg:$0x4] =	wrdreg $0xC0  }
0xb1: {  	_ =	task [dreg:s8], $0x5FFFF  }
0xb2: {  	[dreg:$0x1] =	wrdreg $0xFFFFFFFF  }
0xb3: {  	[dreg:$0x0] =	wrdreg $0x60  }
0xb4: {  	[dreg:$0x2] =	wrdreg s24  }
0xb5: {  	[dreg:$0x3] =	wrdreg s17  }
0xb6: {  	[dreg:$0x4] =	wrdreg s16  }
0xb7: {  	[dreg:$0x5] =	wrdreg $0xA0000  }
0xb8: {  	[dreg:$0x6] =	wrdreg $0x9  }
0xb9: {  	_ =	task.clear_ibuf [dreg:s8], $0x7FFFF;
	_ =	strace $0x9000004C  }
0xba: {  	s29 =	simm.s32 $0x9;
	_ =	strace $0x8000004E  }
0xbb: {  	_ =	swait.ge [sflag:s29], $0x1  }
0xbc: {  	[sflag:s29] =	ssyncadd.s32 $0xFFFFFFFF  }
0xbd: {  	_ =	strace $0x9000004E  }
0xbe: {  	_ =	sfence  }
0xbf: {  	s30 =	sld [smem:$0x0];
	_ =	sdelay $0x2  }
0xc0: {  	s31 =	sshll.u32 s1, $0xD;
	s1 =	sshrl.u32 s1, $0x2  }
0xc1: {  	s3 =	sand.u32 $0x4000, s31;
	s1 =	sadd.s32 s1, s30  }
0xc2: {  	s0 =	sor.u32 s3, s0;
	s1 =	sshll.u32 s1, $0x11  }
0xc3: {  	s0 =	sor.u32 s1, s0  }
0xc4: {  	s0 =	sadd.s32 $0x8F2B, s0  }
0xc5: {  	[sflag:s0] =	ssyncadd.remote.s32 $0x1  }
0xc6: {  	_ =	sfence.sel $0xFFFF  }
0xc7: {  	[dreg:$0x0] =	wrdreg $0xFFFFFFFF;
	(pc) =	sbr.abs _section_cstart, $3  }
0xc8: {  	[dreg:$0x1] =	wrdreg $0xFFFFFFFF  }
0xc9: {  	_ =	task.clear_ibuf [dreg:s8], $0x2FFFF;
	_ =	strace $0x9FFFFFFF  }
0xca: {  	(tm) =	ssettm $0x7FFFFFFF  }
0xcb: {  	_ =	shalt  }
tec
execute0_lowered:
.L_overlay_start_1:
0x0: {  	(tag) =	ssettag $0x1  }
0x1: {  	s0 =	rddreg [dreg:$0x0]  }
0x2: {  	s1 =	rddreg [dreg:$0x1]  }
0x3: {  	s3 =	rddreg [dreg:$0x2]  }
0x4: {  	s2 =	rddreg [dreg:$0x3];
	s4 =	simm.s32 $0x0  }
0x5: {  	s15 =	stileid.u32;
	s6 =	srdreg.scid;
	s16 =	simm.s32 $0x1  }
0x6: {  	s17 =	simm.s32 $0x80;
	s18 =	simm.s32 $0x2000;
	s19 =	simm.s32 $0x2  }
0x7: {  	s20 =	simm.s32 $0x6000;
	s21 =	simm.s32 $0x3;
	s22 =	simm.s32 $0x4  }
0x8: {  	s23 =	simm.s32 $0x0;
	[smem:$0x7FF] =	sst s4;
	s7 =	smul.u32 $0x13C00, s15  }
0x9: {  	s5 =	sadd.s32 $0x18E00, s0;
	s10 =	sand.u32 $0x1, s6;
	s9 =	smul.u32 $0x4F000, s15  }
0xa: {  	s6 =	sadd.s32 $0x4E00, s0;
	s30 =	sshll.u32 s15, $0x6;
	s13 =	smul.u32 $0x13C000, s10  }
0xb: {  	_ =	strace $0x8000004D;
	s8 =	ssub.s32 $0x2, s10;
	s10 =	smul.u32 $0x50000, s10  }
0xc: {  	s11 =	sshrl.u32 s7, $0x3;
	s12 =	sshrl.u32 s8, $0x1;
	s28 =	sshrl.u32 s9, $0x2  }
0xd: {  	s0 =	sadd.s32 s11, s0;
	s26 =	ssub.s32 s8, s12;
	s14 =	sadd.s32 s28, s2  }
.Ltmp0:
0xe: {  	s29 =	sadd.s32 s7, s13;
	s0 =	sadd.s32 $0x67000, s0;
	(pc) =	sbr.rel .LBB2_1-.Ltmp0, $4  }
0xf: {  	s31 =	smax.u32 s26, $0x1;
	[dreg:$0x5] =	wrdreg s0;
	s0 =	sshrl.u32 s29, $0x3  }
0x10: {  	s8 =	smul.u32 $0x5000, s15;
	[dreg:$0x7] =	wrdreg s31;
	s0 =	sadd.s32 s3, s0  }
0x11: {  	s7 =	sor.u32 $0x1C05, s30;
	s3 =	sshrl.u32 s14, $0x3;
	[dreg:$0x6] =	wrdreg s0  }
0x12: {  	s15 =	simm.s32 $0x1000;
	s14 =	simm.s32 $0x5;
	[dreg:$0x8] =	wrdreg s3  }
.LBB2_13:
0x13: {  	[bflag:$0x0] =	sbarrier.arrive $0xFFFF  }
0x14: {  	s0 =	rddreg [dreg:$0x6]  }
0x15: {  	s3 =	rddreg [dreg:$0x8]  }
0x16: {  	[hbm:s0], [sflag:s13] =	dma.local [spmem:s3], $0x2780  }
0x17: {  	_ =	swait.ge [sflag:s14], $0x2780  }
0x18: {  	s23 =	sadd.s32 $0x1, s23;
	s31 =	rddreg [dreg:$0x7]  }
0x19: {  	p0 =	sne.s32 s23, s31  }
.Ltmp1:
0x1a: {  	_ = 	snop;
	(pc) =	sbr.rel @!p0 .LBB2_14-.Ltmp1, $3  }
0x1b: {  	_ =	sdelay $0x1  }
0x1c: {  	[sflag:s14] =	ssyncset.done $0x0  }
0x1d: {  	s7 =	smov.u32 s13;
	[sflag:s14] =	ssyncadd.s32 $0xFFFFD880  }
.LBB2_1:
0x1e: {  	s0 =	rddreg [dreg:$0x5]  }
0x1f: {  	[spmem:s3], [sflag:s7] =	dma.local [hbm:s0], $0x2780  }
.Ltmp2:
0x20: {  	_ =	swait.ge [sflag:s14], $0x2780;
	(pc) =	sbr.rel .LBB2_2-.Ltmp2, $4  }
0x21: {  	[sflag:s14] =	ssyncset.done $0x0  }
0x22: {  	[sflag:s14] =	ssyncadd.s32 $0xFFFFD880  }
0x23: {  	[bflag:$0x0] =	sbarrier.arrive $0xFFFF  }
0x24: {  	s13 =	smov.u32 s7;
	s24 =	simm.s32 $0x0  }
.LBB2_12:
0x25: {  	s24 =	sadd.s32 $0x1, s24  }
0x26: {  	p0 =	sne.s32 s24, $0x5  }
.Ltmp3:
0x27: {  	_ = 	snop;
	(pc) =	sbr.rel @!p0 .LBB2_13-.Ltmp3, $1  }
0x28: {  	_ =	sdelay $0x3  }
.LBB2_2:
0x29: {  	s0 =	sshll.u32 s24, $0xC  }
0x2a: {  	s0 =	sadd.s32 s8, s0  }
0x2b: {  	s3 =	sadd.s32 s10, s0  }
0x2c: {  	s3 =	sshrl.u32 s3, $0x3  }
0x2d: {  	s3 =	sadd.s32 s6, s3  }
0x2e: {  	[tilespmem:s4], [sflag:$0x5] =	stream.linear.gather [hbm4b:s3+s4], $0x1000, $0x38;
	[tilespmem:$0x1DC00] =	vst v63  }
0x2f: {  	_ =	swait.ge [sflag:s14], $0x1000  }
0x30: {  	s0 =	sshrl.u32 s0, $0x3;
	[sflag:s14] =	ssyncset.done $0x0  }
0x31: {  	s0 =	sadd.s32 s1, s0;
	[sflag:s14] =	ssyncadd.s32 $0xFFFFF000  }
0x32: {  	[tilespmem:s15], [sflag:$0x5] =	stream.linear.gather [hbm4b:s0+s4], $0x1000, $0x38;
	[tilespmem:$0x1DC00] =	vst v63  }
0x33: {  	_ =	swait.ge [sflag:s14], $0x1000  }
0x34: {  	s11 =	simm.s32 $0x2000;
	[sflag:s14] =	ssyncset.done $0x0  }
0x35: {  	s12 =	simm.s32 $0x0;
	s25 =	simm.s32 $0x2080;
	[sflag:s14] =	ssyncadd.s32 $0xFFFFF000  }
0x36: {  	[tilespmem:s11], [sflag:$0x1] =	stream.indirect.gather [hbm4b:s5+s16], $0x80, s12, s16, $0xb8;
	[tilespmem:$0x1DC00] =	vst v63  }
0x37: {  	s26 =	simm.s32 $0x1;
	s28 =	simm.s32 $0x2100;
	s31 =	simm.s32 $0x2  }
0x38: {  	[tilespmem:s25], [sflag:$0x1] =	stream.indirect.gather [hbm4b:s5+s16], $0x80, s26, s16, $0xb8;
	[tilespmem:$0x1DC00] =	vst v63  }
0x39: {  	s7 =	simm.s32 $0x2180;
	s9 =	simm.s32 $0x3;
	s29 =	simm.s32 $0x0  }
0x3a: {  	[tilespmem:s28], [sflag:$0x1] =	stream.indirect.gather [hbm4b:s5+s16], $0x80, s31, s16, $0xb8;
	[tilespmem:$0x1DC00] =	vst v63  }
0x3b: {  	s30 =	simm.s32 $0x2600;
	s3 =	simm.s32 $0x2380;
	s0 =	simm.s32 $0xC  }
0x3c: {  	[tilespmem:s7], [sflag:$0x1] =	stream.indirect.gather [hbm4b:s5+s16], $0x80, s9, s16, $0xb8;
	[tilespmem:$0x1DC00] =	vst v63  }
0x3d: {  	s11 =	simm.s32 $0x4;
	s12 =	simm.s32 $0x2200;
	s25 =	simm.s32 $0x2280  }
0x3e: {  	[tilespmem:s12], [sflag:$0x1] =	stream.indirect.gather [hbm4b:s5+s16], $0x80, s11, s16, $0xb8;
	[tilespmem:$0x1DC00] =	vst v63  }
0x3f: {  	s26 =	simm.s32 $0x5;
	s28 =	simm.s32 $0x2300;
	s31 =	simm.s32 $0x6  }
0x40: {  	[tilespmem:s25], [sflag:$0x1] =	stream.indirect.gather [hbm4b:s5+s16], $0x80, s26, s16, $0xb8;
	[tilespmem:$0x1DC00] =	vst v63  }
0x41: {  	s7 =	simm.s32 $0x87;
	s11 =	simm.s32 $0x7;
	s26 =	simm.s32 $0x107  }
0x42: {  	[tilespmem:s28], [sflag:$0x1] =	stream.indirect.gather [hbm4b:s5+s16], $0x80, s31, s16, $0xb8;
	[tilespmem:$0x1DC00] =	vst v63  }
.LBB2_3:
0x43: {  	[tilespmem:s3], [sflag:$0x1] =	stream.indirect.gather [hbm4b:s5+s16], $0x80, s11, s16, $0xb8;
	[tilespmem:$0x1DC00] =	vst v63  }
0x44: {  	s3 =	sadd.s32 $0xFFFFFE00, s30;
	s11 =	sadd.s32 $0xFFFFFFFC, s0;
	s29 =	sadd.s32 $0x8, s29  }
0x45: {  	[tilespmem:s3], [sflag:$0x1] =	stream.indirect.gather [hbm4b:s5+s16], $0x80, s11, s16, $0xb8;
	[tilespmem:$0x1DC00] =	vst v63  }
0x46: {  	p0 =	slt.u32 s29, $0x78;
	s3 =	sadd.s32 $0xFFFFFE80, s30;
	s11 =	sadd.s32 $0xFFFFFFFD, s0  }
0x47: {  	[tilespmem:s3], [sflag:$0x1] =	stream.indirect.gather [hbm4b:s5+s16], $0x80, s11, s16, $0xb8;
	[tilespmem:$0x1DC00] =	vst v63  }
0x48: {  	s25 =	smov.u32 s30;
	s3 =	sadd.s32 $0xFFFFFF00, s30;
	s11 =	sadd.s32 $0xFFFFFFFE, s0  }
0x49: {  	[tilespmem:s3], [sflag:$0x1] =	stream.indirect.gather [hbm4b:s5+s16], $0x80, s11, s16, $0xb8;
	[tilespmem:$0x1DC00] =	vst v63  }
0x4a: {  	s3 =	sadd.s32 $0xFFFFFF80, s30;
	s11 =	sadd.s32 $0xFFFFFFFF, s0  }
0x4b: {  	[tilespmem:s3], [sflag:$0x1] =	stream.indirect.gather [hbm4b:s5+s16], $0x80, s11, s16, $0xb8;
	[tilespmem:$0x1DC00] =	vst v63  }
0x4c: {  	s28 =	simm.s32 $0x0  }
0x4d: {  	[tilespmem:s30], [sflag:$0x1] =	stream.indirect.gather [hbm4b:s5+s16], $0x80, s0, s16, $0xb8;
	[tilespmem:$0x1DC00] =	vst v63  }
.Ltmp4:
0x4e: {  	s3 =	sadd.s32 $0x80, s30;
	s11 =	sadd.s32 $0x1, s0;
	(pc) =	sbr.rel @p0 .LBB2_3-.Ltmp4, $4  }
0x4f: {  	[tilespmem:s3], [sflag:$0x1] =	stream.indirect.gather [hbm4b:s5+s16], $0x80, s11, s16, $0xb8;
	[tilespmem:$0x1DC00] =	vst v63  }
0x50: {  	s30 =	sadd.s32 $0x400, s30;
	s3 =	sadd.s32 $0x100, s25;
	s11 =	sadd.s32 $0x2, s0  }
0x51: {  	[tilespmem:s3], [sflag:$0x1] =	stream.indirect.gather [hbm4b:s5+s16], $0x80, s11, s16, $0xb8;
	[tilespmem:$0x1DC00] =	vst v63  }
0x52: {  	s3 =	sadd.s32 $0x180, s25;
	s11 =	sadd.s32 $0x3, s0;
	s0 =	sadd.s32 $0x8, s0  }
.Ltmp5:
0x53: {  	(pc) =	sbr.rel .LBB2_5-.Ltmp5, $2  }
0x54: {  	_ =	sdelay $0x2  }
0x55: {  	[tilespmem:s3], [sflag:$0x1] =	stream.indirect.gather [hbm4b:s5+s16], $0x80, s11, s16, $0xb8;
	[tilespmem:$0x1DC00] =	vst v63  }
.LBB2_10:
0x56: {  	[tilespmem:s11], [sflag:$0x1] =	stream.indirect.gather [hbm4b:s5+s16], $0x80, s25, s16, $0xb8;
	[tilespmem:$0x1DC00] =	vst v63  }
.LBB2_11:
0x57: {  	s28 =	sadd.s32 $0x1, s28  }
0x58: {  	p0 =	sne.s32 s28, $0x10  }
.Ltmp6:
0x59: {  	_ = 	snop;
	(pc) =	sbr.rel @!p0 .LBB2_12-.Ltmp6, $4  }
0x5a: {  	_ = 	snop  }
0x5b: {  	_ =	swait.ge [sflag:s22], $0x4000  }
0x5c: {  	[sflag:s22] =	ssyncset.done $0x0  }
0x5d: {  	s7 =	sadd.s32 $0x100, s7;
	s26 =	sadd.s32 $0x100, s26;
	[sflag:s22] =	ssyncadd.s32 $0xFFFFC000  }
.LBB2_5:
0x5e: {  	s0 =	simm.s32 $0x6000;
	s3 =	sadd.s32 $0xFFFFFFF9, s7  }
0x5f: {  	[tilespmem:s0], [sflag:$0x2] =	stream.indirect.gather [hbm4b:s5+s16], $0x80, s3, s16, $0xb8;
	[tilespmem:$0x1DC00] =	vst v63  }
0x60: {  	s9 =	simm.s32 $0x6080;
	s11 =	sadd.s32 $0xFFFFFFFA, s7  }
0x61: {  	[tilespmem:s9], [sflag:$0x2] =	stream.indirect.gather [hbm4b:s5+s16], $0x80, s11, s16, $0xb8;
	[tilespmem:$0x1DC00] =	vst v63  }
0x62: {  	s12 =	simm.s32 $0x6100;
	s25 =	sadd.s32 $0xFFFFFFFB, s7  }
0x63: {  	[tilespmem:s12], [sflag:$0x2] =	stream.indirect.gather [hbm4b:s5+s16], $0x80, s25, s16, $0xb8;
	[tilespmem:$0x1DC00] =	vst v63  }
0x64: {  	s30 =	sshll.u32 s28, $0xA;
	s9 =	simm.s32 $0x6180;
	s11 =	sadd.s32 $0xFFFFFFFC, s7  }
0x65: {  	[tilespmem:s9], [sflag:$0x2] =	stream.indirect.gather [hbm4b:s5+s16], $0x80, s11, s16, $0xb8;
	[tilespmem:$0x1DC00] =	vst v63  }
0x66: {  	s31 =	simm.s32 $0x0;
	s12 =	simm.s32 $0x6200;
	s25 =	sadd.s32 $0xFFFFFFFD, s7  }
0x67: {  	[tilespmem:s12], [sflag:$0x2] =	stream.indirect.gather [hbm4b:s5+s16], $0x80, s25, s16, $0xb8;
	[tilespmem:$0x1DC00] =	vst v63  }
0x68: {  	s29 =	sor.u32 $0x200, s30;
	s9 =	simm.s32 $0x6280;
	s11 =	sadd.s32 $0xFFFFFFFE, s7  }
0x69: {  	[tilespmem:s9], [sflag:$0x2] =	stream.indirect.gather [hbm4b:s5+s16], $0x80, s11, s16, $0xb8;
	[tilespmem:$0x1DC00] =	vst v63  }
0x6a: {  	s0 =	sadd.s32 $0x8, s7;
	s12 =	simm.s32 $0x6300;
	s25 =	sadd.s32 $0xFFFFFFFF, s7  }
0x6b: {  	[tilespmem:s12], [sflag:$0x2] =	stream.indirect.gather [hbm4b:s5+s16], $0x80, s25, s16, $0xb8;
	[tilespmem:$0x1DC00] =	vst v63  }
0x6c: {  	s3 =	simm.s32 $0x6780;
	s11 =	simm.s32 $0x6380;
	s25 =	smov.u32 s7  }
.LBB2_6:
0x6d: {  	[tilespmem:s11], [sflag:$0x2] =	stream.indirect.gather [hbm4b:s5+s16], $0x80, s25, s16, $0xb8;
	[tilespmem:$0x1DC00] =	vst v63  }
0x6e: {  	s11 =	sadd.s32 $0xFFFFFC80, s3;
	s25 =	sadd.s32 $0xFFFFFFF9, s0;
	s31 =	sadd.s32 $0x8, s31  }
0x6f: {  	[tilespmem:s11], [sflag:$0x2] =	stream.indirect.gather [hbm4b:s5+s16], $0x80, s25, s16, $0xb8;
	[tilespmem:$0x1DC00] =	vst v63  }
0x70: {  	p0 =	slt.u32 s31, $0x78;
	s11 =	sadd.s32 $0xFFFFFD00, s3;
	s25 =	sadd.s32 $0xFFFFFFFA, s0  }
0x71: {  	[tilespmem:s11], [sflag:$0x2] =	stream.indirect.gather [hbm4b:s5+s16], $0x80, s25, s16, $0xb8;
	[tilespmem:$0x1DC00] =	vst v63  }
0x72: {  	s12 =	sadd.s32 $0xFFFFFFFB, s0;
	s11 =	sadd.s32 $0xFFFFFD80, s3;
	s25 =	smov.u32 s0  }
0x73: {  	[tilespmem:s11], [sflag:$0x2] =	stream.indirect.gather [hbm4b:s5+s16], $0x80, s12, s16, $0xb8;
	[tilespmem:$0x1DC00] =	vst v63  }
0x74: {  	s9 =	sadd.s32 $0xFFFFFFFC, s0;
	s12 =	sadd.s32 $0xFFFFFE00, s3;
	s11 =	smov.u32 s3  }
0x75: {  	[tilespmem:s12], [sflag:$0x2] =	stream.indirect.gather [hbm4b:s5+s16], $0x80, s9, s16, $0xb8;
	[tilespmem:$0x1DC00] =	vst v63  }
0x76: {  	s9 =	sadd.s32 $0xFFFFFE80, s3;
	s12 =	sadd.s32 $0xFFFFFFFD, s0  }
0x77: {  	[tilespmem:s9], [sflag:$0x2] =	stream.indirect.gather [hbm4b:s5+s16], $0x80, s12, s16, $0xb8;
	[tilespmem:$0x1DC00] =	vst v63  }
.Ltmp7:
0x78: {  	s9 =	sadd.s32 $0xFFFFFF00, s3;
	s12 =	sadd.s32 $0xFFFFFFFE, s0;
	(pc) =	sbr.rel @p0 .LBB2_6-.Ltmp7, $4  }
0x79: {  	[tilespmem:s9], [sflag:$0x2] =	stream.indirect.gather [hbm4b:s5+s16], $0x80, s12, s16, $0xb8;
	[tilespmem:$0x1DC00] =	vst v63  }
0x7a: {  	s9 =	sadd.s32 $0xFFFFFF80, s3;
	s12 =	sadd.s32 $0xFFFFFFFF, s0  }
0x7b: {  	[tilespmem:s9], [sflag:$0x2] =	stream.indirect.gather [hbm4b:s5+s16], $0x80, s12, s16, $0xb8;
	[tilespmem:$0x1DC00] =	vst v63  }
0x7c: {  	s0 =	sadd.s32 $0x8, s0;
	s3 =	sadd.s32 $0x400, s3  }
0x7d: {  	[tilespmem:s11], [sflag:$0x2] =	stream.indirect.gather [hbm4b:s5+s16], $0x80, s25, s16, $0xb8;
	[tilespmem:$0x1DC00] =	vst v63  }
0x7e: {  	_ =	swait.ge [sflag:s16], $0x4000  }
0x7f: {  	s0 =	sshra.s32 s30, $0x2;
	[sflag:s16] =	ssyncset.done $0x0  }
0x80: {  	s0 =	sadd.s32 $0x1000, s0;
	[sflag:s16] =	ssyncadd.s32 $0xFFFFC000  }
0x81: {  	[spmem:s2] =	stream.indirect.scatter.add.f32 [tilespmem:s18], [sflag:$0x3], $0x80, s0, s17, $0xb8;
	[tilespmem:$0x1DC00] =	vst v63  }
0x82: {  	_ =	swait.ge [sflag:s19], $0x4000  }
0x83: {  	s31 =	sshra.s32 s29, $0x2;
	p0 =	seq.s32 s28, $0xF;
	[sflag:s19] =	ssyncset.done $0x0  }
.Ltmp8:
0x84: {  	s0 =	sadd.s32 $0x1000, s31;
	[sflag:s19] =	ssyncadd.s32 $0xFFFFC000;
	(pc) =	sbr.rel @p0 .LBB2_11-.Ltmp8, $4  }
0x85: {  	[spmem:s2] =	stream.indirect.scatter.add.f32 [tilespmem:s20], [sflag:$0x4], $0x80, s0, s17, $0xb8;
	[tilespmem:$0x1DC00] =	vst v63  }
0x86: {  	_ =	swait.ge [sflag:s21], $0x4000  }
0x87: {  	[sflag:s21] =	ssyncset.done $0x0  }
0x88: {  	[sflag:s21] =	ssyncadd.s32 $0xFFFFC000  }
0x89: {  	s0 =	simm.s32 $0x2000;
	s3 =	sadd.s32 $0xFFFFFFF9, s26  }
0x8a: {  	[tilespmem:s0], [sflag:$0x1] =	stream.indirect.gather [hbm4b:s5+s16], $0x80, s3, s16, $0xb8;
	[tilespmem:$0x1DC00] =	vst v63  }
0x8b: {  	s9 =	simm.s32 $0x2080;
	s11 =	sadd.s32 $0xFFFFFFFA, s26  }
0x8c: {  	[tilespmem:s9], [sflag:$0x1] =	stream.indirect.gather [hbm4b:s5+s16], $0x80, s11, s16, $0xb8;
	[tilespmem:$0x1DC00] =	vst v63  }
0x8d: {  	s12 =	simm.s32 $0x2100;
	s25 =	sadd.s32 $0xFFFFFFFB, s26;
	s30 =	simm.s32 $0x2180  }
0x8e: {  	[tilespmem:s12], [sflag:$0x1] =	stream.indirect.gather [hbm4b:s5+s16], $0x80, s25, s16, $0xb8;
	[tilespmem:$0x1DC00] =	vst v63  }
0x8f: {  	s31 =	sadd.s32 $0xFFFFFFFC, s26;
	s29 =	simm.s32 $0x0;
	s0 =	sadd.s32 $0x8, s26  }
0x90: {  	[tilespmem:s30], [sflag:$0x1] =	stream.indirect.gather [hbm4b:s5+s16], $0x80, s31, s16, $0xb8;
	[tilespmem:$0x1DC00] =	vst v63  }
0x91: {  	s3 =	simm.s32 $0x2780;
	s9 =	simm.s32 $0x2200;
	s11 =	sadd.s32 $0xFFFFFFFD, s26  }
0x92: {  	[tilespmem:s9], [sflag:$0x1] =	stream.indirect.gather [hbm4b:s5+s16], $0x80, s11, s16, $0xb8;
	[tilespmem:$0x1DC00] =	vst v63  }
0x93: {  	s12 =	simm.s32 $0x2280;
	s25 =	sadd.s32 $0xFFFFFFFE, s26;
	s30 =	simm.s32 $0x2300  }
0x94: {  	[tilespmem:s12], [sflag:$0x1] =	stream.indirect.gather [hbm4b:s5+s16], $0x80, s25, s16, $0xb8;
	[tilespmem:$0x1DC00] =	vst v63  }
0x95: {  	s31 =	sadd.s32 $0xFFFFFFFF, s26;
	s11 =	simm.s32 $0x2380;
	s25 =	smov.u32 s26  }
0x96: {  	[tilespmem:s30], [sflag:$0x1] =	stream.indirect.gather [hbm4b:s5+s16], $0x80, s31, s16, $0xb8;
	[tilespmem:$0x1DC00] =	vst v63  }
.LBB2_9:
0x97: {  	[tilespmem:s11], [sflag:$0x1] =	stream.indirect.gather [hbm4b:s5+s16], $0x80, s25, s16, $0xb8;
	[tilespmem:$0x1DC00] =	vst v63  }
0x98: {  	s9 =	sadd.s32 $0xFFFFFC80, s3;
	s11 =	sadd.s32 $0xFFFFFFF9, s0;
	s29 =	sadd.s32 $0x8, s29  }
0x99: {  	[tilespmem:s9], [sflag:$0x1] =	stream.indirect.gather [hbm4b:s5+s16], $0x80, s11, s16, $0xb8;
	[tilespmem:$0x1DC00] =	vst v63  }
0x9a: {  	p0 =	slt.u32 s29, $0x78;
	s9 =	sadd.s32 $0xFFFFFD00, s3;
	s11 =	sadd.s32 $0xFFFFFFFA, s0  }
0x9b: {  	[tilespmem:s9], [sflag:$0x1] =	stream.indirect.gather [hbm4b:s5+s16], $0x80, s11, s16, $0xb8;
	[tilespmem:$0x1DC00] =	vst v63  }
0x9c: {  	s25 =	smov.u32 s0;
	s9 =	sadd.s32 $0xFFFFFD80, s3;
	s11 =	sadd.s32 $0xFFFFFFFB, s0  }
0x9d: {  	[tilespmem:s9], [sflag:$0x1] =	stream.indirect.gather [hbm4b:s5+s16], $0x80, s11, s16, $0xb8;
	[tilespmem:$0x1DC00] =	vst v63  }
0x9e: {  	s12 =	sadd.s32 $0xFFFFFFFC, s0;
	s9 =	sadd.s32 $0xFFFFFE00, s3;
	s11 =	smov.u32 s3  }
0x9f: {  	[tilespmem:s9], [sflag:$0x1] =	stream.indirect.gather [hbm4b:s5+s16], $0x80, s12, s16, $0xb8;
	[tilespmem:$0x1DC00] =	vst v63  }
0xa0: {  	s9 =	sadd.s32 $0xFFFFFE80, s3;
	s12 =	sadd.s32 $0xFFFFFFFD, s0  }
0xa1: {  	[tilespmem:s9], [sflag:$0x1] =	stream.indirect.gather [hbm4b:s5+s16], $0x80, s12, s16, $0xb8;
	[tilespmem:$0x1DC00] =	vst v63  }
.Ltmp9:
0xa2: {  	s9 =	sadd.s32 $0xFFFFFF00, s3;
	s12 =	sadd.s32 $0xFFFFFFFE, s0;
	(pc) =	sbr.rel @p0 .LBB2_9-.Ltmp9, $4  }
0xa3: {  	[tilespmem:s9], [sflag:$0x1] =	stream.indirect.gather [hbm4b:s5+s16], $0x80, s12, s16, $0xb8;
	[tilespmem:$0x1DC00] =	vst v63  }
0xa4: {  	s9 =	sadd.s32 $0xFFFFFF80, s3;
	s12 =	sadd.s32 $0xFFFFFFFF, s0  }
0xa5: {  	[tilespmem:s9], [sflag:$0x1] =	stream.indirect.gather [hbm4b:s5+s16], $0x80, s12, s16, $0xb8;
	[tilespmem:$0x1DC00] =	vst v63  }
0xa6: {  	s0 =	sadd.s32 $0x8, s0;
	s3 =	sadd.s32 $0x400, s3  }
.Ltmp10:
0xa7: {  	_ = 	snop;
	(pc) =	sbr.rel .LBB2_10-.Ltmp10, $1  }
0xa8: {  	_ =	sdelay $0x3  }
.LBB2_14:
0xa9: {  	_ =	sfence.sel $0x180000  }
0xaa: {  	[bflag:$0x0] =	sbarrier.arrive $0xFFFF  }
0xab: {  	_ =	strace $0x9000004D  }
0xac: {  	s0 =	stileid.u32;
	[bflag:$0x2] =	sbarrier.arrive $0xFFFF  }
0xad: {  	p0 =	sne.s32 s0, $0x0;
	s0 =	rddreg [dreg:$0x4]  }
0xae: {  	s0 =	sadd.s32 @!p0 $0x100000, s0  }
0xaf: {  	[sflag:s0] =	ssyncadd.tile.s32 @!p0 $0x1;
	_ =	shalt  }
.Lfunc_end2:
_tile_overlayer_lowered:
.L_overlay_start_2:
0xb0: {  	(tag) =	ssettag $0x2  }
0xb1: {  	s0 =	rddreg [dreg:$0x0];
	s2 =	stileid.u32  }
0xb2: {  	s1 =	rddreg [dreg:$0x1];
	p0 =	sne.s32 s2, $0x0  }
0xb3: {  	s3 =	rddreg [dreg:$0x2];
	[bflag:$0x3] =	sbarrier.arrive $0xFFFF;
	s2 =	simm.s32 @!p0 $0x1C05  }
0xb4: {  	[timem:s3], [sflag:s2] =	dma.local @!p0 [hbm:s0], s1  }
0xb5: {  	s0 =	simm.s32 @!p0 $0x5  }
0xb6: {  	_ =	swait.ge @!p0 [sflag:s0], s1  }
0xb7: {  	s1 =	ssub.s32 @!p0 $0x0, s1;
	[sflag:s0] =	ssyncset.done @!p0 $0x0  }
0xb8: {  	[sflag:s0] =	ssyncadd.s32 @!p0 s1  }
0xb9: {  	[bflag:$0x3] =	sbarrier.arrive $0xFFFF  }
0xba: {  	_ =	shalt  }

// kernel: kernel.9.cloned.1.call-start
scs
__scs_entry_jumppad:
0x0: {  	(pc) =	sbr.rel $0x88, $3  }
0x1: {  	(tag) =	ssettag $0x0;
	lr =	simm.s32 $0x1  }
0x2: {  	[smem:$0x3F82] =	sst lr;
	_ =	strace $0xD0000000  }
0x3: {  	_ = 	snop  }
0x4: {  	_ = 	snop  }
0x5: {  	_ = 	snop  }
0x6: {  	_ = 	snop  }
0x7: {  	_ = 	snop  }
__scs_overlays_trampoline_lowered:
0x8: {  	[smem:$0x3F91] =	sst s0  }
0x9: {  	[smem:$0x3F92] =	sst s1  }
0xa: {  	[smem:$0x3F93] =	sst s2  }
0xb: {  	[smem:$0x3F94] =	sst s3  }
0xc: {  	[smem:$0x3F95] =	sst s4  }
0xd: {  	[smem:$0x3F96] =	sst s5  }
0xe: {  	[smem:$0x3F97] =	sst s6  }
0xf: {  	[smem:$0x3F98] =	sst s7  }
0x10: {  	[smem:$0x3F99] =	sst s8  }
0x11: {  	[smem:$0x3F9A] =	sst s9;
	s0 =	simm.s32 @!p0 $0x0  }
0x12: {  	s1 =	sld [smem:$0x3F80];
	s0 =	simm.s32 @p0 $0x1  }
0x13: {  	[smem:$0x3F9B] =	sst s0;
	s0 =	simm.s32 @!p1 $0x0  }
0x14: {  	s2 =	sld [smem:$0x3F7F];
	s0 =	simm.s32 @p1 $0x1  }
0x15: {  	[smem:$0x3F9C] =	sst s0;
	s0 =	simm.s32 @!p2 $0x0  }
0x16: {  	s3 =	sld [smem:$0x3FDB];
	s0 =	simm.s32 @p2 $0x1  }
0x17: {  	s4 =	simm.s32 $0x1BF5;
	[smem:$0x3F9E] =	sst s0  }
0x18: {  	s0 =	sld [smem:$0x3F81];
	_ =	swait.ge [sflag:s4], $0x0  }
0x19: {  	s7 =	sld [smem:$0x3F82]  }
0x1a: {  	s8 =	sadd.s32 $0xFFFFE003, lr  }
0x1b: {  	s9 =	sadd.s32 $0xFFFFFEF7, lr;
	s5 =	simm.s32 $0xFFFFFFFF;
	p2 =	slt.u32 s8, $0xFFFFF086  }
0x1c: {  	p1 =	slt.u32 s9, $0xF7A;
	s5 =	simm.s32 @!p2 $0x0  }
0x1d: {  	s5 =	simm.s32 @p1 $0x1;
	p0 =	seq.s32 s7, s2  }
0x1e: {  	s7 =	smul.u32 @!p0 $0xF7A, s2;
	p2 =	seq.s32 @!p0 s5, $0x0  }
0x1f: {  	s9 =	smul.u32 $0xF7A, s1;
	s8 =	simm.s32 @!p0 $0x1BF5;
	p2 =	por !p2, p0  }
0x20: {  	[sflag:s8] =	ssyncset.s32 @!p0 $0xFFFFF086;
	s6 =	sadd.s32 @!p0 s3, s7;
	s7 =	simm.s32 @!p0 $0x108  }
0x21: {  	s3 =	sadd.s32 s3, s9;
	s6 =	sadd.s32 @!p0 $0x88, s6;
	s7 =	simm.s32 @p2 $0x1082  }
0x22: {  	[simem:s7], [sflag:s8] =	dma.local @!p0 [hbm:s6], $0xF7A  }
0x23: {  	s9 =	sor.u32 $0xD0000000, s2;
	s6 =	simm.s32 $0x108;
	_ =	swait.ge @!p0 [sflag:s8], $0x0  }
0x24: {  	s3 =	sadd.s32 $0x88, s3;
	s6 =	simm.s32 @!p1 $0x1082;
	[sflag:s4] =	ssyncset.s32 $0xFFFFF086  }
0x25: {  	[simem:s6], [sflag:s4] =	dma.local [hbm:s3], $0xF7A  }
0x26: {  	[smem:$0x3F82] =	sst s1;
	(tag) =	ssettag s2;
	_ =	strace s9  }
0x27: {  	s1 =	sld [smem:$0x3F92]  }
0x28: {  	s2 =	sld [smem:$0x3F93]  }
0x29: {  	s4 =	sld [smem:$0x3F95]  }
0x2a: {  	p0 =	seq.s32 s5, $0x0;
	s5 =	sld [smem:$0x3F96]  }
0x2b: {  	s6 =	sld [smem:$0x3F97]  }
0x2c: {  	s7 =	sld [smem:$0x3F98]  }
0x2d: {  	s3 =	simm.s32 $0x108;
	s8 =	sld [smem:$0x3F99]  }
0x2e: {  	s3 =	simm.s32 @!p0 $0x1082;
	s9 =	sld [smem:$0x3F9A]  }
0x2f: {  	lr =	sadd.s32 s0, s3;
	s0 =	sld [smem:$0x3F91]  }
0x30: {  	s3 =	sld [smem:$0x3F94]  }
0x31: {  	[smem:$0x3F9D] =	sst s10  }
0x32: {  	s10 =	sld [smem:$0x3F9B];
	_ =	sdelay $0x3  }
0x33: {  	p0 =	seq.s32 s10, $0x1;
	s10 =	sld [smem:$0x3F9D];
	_ =	sdelay $0x3  }
0x34: {  	[smem:$0x3F9D] =	sst s10  }
0x35: {  	s10 =	sld [smem:$0x3F9C];
	_ =	sdelay $0x3  }
0x36: {  	p1 =	seq.s32 s10, $0x1;
	s10 =	sld [smem:$0x3F9D];
	_ =	sdelay $0x3  }
0x37: {  	[smem:$0x3F9D] =	sst s10  }
0x38: {  	s10 =	sld [smem:$0x3F9E]  }
0x39: {  	_ = 	snop;
	(pc) =	sbr.ind lr, $3  }
0x3a: {  	_ = 	snop  }
0x3b: {  	_ = 	snop  }
0x3c: {  	p2 =	seq.s32 s10, $0x1;
	s10 =	sld [smem:$0x3F9D]  }
0x3d: {  	_ =	shalt  }
0x3e: {  	_ =	shalt  }
0x3f: {  	_ =	shalt  }
0x40: {  	_ =	shalt  }
0x41: {  	_ =	shalt  }
0x42: {  	_ =	shalt  }
0x43: {  	_ =	shalt  }
0x44: {  	_ =	shalt  }
0x45: {  	_ =	shalt  }
0x46: {  	_ =	shalt  }
0x47: {  	_ =	shalt  }
0x48: {  	_ =	shalt  }
0x49: {  	_ =	shalt  }
0x4a: {  	_ =	shalt  }
0x4b: {  	_ =	shalt  }
0x4c: {  	_ =	shalt  }
0x4d: {  	_ =	shalt  }
0x4e: {  	_ =	shalt  }
0x4f: {  	_ =	shalt  }
0x50: {  	_ =	shalt  }
0x51: {  	_ =	shalt  }
0x52: {  	_ =	shalt  }
0x53: {  	_ =	shalt  }
0x54: {  	_ =	shalt  }
0x55: {  	_ =	shalt  }
0x56: {  	_ =	shalt  }
0x57: {  	_ =	shalt  }
0x58: {  	_ =	shalt  }
0x59: {  	_ =	shalt  }
0x5a: {  	_ =	shalt  }
0x5b: {  	_ =	shalt  }
0x5c: {  	_ =	shalt  }
0x5d: {  	_ =	shalt  }
0x5e: {  	_ =	shalt  }
0x5f: {  	_ =	shalt  }
0x60: {  	_ =	shalt  }
0x61: {  	_ =	shalt  }
0x62: {  	_ =	shalt  }
0x63: {  	_ =	shalt  }
0x64: {  	_ =	shalt  }
0x65: {  	_ =	shalt  }
0x66: {  	_ =	shalt  }
0x67: {  	_ =	shalt  }
0x68: {  	_ =	shalt  }
0x69: {  	_ =	shalt  }
0x6a: {  	_ =	shalt  }
0x6b: {  	_ =	shalt  }
0x6c: {  	_ =	shalt  }
0x6d: {  	_ =	shalt  }
0x6e: {  	_ =	shalt  }
0x6f: {  	_ =	shalt  }
0x70: {  	_ =	shalt  }
0x71: {  	_ =	shalt  }
0x72: {  	_ =	shalt  }
0x73: {  	_ =	shalt  }
0x74: {  	_ =	shalt  }
0x75: {  	_ =	shalt  }
0x76: {  	_ =	shalt  }
0x77: {  	_ =	shalt  }
0x78: {  	_ =	shalt  }
0x79: {  	_ =	shalt  }
0x7a: {  	_ =	shalt  }
0x7b: {  	_ =	shalt  }
0x7c: {  	_ =	shalt  }
0x7d: {  	_ =	shalt  }
0x7e: {  	_ =	shalt  }
0x7f: {  	_ =	shalt  }
0x80: {  	_ =	shalt  }
0x81: {  	_ =	shalt  }
0x82: {  	_ =	shalt  }
0x83: {  	_ =	shalt  }
0x84: {  	_ =	shalt  }
0x85: {  	_ =	shalt  }
0x86: {  	_ =	shalt  }
0x87: {  	_ =	shalt  }
.Lfunc_end0:
.L_simem_size_0:
called_computation_lowered:
.L_overlay_start_0:
0x88: {  	s2 =	sld [smem:$0x3FD9]  }
0x89: {  	s3 =	sld [smem:$0x3FFE];
	_ =	sdelay $0x1  }
0x8a: {  	s1 =	srdreg.scid  }
0x8b: {  	s0 =	sand.u32 $0x1, s1  }
0x8c: {  	s14 =	sshll.u32 s0, $0xA;
	s2 =	sadd.s32 s3, s2  }
0x8d: {  	s2 =	sadd.s32 s2, s14  }
0x8e: {  	[smem:$0x3FA9] =	sst s2  }
0x8f: {  	_ = 	snop  }
0x90: {  	s2 =	sld [smem:$0x3FD0];
	_ =	sdelay $0x2  }
0x91: {  	s15 =	simm.s32 $0xA;
	s4 =	simm.s32 $0x10  }
0x92: {  	[smem:s4], [sflag:s15] =	dma.local [hbm:s2], $0x1  }
0x93: {  	_ =	swait.eq [sflag:s15], $0x1  }
0x94: {  	[sflag:s15] =	ssyncset.done $0x0  }
0x95: {  	s16 =	sld [smem:$0x10];
	[sflag:s15] =	ssyncadd.s32 $0xFFFFFFFF  }
0x96: {  	s17 =	sld [smem:$0x11];
	(tm) =	ssettm $0x1  }
0x97: {  	s18 =	sld [smem:$0x3FFB];
	_ =	sdelay $0x3  }
0x98: {  	_ =	strace s18  }
0x99: {  	s4 =	sld [smem:$0x3FFC];
	_ =	sdelay $0x3  }
0x9a: {  	_ =	strace s4  }
0x9b: {  	s4 =	sld [smem:$0x3FFD];
	_ =	sdelay $0x3  }
0x9c: {  	_ =	strace s4  }
0x9d: {  	_ =	strace $0x8FFFFFFF  }
0x9e: {  	s19 =	sld [smem:$0x3FDB];
	_ =	sdelay $0x1  }
0x9f: {  	s5 =	simm.s32 $_scs_section_size  }
0xa0: {  	s6 =	simm.s32 $_size__tile_overlayer_lowered;
	s7 =	simm.s32 $_tile_overlayer_lowered  }
0xa1: {  	s22 =	simm.s32 $0x1BFF;
	s21 =	sshll.u32 s7, $0x1;
	s4 =	sadd.s32 s5, s19  }
0xa2: {  	s8 =	simm.s32 $0x0;
	s20 =	sshll.u32 s6, $0x1;
	s6 =	sadd.s32 s21, s4  }
0xa3: {  	[timem:s8], [sflag:s22] =	dma.local [hbm:s6], s20  }
0xa4: {  	_ =	swait.ge [sflag:s22], s20  }
0xa5: {  	s5 =	ssub.s32 $0x0, s20;
	[sflag:s22] =	ssyncset.done $0x0  }
0xa6: {  	[sflag:s22] =	ssyncadd.s32 s5;
	_ =	sdelay $0x1  }
0xa7: {  	s23 =	simm.s32 $0x1B8B  }
0xa8: {  	_ =	swait.ge [sflag:s23], $0x1  }
0xa9: {  	[sflag:s23] =	ssyncset.done $0x0  }
0xaa: {  	s25 =	simm.s32 $0x1B8E;
	s24 =	sld [smem:$0x3FFE];
	[sflag:s23] =	ssyncadd.s32 $0xFFFFFFFF  }
0xab: {  	s26 =	simm.s32 $execute0_lowered;
	[smem:$0x3FD2] =	sst s25  }
0xac: {  	s6 =	sshll.u32 s26, $0x1;
	_ =	strace $0x80000046;
	[dreg:$0x1] =	wrdreg $0xFFFFFFFF  }
0xad: {  	s28 =	simm.s32 $_size_execute0_lowered;
	s4 =	sadd.s32 s4, s6;
	[dreg:$0x0] =	wrdreg $0x0  }
0xae: {  	s6 =	sshll.u32 s28, $0x1;
	[dreg:$0x2] =	wrdreg s4  }
0xaf: {  	[dreg:$0x3] =	wrdreg s6  }
0xb0: {  	[dreg:$0x4] =	wrdreg $0xC0  }
0xb1: {  	_ =	task [dreg:s8], $0x5FFFF  }
0xb2: {  	[dreg:$0x1] =	wrdreg $0xFFFFFFFF  }
0xb3: {  	[dreg:$0x0] =	wrdreg $0x60  }
0xb4: {  	[dreg:$0x2] =	wrdreg s24  }
0xb5: {  	[dreg:$0x3] =	wrdreg s17  }
0xb6: {  	[dreg:$0x4] =	wrdreg s16  }
0xb7: {  	[dreg:$0x5] =	wrdreg $0xA0000  }
0xb8: {  	[dreg:$0x6] =	wrdreg $0x9  }
0xb9: {  	_ =	task.clear_ibuf [dreg:s8], $0x7FFFF;
	_ =	strace $0x90000046  }
0xba: {  	s29 =	simm.s32 $0x9;
	_ =	strace $0x80000048  }
0xbb: {  	_ =	swait.ge [sflag:s29], $0x1  }
0xbc: {  	[sflag:s29] =	ssyncadd.s32 $0xFFFFFFFF  }
0xbd: {  	_ =	strace $0x90000048  }
0xbe: {  	_ =	sfence  }
0xbf: {  	s30 =	sld [smem:$0x0];
	_ =	sdelay $0x2  }
0xc0: {  	s31 =	sshll.u32 s1, $0xD;
	s1 =	sshrl.u32 s1, $0x2  }
0xc1: {  	s3 =	sand.u32 $0x4000, s31;
	s1 =	sadd.s32 s1, s30  }
0xc2: {  	s0 =	sor.u32 s3, s0;
	s1 =	sshll.u32 s1, $0x11  }
0xc3: {  	s0 =	sor.u32 s1, s0  }
0xc4: {  	s0 =	sadd.s32 $0x8F2B, s0  }
0xc5: {  	[sflag:s0] =	ssyncadd.remote.s32 $0x1  }
0xc6: {  	_ =	sfence.sel $0xFFFF  }
0xc7: {  	[dreg:$0x0] =	wrdreg $0xFFFFFFFF;
	(pc) =	sbr.abs _section_cstart, $3  }
0xc8: {  	[dreg:$0x1] =	wrdreg $0xFFFFFFFF  }
0xc9: {  	_ =	task.clear_ibuf [dreg:s8], $0x2FFFF;
	_ =	strace $0x9FFFFFFF  }
0xca: {  	(tm) =	ssettm $0x7FFFFFFF  }
0xcb: {  	_ =	shalt  }
tec
execute0_lowered:
.L_overlay_start_1:
0x0: {  	(tag) =	ssettag $0x1  }
0x1: {  	s0 =	rddreg [dreg:$0x0]  }
0x2: {  	s1 =	rddreg [dreg:$0x1]  }
0x3: {  	s3 =	rddreg [dreg:$0x2]  }
0x4: {  	s2 =	rddreg [dreg:$0x3];
	s4 =	simm.s32 $0x0  }
0x5: {  	s15 =	stileid.u32;
	s6 =	srdreg.scid;
	s16 =	simm.s32 $0x1  }
0x6: {  	s17 =	simm.s32 $0x80;
	s18 =	simm.s32 $0x2000;
	s19 =	simm.s32 $0x2  }
0x7: {  	s20 =	simm.s32 $0x6000;
	s21 =	simm.s32 $0x3;
	s22 =	simm.s32 $0x4  }
0x8: {  	s23 =	simm.s32 $0x0;
	[smem:$0x7FF] =	sst s4;
	s7 =	smul.u32 $0x13C00, s15  }
0x9: {  	s5 =	sadd.s32 $0x18E00, s0;
	s10 =	sand.u32 $0x1, s6;
	s9 =	smul.u32 $0x4F000, s15  }
0xa: {  	s6 =	sadd.s32 $0x4E00, s0;
	s30 =	sshll.u32 s15, $0x6;
	s13 =	smul.u32 $0x13C000, s10  }
0xb: {  	_ =	strace $0x80000047;
	s8 =	ssub.s32 $0x2, s10;
	s10 =	smul.u32 $0x50000, s10  }
0xc: {  	s11 =	sshrl.u32 s7, $0x3;
	s12 =	sshrl.u32 s8, $0x1;
	s28 =	sshrl.u32 s9, $0x2  }
0xd: {  	s0 =	sadd.s32 s11, s0;
	s26 =	ssub.s32 s8, s12;
	s14 =	sadd.s32 s28, s2  }
.Ltmp0:
0xe: {  	s29 =	sadd.s32 s7, s13;
	s0 =	sadd.s32 $0x67000, s0;
	(pc) =	sbr.rel .LBB2_1-.Ltmp0, $4  }
0xf: {  	s31 =	smax.u32 s26, $0x1;
	[dreg:$0x5] =	wrdreg s0;
	s0 =	sshrl.u32 s29, $0x3  }
0x10: {  	s8 =	smul.u32 $0x5000, s15;
	[dreg:$0x7] =	wrdreg s31;
	s0 =	sadd.s32 s3, s0  }
0x11: {  	s7 =	sor.u32 $0x1C05, s30;
	s3 =	sshrl.u32 s14, $0x3;
	[dreg:$0x6] =	wrdreg s0  }
0x12: {  	s15 =	simm.s32 $0x1000;
	s14 =	simm.s32 $0x5;
	[dreg:$0x8] =	wrdreg s3  }
.LBB2_13:
0x13: {  	[bflag:$0x0] =	sbarrier.arrive $0xFFFF  }
0x14: {  	s0 =	rddreg [dreg:$0x6]  }
0x15: {  	s3 =	rddreg [dreg:$0x8]  }
0x16: {  	[hbm:s0], [sflag:s13] =	dma.local [spmem:s3], $0x2780  }
0x17: {  	_ =	swait.ge [sflag:s14], $0x2780  }
0x18: {  	s23 =	sadd.s32 $0x1, s23;
	s31 =	rddreg [dreg:$0x7]  }
0x19: {  	p0 =	sne.s32 s23, s31  }
.Ltmp1:
0x1a: {  	_ = 	snop;
	(pc) =	sbr.rel @!p0 .LBB2_14-.Ltmp1, $3  }
0x1b: {  	_ =	sdelay $0x1  }
0x1c: {  	[sflag:s14] =	ssyncset.done $0x0  }
0x1d: {  	s7 =	smov.u32 s13;
	[sflag:s14] =	ssyncadd.s32 $0xFFFFD880  }
.LBB2_1:
0x1e: {  	s0 =	rddreg [dreg:$0x5]  }
0x1f: {  	[spmem:s3], [sflag:s7] =	dma.local [hbm:s0], $0x2780  }
.Ltmp2:
0x20: {  	_ =	swait.ge [sflag:s14], $0x2780;
	(pc) =	sbr.rel .LBB2_2-.Ltmp2, $4  }
0x21: {  	[sflag:s14] =	ssyncset.done $0x0  }
0x22: {  	[sflag:s14] =	ssyncadd.s32 $0xFFFFD880  }
0x23: {  	[bflag:$0x0] =	sbarrier.arrive $0xFFFF  }
0x24: {  	s13 =	smov.u32 s7;
	s24 =	simm.s32 $0x0  }
.LBB2_12:
0x25: {  	s24 =	sadd.s32 $0x1, s24  }
0x26: {  	p0 =	sne.s32 s24, $0x5  }
.Ltmp3:
0x27: {  	_ = 	snop;
	(pc) =	sbr.rel @!p0 .LBB2_13-.Ltmp3, $1  }
0x28: {  	_ =	sdelay $0x3  }
.LBB2_2:
0x29: {  	s0 =	sshll.u32 s24, $0xC  }
0x2a: {  	s0 =	sadd.s32 s8, s0  }
0x2b: {  	s3 =	sadd.s32 s10, s0  }
0x2c: {  	s3 =	sshrl.u32 s3, $0x3  }
0x2d: {  	s3 =	sadd.s32 s6, s3  }
0x2e: {  	[tilespmem:s4], [sflag:$0x5] =	stream.linear.gather [hbm4b:s3+s4], $0x1000, $0x38;
	[tilespmem:$0x1DC00] =	vst v63  }
0x2f: {  	_ =	swait.ge [sflag:s14], $0x1000  }
0x30: {  	s0 =	sshrl.u32 s0, $0x3;
	[sflag:s14] =	ssyncset.done $0x0  }
0x31: {  	s0 =	sadd.s32 s1, s0;
	[sflag:s14] =	ssyncadd.s32 $0xFFFFF000  }
0x32: {  	[tilespmem:s15], [sflag:$0x5] =	stream.linear.gather [hbm4b:s0+s4], $0x1000, $0x38;
	[tilespmem:$0x1DC00] =	vst v63  }
0x33: {  	_ =	swait.ge [sflag:s14], $0x1000  }
0x34: {  	s11 =	simm.s32 $0x2000;
	[sflag:s14] =	ssyncset.done $0x0  }
0x35: {  	s12 =	simm.s32 $0x0;
	s25 =	simm.s32 $0x2080;
	[sflag:s14] =	ssyncadd.s32 $0xFFFFF000  }
0x36: {  	[tilespmem:s11], [sflag:$0x1] =	stream.indirect.gather [hbm4b:s5+s16], $0x80, s12, s16, $0xb8;
	[tilespmem:$0x1DC00] =	vst v63  }
0x37: {  	s26 =	simm.s32 $0x1;
	s28 =	simm.s32 $0x2100;
	s31 =	simm.s32 $0x2  }
0x38: {  	[tilespmem:s25], [sflag:$0x1] =	stream.indirect.gather [hbm4b:s5+s16], $0x80, s26, s16, $0xb8;
	[tilespmem:$0x1DC00] =	vst v63  }
0x39: {  	s7 =	simm.s32 $0x2180;
	s9 =	simm.s32 $0x3;
	s29 =	simm.s32 $0x0  }
0x3a: {  	[tilespmem:s28], [sflag:$0x1] =	stream.indirect.gather [hbm4b:s5+s16], $0x80, s31, s16, $0xb8;
	[tilespmem:$0x1DC00] =	vst v63  }
0x3b: {  	s30 =	simm.s32 $0x2600;
	s3 =	simm.s32 $0x2380;
	s0 =	simm.s32 $0xC  }
0x3c: {  	[tilespmem:s7], [sflag:$0x1] =	stream.indirect.gather [hbm4b:s5+s16], $0x80, s9, s16, $0xb8;
	[tilespmem:$0x1DC00] =	vst v63  }
0x3d: {  	s11 =	simm.s32 $0x4;
	s12 =	simm.s32 $0x2200;
	s25 =	simm.s32 $0x2280  }
0x3e: {  	[tilespmem:s12], [sflag:$0x1] =	stream.indirect.gather [hbm4b:s5+s16], $0x80, s11, s16, $0xb8;
	[tilespmem:$0x1DC00] =	vst v63  }
0x3f: {  	s26 =	simm.s32 $0x5;
	s28 =	simm.s32 $0x2300;
	s31 =	simm.s32 $0x6  }
0x40: {  	[tilespmem:s25], [sflag:$0x1] =	stream.indirect.gather [hbm4b:s5+s16], $0x80, s26, s16, $0xb8;
	[tilespmem:$0x1DC00] =	vst v63  }
0x41: {  	s7 =	simm.s32 $0x87;
	s11 =	simm.s32 $0x7;
	s26 =	simm.s32 $0x107  }
0x42: {  	[tilespmem:s28], [sflag:$0x1] =	stream.indirect.gather [hbm4b:s5+s16], $0x80, s31, s16, $0xb8;
	[tilespmem:$0x1DC00] =	vst v63  }
.LBB2_3:
0x43: {  	[tilespmem:s3], [sflag:$0x1] =	stream.indirect.gather [hbm4b:s5+s16], $0x80, s11, s16, $0xb8;
	[tilespmem:$0x1DC00] =	vst v63  }
0x44: {  	s3 =	sadd.s32 $0xFFFFFE00, s30;
	s11 =	sadd.s32 $0xFFFFFFFC, s0;
	s29 =	sadd.s32 $0x8, s29  }
0x45: {  	[tilespmem:s3], [sflag:$0x1] =	stream.indirect.gather [hbm4b:s5+s16], $0x80, s11, s16, $0xb8;
	[tilespmem:$0x1DC00] =	vst v63  }
0x46: {  	p0 =	slt.u32 s29, $0x78;
	s3 =	sadd.s32 $0xFFFFFE80, s30;
	s11 =	sadd.s32 $0xFFFFFFFD, s0  }
0x47: {  	[tilespmem:s3], [sflag:$0x1] =	stream.indirect.gather [hbm4b:s5+s16], $0x80, s11, s16, $0xb8;
	[tilespmem:$0x1DC00] =	vst v63  }
0x48: {  	s25 =	smov.u32 s30;
	s3 =	sadd.s32 $0xFFFFFF00, s30;
	s11 =	sadd.s32 $0xFFFFFFFE, s0  }
0x49: {  	[tilespmem:s3], [sflag:$0x1] =	stream.indirect.gather [hbm4b:s5+s16], $0x80, s11, s16, $0xb8;
	[tilespmem:$0x1DC00] =	vst v63  }
0x4a: {  	s3 =	sadd.s32 $0xFFFFFF80, s30;
	s11 =	sadd.s32 $0xFFFFFFFF, s0  }
0x4b: {  	[tilespmem:s3], [sflag:$0x1] =	stream.indirect.gather [hbm4b:s5+s16], $0x80, s11, s16, $0xb8;
	[tilespmem:$0x1DC00] =	vst v63  }
0x4c: {  	s28 =	simm.s32 $0x0  }
0x4d: {  	[tilespmem:s30], [sflag:$0x1] =	stream.indirect.gather [hbm4b:s5+s16], $0x80, s0, s16, $0xb8;
	[tilespmem:$0x1DC00] =	vst v63  }
.Ltmp4:
0x4e: {  	s3 =	sadd.s32 $0x80, s30;
	s11 =	sadd.s32 $0x1, s0;
	(pc) =	sbr.rel @p0 .LBB2_3-.Ltmp4, $4  }
0x4f: {  	[tilespmem:s3], [sflag:$0x1] =	stream.indirect.gather [hbm4b:s5+s16], $0x80, s11, s16, $0xb8;
	[tilespmem:$0x1DC00] =	vst v63  }
0x50: {  	s30 =	sadd.s32 $0x400, s30;
	s3 =	sadd.s32 $0x100, s25;
	s11 =	sadd.s32 $0x2, s0  }
0x51: {  	[tilespmem:s3], [sflag:$0x1] =	stream.indirect.gather [hbm4b:s5+s16], $0x80, s11, s16, $0xb8;
	[tilespmem:$0x1DC00] =	vst v63  }
0x52: {  	s3 =	sadd.s32 $0x180, s25;
	s11 =	sadd.s32 $0x3, s0;
	s0 =	sadd.s32 $0x8, s0  }
.Ltmp5:
0x53: {  	(pc) =	sbr.rel .LBB2_5-.Ltmp5, $2  }
0x54: {  	_ =	sdelay $0x2  }
0x55: {  	[tilespmem:s3], [sflag:$0x1] =	stream.indirect.gather [hbm4b:s5+s16], $0x80, s11, s16, $0xb8;
	[tilespmem:$0x1DC00] =	vst v63  }
.LBB2_10:
0x56: {  	[tilespmem:s11], [sflag:$0x1] =	stream.indirect.gather [hbm4b:s5+s16], $0x80, s25, s16, $0xb8;
	[tilespmem:$0x1DC00] =	vst v63  }
.LBB2_11:
0x57: {  	s28 =	sadd.s32 $0x1, s28  }
0x58: {  	p0 =	sne.s32 s28, $0x10  }
.Ltmp6:
0x59: {  	_ = 	snop;
	(pc) =	sbr.rel @!p0 .LBB2_12-.Ltmp6, $4  }
0x5a: {  	_ = 	snop  }
0x5b: {  	_ =	swait.ge [sflag:s22], $0x4000  }
0x5c: {  	[sflag:s22] =	ssyncset.done $0x0  }
0x5d: {  	s7 =	sadd.s32 $0x100, s7;
	s26 =	sadd.s32 $0x100, s26;
	[sflag:s22] =	ssyncadd.s32 $0xFFFFC000  }
.LBB2_5:
0x5e: {  	s0 =	simm.s32 $0x6000;
	s3 =	sadd.s32 $0xFFFFFFF9, s7  }
0x5f: {  	[tilespmem:s0], [sflag:$0x2] =	stream.indirect.gather [hbm4b:s5+s16], $0x80, s3, s16, $0xb8;
	[tilespmem:$0x1DC00] =	vst v63  }
0x60: {  	s9 =	simm.s32 $0x6080;
	s11 =	sadd.s32 $0xFFFFFFFA, s7  }
0x61: {  	[tilespmem:s9], [sflag:$0x2] =	stream.indirect.gather [hbm4b:s5+s16], $0x80, s11, s16, $0xb8;
	[tilespmem:$0x1DC00] =	vst v63  }
0x62: {  	s12 =	simm.s32 $0x6100;
	s25 =	sadd.s32 $0xFFFFFFFB, s7  }
0x63: {  	[tilespmem:s12], [sflag:$0x2] =	stream.indirect.gather [hbm4b:s5+s16], $0x80, s25, s16, $0xb8;
	[tilespmem:$0x1DC00] =	vst v63  }
0x64: {  	s30 =	sshll.u32 s28, $0xA;
	s9 =	simm.s32 $0x6180;
	s11 =	sadd.s32 $0xFFFFFFFC, s7  }
0x65: {  	[tilespmem:s9], [sflag:$0x2] =	stream.indirect.gather [hbm4b:s5+s16], $0x80, s11, s16, $0xb8;
	[tilespmem:$0x1DC00] =	vst v63  }
0x66: {  	s31 =	simm.s32 $0x0;
	s12 =	simm.s32 $0x6200;
	s25 =	sadd.s32 $0xFFFFFFFD, s7  }
0x67: {  	[tilespmem:s12], [sflag:$0x2] =	stream.indirect.gather [hbm4b:s5+s16], $0x80, s25, s16, $0xb8;
	[tilespmem:$0x1DC00] =	vst v63  }
0x68: {  	s29 =	sor.u32 $0x200, s30;
	s9 =	simm.s32 $0x6280;
	s11 =	sadd.s32 $0xFFFFFFFE, s7  }
0x69: {  	[tilespmem:s9], [sflag:$0x2] =	stream.indirect.gather [hbm4b:s5+s16], $0x80, s11, s16, $0xb8;
	[tilespmem:$0x1DC00] =	vst v63  }
0x6a: {  	s0 =	sadd.s32 $0x8, s7;
	s12 =	simm.s32 $0x6300;
	s25 =	sadd.s32 $0xFFFFFFFF, s7  }
0x6b: {  	[tilespmem:s12], [sflag:$0x2] =	stream.indirect.gather [hbm4b:s5+s16], $0x80, s25, s16, $0xb8;
	[tilespmem:$0x1DC00] =	vst v63  }
0x6c: {  	s3 =	simm.s32 $0x6780;
	s11 =	simm.s32 $0x6380;
	s25 =	smov.u32 s7  }
.LBB2_6:
0x6d: {  	[tilespmem:s11], [sflag:$0x2] =	stream.indirect.gather [hbm4b:s5+s16], $0x80, s25, s16, $0xb8;
	[tilespmem:$0x1DC00] =	vst v63  }
0x6e: {  	s11 =	sadd.s32 $0xFFFFFC80, s3;
	s25 =	sadd.s32 $0xFFFFFFF9, s0;
	s31 =	sadd.s32 $0x8, s31  }
0x6f: {  	[tilespmem:s11], [sflag:$0x2] =	stream.indirect.gather [hbm4b:s5+s16], $0x80, s25, s16, $0xb8;
	[tilespmem:$0x1DC00] =	vst v63  }
0x70: {  	p0 =	slt.u32 s31, $0x78;
	s11 =	sadd.s32 $0xFFFFFD00, s3;
	s25 =	sadd.s32 $0xFFFFFFFA, s0  }
0x71: {  	[tilespmem:s11], [sflag:$0x2] =	stream.indirect.gather [hbm4b:s5+s16], $0x80, s25, s16, $0xb8;
	[tilespmem:$0x1DC00] =	vst v63  }
0x72: {  	s12 =	sadd.s32 $0xFFFFFFFB, s0;
	s11 =	sadd.s32 $0xFFFFFD80, s3;
	s25 =	smov.u32 s0  }
0x73: {  	[tilespmem:s11], [sflag:$0x2] =	stream.indirect.gather [hbm4b:s5+s16], $0x80, s12, s16, $0xb8;
	[tilespmem:$0x1DC00] =	vst v63  }
0x74: {  	s9 =	sadd.s32 $0xFFFFFFFC, s0;
	s12 =	sadd.s32 $0xFFFFFE00, s3;
	s11 =	smov.u32 s3  }
0x75: {  	[tilespmem:s12], [sflag:$0x2] =	stream.indirect.gather [hbm4b:s5+s16], $0x80, s9, s16, $0xb8;
	[tilespmem:$0x1DC00] =	vst v63  }
0x76: {  	s9 =	sadd.s32 $0xFFFFFE80, s3;
	s12 =	sadd.s32 $0xFFFFFFFD, s0  }
0x77: {  	[tilespmem:s9], [sflag:$0x2] =	stream.indirect.gather [hbm4b:s5+s16], $0x80, s12, s16, $0xb8;
	[tilespmem:$0x1DC00] =	vst v63  }
.Ltmp7:
0x78: {  	s9 =	sadd.s32 $0xFFFFFF00, s3;
	s12 =	sadd.s32 $0xFFFFFFFE, s0;
	(pc) =	sbr.rel @p0 .LBB2_6-.Ltmp7, $4  }
0x79: {  	[tilespmem:s9], [sflag:$0x2] =	stream.indirect.gather [hbm4b:s5+s16], $0x80, s12, s16, $0xb8;
	[tilespmem:$0x1DC00] =	vst v63  }
0x7a: {  	s9 =	sadd.s32 $0xFFFFFF80, s3;
	s12 =	sadd.s32 $0xFFFFFFFF, s0  }
0x7b: {  	[tilespmem:s9], [sflag:$0x2] =	stream.indirect.gather [hbm4b:s5+s16], $0x80, s12, s16, $0xb8;
	[tilespmem:$0x1DC00] =	vst v63  }
0x7c: {  	s0 =	sadd.s32 $0x8, s0;
	s3 =	sadd.s32 $0x400, s3  }
0x7d: {  	[tilespmem:s11], [sflag:$0x2] =	stream.indirect.gather [hbm4b:s5+s16], $0x80, s25, s16, $0xb8;
	[tilespmem:$0x1DC00] =	vst v63  }
0x7e: {  	_ =	swait.ge [sflag:s16], $0x4000  }
0x7f: {  	s0 =	sshra.s32 s30, $0x2;
	[sflag:s16] =	ssyncset.done $0x0  }
0x80: {  	s0 =	sadd.s32 $0x1000, s0;
	[sflag:s16] =	ssyncadd.s32 $0xFFFFC000  }
0x81: {  	[spmem:s2] =	stream.indirect.scatter.add.f32 [tilespmem:s18], [sflag:$0x3], $0x80, s0, s17, $0xb8;
	[tilespmem:$0x1DC00] =	vst v63  }
0x82: {  	_ =	swait.ge [sflag:s19], $0x4000  }
0x83: {  	s31 =	sshra.s32 s29, $0x2;
	p0 =	seq.s32 s28, $0xF;
	[sflag:s19] =	ssyncset.done $0x0  }
.Ltmp8:
0x84: {  	s0 =	sadd.s32 $0x1000, s31;
	[sflag:s19] =	ssyncadd.s32 $0xFFFFC000;
	(pc) =	sbr.rel @p0 .LBB2_11-.Ltmp8, $4  }
0x85: {  	[spmem:s2] =	stream.indirect.scatter.add.f32 [tilespmem:s20], [sflag:$0x4], $0x80, s0, s17, $0xb8;
	[tilespmem:$0x1DC00] =	vst v63  }
0x86: {  	_ =	swait.ge [sflag:s21], $0x4000  }
0x87: {  	[sflag:s21] =	ssyncset.done $0x0  }
0x88: {  	[sflag:s21] =	ssyncadd.s32 $0xFFFFC000  }
0x89: {  	s0 =	simm.s32 $0x2000;
	s3 =	sadd.s32 $0xFFFFFFF9, s26  }
0x8a: {  	[tilespmem:s0], [sflag:$0x1] =	stream.indirect.gather [hbm4b:s5+s16], $0x80, s3, s16, $0xb8;
	[tilespmem:$0x1DC00] =	vst v63  }
0x8b: {  	s9 =	simm.s32 $0x2080;
	s11 =	sadd.s32 $0xFFFFFFFA, s26  }
0x8c: {  	[tilespmem:s9], [sflag:$0x1] =	stream.indirect.gather [hbm4b:s5+s16], $0x80, s11, s16, $0xb8;
	[tilespmem:$0x1DC00] =	vst v63  }
0x8d: {  	s12 =	simm.s32 $0x2100;
	s25 =	sadd.s32 $0xFFFFFFFB, s26;
	s30 =	simm.s32 $0x2180  }
0x8e: {  	[tilespmem:s12], [sflag:$0x1] =	stream.indirect.gather [hbm4b:s5+s16], $0x80, s25, s16, $0xb8;
	[tilespmem:$0x1DC00] =	vst v63  }
0x8f: {  	s31 =	sadd.s32 $0xFFFFFFFC, s26;
	s29 =	simm.s32 $0x0;
	s0 =	sadd.s32 $0x8, s26  }
0x90: {  	[tilespmem:s30], [sflag:$0x1] =	stream.indirect.gather [hbm4b:s5+s16], $0x80, s31, s16, $0xb8;
	[tilespmem:$0x1DC00] =	vst v63  }
0x91: {  	s3 =	simm.s32 $0x2780;
	s9 =	simm.s32 $0x2200;
	s11 =	sadd.s32 $0xFFFFFFFD, s26  }
0x92: {  	[tilespmem:s9], [sflag:$0x1] =	stream.indirect.gather [hbm4b:s5+s16], $0x80, s11, s16, $0xb8;
	[tilespmem:$0x1DC00] =	vst v63  }
0x93: {  	s12 =	simm.s32 $0x2280;
	s25 =	sadd.s32 $0xFFFFFFFE, s26;
	s30 =	simm.s32 $0x2300  }
0x94: {  	[tilespmem:s12], [sflag:$0x1] =	stream.indirect.gather [hbm4b:s5+s16], $0x80, s25, s16, $0xb8;
	[tilespmem:$0x1DC00] =	vst v63  }
0x95: {  	s31 =	sadd.s32 $0xFFFFFFFF, s26;
	s11 =	simm.s32 $0x2380;
	s25 =	smov.u32 s26  }
0x96: {  	[tilespmem:s30], [sflag:$0x1] =	stream.indirect.gather [hbm4b:s5+s16], $0x80, s31, s16, $0xb8;
	[tilespmem:$0x1DC00] =	vst v63  }
.LBB2_9:
0x97: {  	[tilespmem:s11], [sflag:$0x1] =	stream.indirect.gather [hbm4b:s5+s16], $0x80, s25, s16, $0xb8;
	[tilespmem:$0x1DC00] =	vst v63  }
0x98: {  	s9 =	sadd.s32 $0xFFFFFC80, s3;
	s11 =	sadd.s32 $0xFFFFFFF9, s0;
	s29 =	sadd.s32 $0x8, s29  }
0x99: {  	[tilespmem:s9], [sflag:$0x1] =	stream.indirect.gather [hbm4b:s5+s16], $0x80, s11, s16, $0xb8;
	[tilespmem:$0x1DC00] =	vst v63  }
0x9a: {  	p0 =	slt.u32 s29, $0x78;
	s9 =	sadd.s32 $0xFFFFFD00, s3;
	s11 =	sadd.s32 $0xFFFFFFFA, s0  }
0x9b: {  	[tilespmem:s9], [sflag:$0x1] =	stream.indirect.gather [hbm4b:s5+s16], $0x80, s11, s16, $0xb8;
	[tilespmem:$0x1DC00] =	vst v63  }
0x9c: {  	s25 =	smov.u32 s0;
	s9 =	sadd.s32 $0xFFFFFD80, s3;
	s11 =	sadd.s32 $0xFFFFFFFB, s0  }
0x9d: {  	[tilespmem:s9], [sflag:$0x1] =	stream.indirect.gather [hbm4b:s5+s16], $0x80, s11, s16, $0xb8;
	[tilespmem:$0x1DC00] =	vst v63  }
0x9e: {  	s12 =	sadd.s32 $0xFFFFFFFC, s0;
	s9 =	sadd.s32 $0xFFFFFE00, s3;
	s11 =	smov.u32 s3  }
0x9f: {  	[tilespmem:s9], [sflag:$0x1] =	stream.indirect.gather [hbm4b:s5+s16], $0x80, s12, s16, $0xb8;
	[tilespmem:$0x1DC00] =	vst v63  }
0xa0: {  	s9 =	sadd.s32 $0xFFFFFE80, s3;
	s12 =	sadd.s32 $0xFFFFFFFD, s0  }
0xa1: {  	[tilespmem:s9], [sflag:$0x1] =	stream.indirect.gather [hbm4b:s5+s16], $0x80, s12, s16, $0xb8;
	[tilespmem:$0x1DC00] =	vst v63  }
.Ltmp9:
0xa2: {  	s9 =	sadd.s32 $0xFFFFFF00, s3;
	s12 =	sadd.s32 $0xFFFFFFFE, s0;
	(pc) =	sbr.rel @p0 .LBB2_9-.Ltmp9, $4  }
0xa3: {  	[tilespmem:s9], [sflag:$0x1] =	stream.indirect.gather [hbm4b:s5+s16], $0x80, s12, s16, $0xb8;
	[tilespmem:$0x1DC00] =	vst v63  }
0xa4: {  	s9 =	sadd.s32 $0xFFFFFF80, s3;
	s12 =	sadd.s32 $0xFFFFFFFF, s0  }
0xa5: {  	[tilespmem:s9], [sflag:$0x1] =	stream.indirect.gather [hbm4b:s5+s16], $0x80, s12, s16, $0xb8;
	[tilespmem:$0x1DC00] =	vst v63  }
0xa6: {  	s0 =	sadd.s32 $0x8, s0;
	s3 =	sadd.s32 $0x400, s3  }
.Ltmp10:
0xa7: {  	_ = 	snop;
	(pc) =	sbr.rel .LBB2_10-.Ltmp10, $1  }
0xa8: {  	_ =	sdelay $0x3  }
.LBB2_14:
0xa9: {  	_ =	sfence.sel $0x180000  }
0xaa: {  	[bflag:$0x0] =	sbarrier.arrive $0xFFFF  }
0xab: {  	_ =	strace $0x90000047  }
0xac: {  	s0 =	stileid.u32;
	[bflag:$0x2] =	sbarrier.arrive $0xFFFF  }
0xad: {  	p0 =	sne.s32 s0, $0x0;
	s0 =	rddreg [dreg:$0x4]  }
0xae: {  	s0 =	sadd.s32 @!p0 $0x100000, s0  }
0xaf: {  	[sflag:s0] =	ssyncadd.tile.s32 @!p0 $0x1;
	_ =	shalt  }
.Lfunc_end2:
_tile_overlayer_lowered:
.L_overlay_start_2:
0xb0: {  	(tag) =	ssettag $0x2  }
0xb1: {  	s0 =	rddreg [dreg:$0x0];
	s2 =	stileid.u32  }
0xb2: {  	s1 =	rddreg [dreg:$0x1];
	p0 =	sne.s32 s2, $0x0  }
0xb3: {  	s3 =	rddreg [dreg:$0x2];
	[bflag:$0x3] =	sbarrier.arrive $0xFFFF;
	s2 =	simm.s32 @!p0 $0x1C05  }
0xb4: {  	[timem:s3], [sflag:s2] =	dma.local @!p0 [hbm:s0], s1  }
0xb5: {  	s0 =	simm.s32 @!p0 $0x5  }
0xb6: {  	_ =	swait.ge @!p0 [sflag:s0], s1  }
0xb7: {  	s1 =	ssub.s32 @!p0 $0x0, s1;
	[sflag:s0] =	ssyncset.done @!p0 $0x0  }
0xb8: {  	[sflag:s0] =	ssyncadd.s32 @!p0 s1  }
0xb9: {  	[bflag:$0x3] =	sbarrier.arrive $0xFFFF  }
0xba: {  	_ =	shalt  }

</sc_bundles>
